<compile_context>
chip_gen: v7x
topology: tpu7x:2x2x1
jax: 0.10.2.dev20260603
libtpu: 0.0.44.dev20260713+nightly
codegen_flags: <defaults>
</compile_context>

<pallas_src>
import functools

import jax
import jax.numpy as jnp
from jax import lax
from jax.experimental import pallas as pl
from jax.experimental.pallas import tpu as pltpu
from jax.experimental.pallas import tpu_sc as plsc

N_NODES = 10000
D = 128
N_EDGES = 320000
NC = 2
NS = 16
NW = NC * NS
EPW = N_EDGES // NW
CHUNK = 100
NCHUNK = EPW // CHUNK
SB = 25
NSB = NCHUNK // SB
N_PAD = 10240
ROWS_PT = N_PAD // NS


def _sc_aggregate(x, src_r, dst_r):
    mesh = plsc.VectorSubcoreMesh(core_axis_name="c", subcore_axis_name="s")

    @functools.partial(
        pl.kernel,
        out_type=jax.ShapeDtypeStruct((NC, N_PAD, D), jnp.float32),
        mesh=mesh,
        scratch_types=[
            pltpu.VMEM((SB, CHUNK), jnp.int32),
            pltpu.VMEM((SB, CHUNK), jnp.int32),
            pltpu.VMEM((3, CHUNK, D), jnp.float32),
            pltpu.VMEM_SHARED((N_PAD, D), jnp.float32),
            pltpu.SemaphoreType.DMA,
            pltpu.SemaphoreType.DMA,
            pltpu.SemaphoreType.DMA,
        ],
    )
    def agg_kernel(x_hbm, src_hbm, dst_hbm, out_hbm,
                   src_v, dst_v, rows_v, acc, s0, s1, s2):
        sems = (s0, s1, s2)
        c = lax.axis_index("c")
        s = lax.axis_index("s")
        wid = s * NC + c
        r0 = s * ROWS_PT

        def zbody(i, carry):
            for jj in range(8):
                rows_v[0, i, pl.ds(jj * 16, 16)] = jnp.zeros((16,),
                                                             jnp.float32)
            return carry

        lax.fori_loop(0, CHUNK, zbody, 0)
        for t in range(ROWS_PT // CHUNK):
            pltpu.sync_copy(rows_v.at[0],
                            acc.at[pl.ds(r0 + t * CHUNK, CHUNK)])
        pltpu.sync_copy(rows_v.at[0, pl.ds(0, ROWS_PT % CHUNK)],
                        acc.at[pl.ds(r0 + (ROWS_PT // CHUNK) * CHUNK,
                                     ROWS_PT % CHUNK)])
        plsc.subcore_barrier()

        def g_wait(k):
            pltpu.make_async_copy(x_hbm.at[src_v.at[0]], rows_v.at[k],
                                  sems[k]).wait()

        def s_wait(k):
            pltpu.make_async_copy(rows_v.at[k], acc.at[dst_v.at[0]],
                                  sems[k]).wait()

        def window(nch):
            pltpu.async_copy(x_hbm.at[src_v.at[0]], rows_v.at[0], sems[0])
            pltpu.async_copy(x_hbm.at[src_v.at[1]], rows_v.at[1], sems[1])

            def body(g, carry):
                j0 = 3 * g
                for k in range(3):
                    j = j0 + k
                    g_wait(k)
                    pltpu.async_copy(rows_v.at[k], acc.at[dst_v.at[j]],
                                     sems[k], add=True)
                    k2 = (k + 2) % 3

                    @pl.when(j + 2 < nch)
                    def _():
                        @pl.when(j >= 1)
                        def _():
                            s_wait(k2)

                        pltpu.async_copy(x_hbm.at[src_v.at[j + 2]],
                                         rows_v.at[k2], sems[k2])

                return carry

            lax.fori_loop(0, nch // 3, body, 0)
            for t in range(nch % 3):
                j = (nch // 3) * 3 + t
                g_wait(j % 3)
                pltpu.async_copy(rows_v.at[j % 3], acc.at[dst_v.at[j]],
                                 sems[j % 3], add=True)
            for t in range(3):
                s_wait((nch - 3 + t) % 3)

        for sb in range(NSB):
            pltpu.sync_copy(src_hbm.at[wid, sb], src_v)
            pltpu.sync_copy(dst_hbm.at[wid, sb], dst_v)
            window(SB)

        plsc.subcore_barrier()
        pltpu.sync_copy(acc.at[pl.ds(r0, ROWS_PT)],
                        out_hbm.at[c, pl.ds(r0, ROWS_PT)])

    return agg_kernel(x, src_r, dst_r)


def _tc_linear_relu(p, W, b2):
    BM = 1000

    def body(p_ref, w_ref, b_ref, o_ref):
        a = p_ref[0] + p_ref[1]
        y = lax.dot_general(a, w_ref[...], (((1,), (1,)), ((), ())),
                            preferred_element_type=jnp.float32)
        o_ref[...] = jnp.maximum(y + b_ref[...], 0.0)

    return pl.pallas_call(
        body,
        grid=(N_NODES // BM,),
        in_specs=[
            pl.BlockSpec((NC, BM, D), lambda i: (0, i, 0)),
            pl.BlockSpec((D, D), lambda i: (0, 0)),
            pl.BlockSpec((1, D), lambda i: (0, 0)),
        ],
        out_specs=pl.BlockSpec((BM, D), lambda i: (i, 0)),
        out_shape=jax.ShapeDtypeStruct((N_NODES, D), jnp.float32),
    )(p, W, b2)


def kernel(x, edge_index, W, b):
    src = edge_index[0].astype(jnp.int32).reshape(NW, NSB, SB, CHUNK)
    dst = edge_index[1].astype(jnp.int32).reshape(NW, NSB, SB, CHUNK)
    p = _sc_aggregate(x, src, dst)
    return _tc_linear_relu(p, W, b.reshape(1, D))

# --- scband reference (transcript-rebuilt; emitter-appended) ---
"""Pipeline reference for scband-gcnlayer-61418032333373 (READ-ONLY COPY).

The authoritative reference and input builder live on the scoring server;
editing this copy changes nothing except your own understanding.
"""

import jax, jax.numpy as jnp
import numpy as np

N_NODES = 10000
N_EDGES = 320000
D_IN = 128
D_OUT = 128


def setup_inputs(seed: int = 0) -> dict:
    key = jax.random.key(seed)
    k1, k2, k3, k4 = jax.random.split(key, 4)
    x = jax.random.normal(k1, (N_NODES, D_IN), dtype=jnp.float32)
    edge_index = jax.random.randint(k2, (2, N_EDGES), 0, N_NODES)
    # Learned params of nn.Linear(in_feats, out_feats): weight [out, in], bias [out]
    bound = 1.0 / np.sqrt(D_IN)
    W = jax.random.uniform(k3, (D_OUT, D_IN), dtype=jnp.float32, minval=-bound, maxval=bound)
    b = jax.random.uniform(k4, (D_OUT,), dtype=jnp.float32, minval=-bound, maxval=bound)
    return {"x": x, "edge_index": edge_index, "W": W, "b": b}


def reference(x, edge_index, W, b):
    # DGL semantics: msg = copy_src('h'); reduce = sum -> h_agg[v] = sum_{(u,v) in E} x[u]
    src = edge_index[0]
    dst = edge_index[1]
    msgs = jnp.take(x, src, axis=0)                      # gather src features [E, D_IN]
    agg = jax.ops.segment_sum(msgs, dst, num_segments=N_NODES)  # scatter-add to dst [N, D_IN]
    # apply_nodes: h = relu(Linear(h))
    out = jax.nn.relu(agg @ W.T + b)
    return out

if __name__ == "__main__":
    import jax
    _d = setup_inputs()
    print(jax.jit(kernel)(*tuple(_d.values())))

</pallas_src>

<mosaic_0001>
#map = affine_map<(d0, d1) -> (0, 0)>
#map1 = affine_map<(d0, d1) -> (0, 0, 0, 0)>
#map2 = affine_map<(d0, d1) -> (0, 0, 0)>
module attributes {stable_mosaic.version = 14 : i64} {
  func.func @agg_kernel(%arg0: i32, %arg1: i32, %arg2: memref<10000x128xf32, #tpu.memory_space<hbm>>, %arg3: memref<32x4x25x100xi32, #tpu.memory_space<hbm>>, %arg4: memref<32x4x25x100xi32, #tpu.memory_space<hbm>>, %arg5: memref<2x10240x128xf32, #tpu.memory_space<hbm>>, %arg6: memref<25x100xi32, #tpu.memory_space<vmem>>, %arg7: memref<25x100xi32, #tpu.memory_space<vmem>>, %arg8: memref<3x100x128xf32, #tpu.memory_space<vmem>>, %arg9: memref<10240x128xf32, #tpu.memory_space<vmem_shared>>, %arg10: memref<!tpu.dma_semaphore, #tpu.memory_space<semaphore_mem>>, %arg11: memref<!tpu.dma_semaphore, #tpu.memory_space<semaphore_mem>>, %arg12: memref<!tpu.dma_semaphore, #tpu.memory_space<semaphore_mem>>) attributes {dimension_semantics = [#tpu.dimension_semantics<core_parallel>, #tpu.dimension_semantics<subcore_parallel>], iteration_bounds = array<i64: 2, 16>, scalar_prefetch = 0 : i64, scratch_operands = 7 : i64, tpu.core_type = #tpu.core_type<sc_vector_subcore>, window_params = [{transform_indices = #map}, {transform_indices = #map1}, {transform_indices = #map1}, {transform_indices = #map2}]} {
    %mul3A = arith.constant 2 : i32
    %mul3A_0 = arith.muli %arg1, %mul3A : i32
    %add3A = arith.addi %mul3A_0, %arg0 : i32
    %mul3A_1 = arith.constant 640 : i32
    %mul3A_2 = arith.muli %arg1, %mul3A_1 : i32
    %scan3A = arith.constant 0 : i32
    %scan3A_3 = arith.constant 0 : i32
    %scan3A_4 = arith.constant 100 : i32
    %scan3A_5 = arith.addi %scan3A_3, %scan3A_4 : i32
    %scan3A_6 = arith.constant 1 : i32
    scf.for %scan3A_395 = %scan3A_3 to %scan3A_5 step %scan3A_6  : i32 {
      %broadcast_in_dim3A = arith.constant 0.000000e+00 : f32
      %broadcast_in_dim3A_396 = vector.broadcast %broadcast_in_dim3A : f32 to vector<16xf32>
      %swap3A = arith.constant 0 : i32
      %swap3A_397 = arith.index_cast %swap3A : i32 to index
      %swap3A_398 = arith.index_cast %scan3A_395 : i32 to index
      %swap3A_399 = arith.constant 0 : index
      %swap3A_400 = tpu.vector_load %arg8[%swap3A_397, %swap3A_398, %swap3A_399] {strides = array<i32>} : memref<3x100x128xf32, #tpu.memory_space<vmem>>, vector<1x1x16xf32>,
      %swap3A_401 = vector.shape_cast %swap3A_400 : vector<1x1x16xf32> to vector<16xf32>
      %swap3A_402 = vector.shape_cast %broadcast_in_dim3A_396 : vector<16xf32> to vector<1x1x16xf32>
      tpu.vector_store %arg8[%swap3A_397, %swap3A_398, %swap3A_399], %swap3A_402 {strides = array<i32>} : memref<3x100x128xf32, #tpu.memory_space<vmem>>, vector<1x1x16xf32>,
      %broadcast_in_dim3A_403 = arith.constant 0.000000e+00 : f32
      %broadcast_in_dim3A_404 = vector.broadcast %broadcast_in_dim3A_403 : f32 to vector<16xf32>
      %swap3A_405 = arith.constant 0 : i32
      %swap3A_406 = arith.index_cast %swap3A_405 : i32 to index
      %swap3A_407 = arith.index_cast %scan3A_395 : i32 to index
      %swap3A_408 = arith.constant 16 : index
      %swap3A_409 = tpu.vector_load %arg8[%swap3A_406, %swap3A_407, %swap3A_408] {strides = array<i32>} : memref<3x100x128xf32, #tpu.memory_space<vmem>>, vector<1x1x16xf32>,
      %swap3A_410 = vector.shape_cast %swap3A_409 : vector<1x1x16xf32> to vector<16xf32>
      %swap3A_411 = vector.shape_cast %broadcast_in_dim3A_404 : vector<16xf32> to vector<1x1x16xf32>
      tpu.vector_store %arg8[%swap3A_406, %swap3A_407, %swap3A_408], %swap3A_411 {strides = array<i32>} : memref<3x100x128xf32, #tpu.memory_space<vmem>>, vector<1x1x16xf32>,
      %broadcast_in_dim3A_412 = arith.constant 0.000000e+00 : f32
      %broadcast_in_dim3A_413 = vector.broadcast %broadcast_in_dim3A_412 : f32 to vector<16xf32>
      %swap3A_414 = arith.constant 0 : i32
      %swap3A_415 = arith.index_cast %swap3A_414 : i32 to index
      %swap3A_416 = arith.index_cast %scan3A_395 : i32 to index
      %swap3A_417 = arith.constant 32 : index
      %swap3A_418 = tpu.vector_load %arg8[%swap3A_415, %swap3A_416, %swap3A_417] {strides = array<i32>} : memref<3x100x128xf32, #tpu.memory_space<vmem>>, vector<1x1x16xf32>,
      %swap3A_419 = vector.shape_cast %swap3A_418 : vector<1x1x16xf32> to vector<16xf32>
      %swap3A_420 = vector.shape_cast %broadcast_in_dim3A_413 : vector<16xf32> to vector<1x1x16xf32>
      tpu.vector_store %arg8[%swap3A_415, %swap3A_416, %swap3A_417], %swap3A_420 {strides = array<i32>} : memref<3x100x128xf32, #tpu.memory_space<vmem>>, vector<1x1x16xf32>,
      %broadcast_in_dim3A_421 = arith.constant 0.000000e+00 : f32
      %broadcast_in_dim3A_422 = vector.broadcast %broadcast_in_dim3A_421 : f32 to vector<16xf32>
      %swap3A_423 = arith.constant 0 : i32
      %swap3A_424 = arith.index_cast %swap3A_423 : i32 to index
      %swap3A_425 = arith.index_cast %scan3A_395 : i32 to index
      %swap3A_426 = arith.constant 48 : index
      %swap3A_427 = tpu.vector_load %arg8[%swap3A_424, %swap3A_425, %swap3A_426] {strides = array<i32>} : memref<3x100x128xf32, #tpu.memory_space<vmem>>, vector<1x1x16xf32>,
      %swap3A_428 = vector.shape_cast %swap3A_427 : vector<1x1x16xf32> to vector<16xf32>
      %swap3A_429 = vector.shape_cast %broadcast_in_dim3A_422 : vector<16xf32> to vector<1x1x16xf32>
      tpu.vector_store %arg8[%swap3A_424, %swap3A_425, %swap3A_426], %swap3A_429 {strides = array<i32>} : memref<3x100x128xf32, #tpu.memory_space<vmem>>, vector<1x1x16xf32>,
      %broadcast_in_dim3A_430 = arith.constant 0.000000e+00 : f32
      %broadcast_in_dim3A_431 = vector.broadcast %broadcast_in_dim3A_430 : f32 to vector<16xf32>
      %swap3A_432 = arith.constant 0 : i32
      %swap3A_433 = arith.index_cast %swap3A_432 : i32 to index
      %swap3A_434 = arith.index_cast %scan3A_395 : i32 to index
      %swap3A_435 = arith.constant 64 : index
      %swap3A_436 = tpu.vector_load %arg8[%swap3A_433, %swap3A_434, %swap3A_435] {strides = array<i32>} : memref<3x100x128xf32, #tpu.memory_space<vmem>>, vector<1x1x16xf32>,
      %swap3A_437 = vector.shape_cast %swap3A_436 : vector<1x1x16xf32> to vector<16xf32>
      %swap3A_438 = vector.shape_cast %broadcast_in_dim3A_431 : vector<16xf32> to vector<1x1x16xf32>
      tpu.vector_store %arg8[%swap3A_433, %swap3A_434, %swap3A_435], %swap3A_438 {strides = array<i32>} : memref<3x100x128xf32, #tpu.memory_space<vmem>>, vector<1x1x16xf32>,
      %broadcast_in_dim3A_439 = arith.constant 0.000000e+00 : f32
      %broadcast_in_dim3A_440 = vector.broadcast %broadcast_in_dim3A_439 : f32 to vector<16xf32>
      %swap3A_441 = arith.constant 0 : i32
      %swap3A_442 = arith.index_cast %swap3A_441 : i32 to index
      %swap3A_443 = arith.index_cast %scan3A_395 : i32 to index
      %swap3A_444 = arith.constant 80 : index
      %swap3A_445 = tpu.vector_load %arg8[%swap3A_442, %swap3A_443, %swap3A_444] {strides = array<i32>} : memref<3x100x128xf32, #tpu.memory_space<vmem>>, vector<1x1x16xf32>,
      %swap3A_446 = vector.shape_cast %swap3A_445 : vector<1x1x16xf32> to vector<16xf32>
      %swap3A_447 = vector.shape_cast %broadcast_in_dim3A_440 : vector<16xf32> to vector<1x1x16xf32>
      tpu.vector_store %arg8[%swap3A_442, %swap3A_443, %swap3A_444], %swap3A_447 {strides = array<i32>} : memref<3x100x128xf32, #tpu.memory_space<vmem>>, vector<1x1x16xf32>,
      %broadcast_in_dim3A_448 = arith.constant 0.000000e+00 : f32
      %broadcast_in_dim3A_449 = vector.broadcast %broadcast_in_dim3A_448 : f32 to vector<16xf32>
      %swap3A_450 = arith.constant 0 : i32
      %swap3A_451 = arith.index_cast %swap3A_450 : i32 to index
      %swap3A_452 = arith.index_cast %scan3A_395 : i32 to index
      %swap3A_453 = arith.constant 96 : index
      %swap3A_454 = tpu.vector_load %arg8[%swap3A_451, %swap3A_452, %swap3A_453] {strides = array<i32>} : memref<3x100x128xf32, #tpu.memory_space<vmem>>, vector<1x1x16xf32>,
      %swap3A_455 = vector.shape_cast %swap3A_454 : vector<1x1x16xf32> to vector<16xf32>
      %swap3A_456 = vector.shape_cast %broadcast_in_dim3A_449 : vector<16xf32> to vector<1x1x16xf32>
      tpu.vector_store %arg8[%swap3A_451, %swap3A_452, %swap3A_453], %swap3A_456 {strides = array<i32>} : memref<3x100x128xf32, #tpu.memory_space<vmem>>, vector<1x1x16xf32>,
      %broadcast_in_dim3A_457 = arith.constant 0.000000e+00 : f32
      %broadcast_in_dim3A_458 = vector.broadcast %broadcast_in_dim3A_457 : f32 to vector<16xf32>
      %swap3A_459 = arith.constant 0 : i32
      %swap3A_460 = arith.index_cast %swap3A_459 : i32 to index
      %swap3A_461 = arith.index_cast %scan3A_395 : i32 to index
      %swap3A_462 = arith.constant 112 : index
      %swap3A_463 = tpu.vector_load %arg8[%swap3A_460, %swap3A_461, %swap3A_462] {strides = array<i32>} : memref<3x100x128xf32, #tpu.memory_space<vmem>>, vector<1x1x16xf32>,
      %swap3A_464 = vector.shape_cast %swap3A_463 : vector<1x1x16xf32> to vector<16xf32>
      %swap3A_465 = vector.shape_cast %broadcast_in_dim3A_458 : vector<16xf32> to vector<1x1x16xf32>
      tpu.vector_store %arg8[%swap3A_460, %swap3A_461, %swap3A_462], %swap3A_465 {strides = array<i32>} : memref<3x100x128xf32, #tpu.memory_space<vmem>>, vector<1x1x16xf32>,
    }
    %scan3A_7 = arith.constant 100 : i32
    %add3A_8 = arith.constant 0 : i32
    %add3A_9 = arith.addi %mul3A_2, %add3A_8 : i32
    %run_scoped3A = arith.constant 0 : i32
    "tpu.region"() ({
      %run_scoped3A_395 = tpu.sem_alloc : memref<!tpu.dma_semaphore, #tpu.memory_space<semaphore_mem>>
      %dma_start3A_396 = arith.constant 0 : i32
      %dma_start3A_397 = arith.constant 0 : i32
      %dma_start3A_398 = tpu.memref_slice %arg8[%run_scoped3A, %dma_start3A_396, %dma_start3A_397] : memref<3x100x128xf32, #tpu.memory_space<vmem>> -> memref<1x100x128xf32, #tpu.memory_space<vmem>>
      %dma_start3A_399 = tpu.memref_squeeze %dma_start3A_398 : memref<1x100x128xf32, #tpu.memory_space<vmem>> -> memref<100x128xf32, #tpu.memory_space<vmem>>
      %dma_start3A_400 = arith.constant 0 : i32
      %dma_start3A_401 = tpu.memref_slice %arg9[%add3A_9, %dma_start3A_400] : memref<10240x128xf32, #tpu.memory_space<vmem_shared>> -> memref<100x128xf32, #tpu.memory_space<vmem_shared>>
      %dma_start3A_402 = arith.constant 0 : i32
      %dma_start3A_403 = tpu.memref_slice %arg9[%add3A_9, %dma_start3A_402] : memref<10240x128xf32, #tpu.memory_space<vmem_shared>> -> memref<100x128xf32, #tpu.memory_space<vmem_shared>>
      %dma_start3A_404 = arith.constant 0 : i32
      %dma_start3A_405 = arith.constant 0 : i32
      %dma_start3A_406 = tpu.memref_slice %arg8[%run_scoped3A, %dma_start3A_404, %dma_start3A_405] : memref<3x100x128xf32, #tpu.memory_space<vmem>> -> memref<1x100x128xf32, #tpu.memory_space<vmem>>
      %dma_start3A_407 = tpu.memref_squeeze %dma_start3A_406 : memref<1x100x128xf32, #tpu.memory_space<vmem>> -> memref<100x128xf32, #tpu.memory_space<vmem>>
      tpu.enqueue_dma source(%dma_start3A_407 : memref<100x128xf32, #tpu.memory_space<vmem>>) target(%dma_start3A_403 : memref<100x128xf32, #tpu.memory_space<vmem_shared>>) target_semaphore(%run_scoped3A_395 : memref<!tpu.dma_semaphore, #tpu.memory_space<semaphore_mem>>)
      %dma_wait3A_408 = arith.constant 0 : i32
      %dma_wait3A_409 = arith.constant 0 : i32
      %dma_wait3A_410 = tpu.memref_slice %arg8[%run_scoped3A, %dma_wait3A_408, %dma_wait3A_409] : memref<3x100x128xf32, #tpu.memory_space<vmem>> -> memref<1x100x128xf32, #tpu.memory_space<vmem>>
      %dma_wait3A_411 = tpu.memref_squeeze %dma_wait3A_410 : memref<1x100x128xf32, #tpu.memory_space<vmem>> -> memref<100x128xf32, #tpu.memory_space<vmem>>
      %dma_wait3A_412 = arith.constant 0 : i32
      %dma_wait3A_413 = tpu.memref_slice %arg9[%add3A_9, %dma_wait3A_412] : memref<10240x128xf32, #tpu.memory_space<vmem_shared>> -> memref<100x128xf32, #tpu.memory_space<vmem_shared>>
      %dma_wait3A_414 = arith.constant 0 : i32
      %dma_wait3A_415 = tpu.memref_slice %arg9[%add3A_9, %dma_wait3A_414] : memref<10240x128xf32, #tpu.memory_space<vmem_shared>> -> memref<100x128xf32, #tpu.memory_space<vmem_shared>>
      %dma_wait3A_416 = arith.constant 0 : i32
      %dma_wait3A_417 = arith.constant 0 : i32
      %dma_wait3A_418 = tpu.memref_slice %arg8[%run_scoped3A, %dma_wait3A_416, %dma_wait3A_417] : memref<3x100x128xf32, #tpu.memory_space<vmem>> -> memref<1x100x128xf32, #tpu.memory_space<vmem>>
      %dma_wait3A_419 = tpu.memref_squeeze %dma_wait3A_418 : memref<1x100x128xf32, #tpu.memory_space<vmem>> -> memref<100x128xf32, #tpu.memory_space<vmem>>
      tpu.wait_dma2 semaphore(%run_scoped3A_395 : memref<!tpu.dma_semaphore, #tpu.memory_space<semaphore_mem>>) src(%dma_wait3A_419 : memref<100x128xf32, #tpu.memory_space<vmem>>) dst(%dma_wait3A_415 : memref<100x128xf32, #tpu.memory_space<vmem_shared>>)
      tpu.yield
    }) : () -> ()
    %add3A_10 = arith.constant 100 : i32
    %add3A_11 = arith.addi %mul3A_2, %add3A_10 : i32
    %run_scoped3A_12 = arith.constant 0 : i32
    "tpu.region"() ({
      %run_scoped3A_395 = tpu.sem_alloc : memref<!tpu.dma_semaphore, #tpu.memory_space<semaphore_mem>>
      %dma_start3A_396 = arith.constant 0 : i32
      %dma_start3A_397 = arith.constant 0 : i32
      %dma_start3A_398 = tpu.memref_slice %arg8[%run_scoped3A_12, %dma_start3A_396, %dma_start3A_397] : memref<3x100x128xf32, #tpu.memory_space<vmem>> -> memref<1x100x128xf32, #tpu.memory_space<vmem>>
      %dma_start3A_399 = tpu.memref_squeeze %dma_start3A_398 : memref<1x100x128xf32, #tpu.memory_space<vmem>> -> memref<100x128xf32, #tpu.memory_space<vmem>>
      %dma_start3A_400 = arith.constant 0 : i32
      %dma_start3A_401 = tpu.memref_slice %arg9[%add3A_11, %dma_start3A_400] : memref<10240x128xf32, #tpu.memory_space<vmem_shared>> -> memref<100x128xf32, #tpu.memory_space<vmem_shared>>
      %dma_start3A_402 = arith.constant 0 : i32
      %dma_start3A_403 = tpu.memref_slice %arg9[%add3A_11, %dma_start3A_402] : memref<10240x128xf32, #tpu.memory_space<vmem_shared>> -> memref<100x128xf32, #tpu.memory_space<vmem_shared>>
      %dma_start3A_404 = arith.constant 0 : i32
      %dma_start3A_405 = arith.constant 0 : i32
      %dma_start3A_406 = tpu.memref_slice %arg8[%run_scoped3A_12, %dma_start3A_404, %dma_start3A_405] : memref<3x100x128xf32, #tpu.memory_space<vmem>> -> memref<1x100x128xf32, #tpu.memory_space<vmem>>
      %dma_start3A_407 = tpu.memref_squeeze %dma_start3A_406 : memref<1x100x128xf32, #tpu.memory_space<vmem>> -> memref<100x128xf32, #tpu.memory_space<vmem>>
      tpu.enqueue_dma source(%dma_start3A_407 : memref<100x128xf32, #tpu.memory_space<vmem>>) target(%dma_start3A_403 : memref<100x128xf32, #tpu.memory_space<vmem_shared>>) target_semaphore(%run_scoped3A_395 : memref<!tpu.dma_semaphore, #tpu.memory_space<semaphore_mem>>)
      %dma_wait3A_408 = arith.constant 0 : i32
      %dma_wait3A_409 = arith.constant 0 : i32
      %dma_wait3A_410 = tpu.memref_slice %arg8[%run_scoped3A_12, %dma_wait3A_408, %dma_wait3A_409] : memref<3x100x128xf32, #tpu.memory_space<vmem>> -> memref<1x100x128xf32, #tpu.memory_space<vmem>>
      %dma_wait3A_411 = tpu.memref_squeeze %dma_wait3A_410 : memref<1x100x128xf32, #tpu.memory_space<vmem>> -> memref<100x128xf32, #tpu.memory_space<vmem>>
      %dma_wait3A_412 = arith.constant 0 : i32
      %dma_wait3A_413 = tpu.memref_slice %arg9[%add3A_11, %dma_wait3A_412] : memref<10240x128xf32, #tpu.memory_space<vmem_shared>> -> memref<100x128xf32, #tpu.memory_space<vmem_shared>>
      %dma_wait3A_414 = arith.constant 0 : i32
      %dma_wait3A_415 = tpu.memref_slice %arg9[%add3A_11, %dma_wait3A_414] : memref<10240x128xf32, #tpu.memory_space<vmem_shared>> -> memref<100x128xf32, #tpu.memory_space<vmem_shared>>
      %dma_wait3A_416 = arith.constant 0 : i32
      %dma_wait3A_417 = arith.constant 0 : i32
      %dma_wait3A_418 = tpu.memref_slice %arg8[%run_scoped3A_12, %dma_wait3A_416, %dma_wait3A_417] : memref<3x100x128xf32, #tpu.memory_space<vmem>> -> memref<1x100x128xf32, #tpu.memory_space<vmem>>
      %dma_wait3A_419 = tpu.memref_squeeze %dma_wait3A_418 : memref<1x100x128xf32, #tpu.memory_space<vmem>> -> memref<100x128xf32, #tpu.memory_space<vmem>>
      tpu.wait_dma2 semaphore(%run_scoped3A_395 : memref<!tpu.dma_semaphore, #tpu.memory_space<semaphore_mem>>) src(%dma_wait3A_419 : memref<100x128xf32, #tpu.memory_space<vmem>>) dst(%dma_wait3A_415 : memref<100x128xf32, #tpu.memory_space<vmem_shared>>)
      tpu.yield
    }) : () -> ()
    %add3A_13 = arith.constant 200 : i32
    %add3A_14 = arith.addi %mul3A_2, %add3A_13 : i32
    %run_scoped3A_15 = arith.constant 0 : i32
    "tpu.region"() ({
      %run_scoped3A_395 = tpu.sem_alloc : memref<!tpu.dma_semaphore, #tpu.memory_space<semaphore_mem>>
      %dma_start3A_396 = arith.constant 0 : i32
      %dma_start3A_397 = arith.constant 0 : i32
      %dma_start3A_398 = tpu.memref_slice %arg8[%run_scoped3A_15, %dma_start3A_396, %dma_start3A_397] : memref<3x100x128xf32, #tpu.memory_space<vmem>> -> memref<1x100x128xf32, #tpu.memory_space<vmem>>
      %dma_start3A_399 = tpu.memref_squeeze %dma_start3A_398 : memref<1x100x128xf32, #tpu.memory_space<vmem>> -> memref<100x128xf32, #tpu.memory_space<vmem>>
      %dma_start3A_400 = arith.constant 0 : i32
      %dma_start3A_401 = tpu.memref_slice %arg9[%add3A_14, %dma_start3A_400] : memref<10240x128xf32, #tpu.memory_space<vmem_shared>> -> memref<100x128xf32, #tpu.memory_space<vmem_shared>>
      %dma_start3A_402 = arith.constant 0 : i32
      %dma_start3A_403 = tpu.memref_slice %arg9[%add3A_14, %dma_start3A_402] : memref<10240x128xf32, #tpu.memory_space<vmem_shared>> -> memref<100x128xf32, #tpu.memory_space<vmem_shared>>
      %dma_start3A_404 = arith.constant 0 : i32
      %dma_start3A_405 = arith.constant 0 : i32
      %dma_start3A_406 = tpu.memref_slice %arg8[%run_scoped3A_15, %dma_start3A_404, %dma_start3A_405] : memref<3x100x128xf32, #tpu.memory_space<vmem>> -> memref<1x100x128xf32, #tpu.memory_space<vmem>>
      %dma_start3A_407 = tpu.memref_squeeze %dma_start3A_406 : memref<1x100x128xf32, #tpu.memory_space<vmem>> -> memref<100x128xf32, #tpu.memory_space<vmem>>
      tpu.enqueue_dma source(%dma_start3A_407 : memref<100x128xf32, #tpu.memory_space<vmem>>) target(%dma_start3A_403 : memref<100x128xf32, #tpu.memory_space<vmem_shared>>) target_semaphore(%run_scoped3A_395 : memref<!tpu.dma_semaphore, #tpu.memory_space<semaphore_mem>>)
      %dma_wait3A_408 = arith.constant 0 : i32
      %dma_wait3A_409 = arith.constant 0 : i32
      %dma_wait3A_410 = tpu.memref_slice %arg8[%run_scoped3A_15, %dma_wait3A_408, %dma_wait3A_409] : memref<3x100x128xf32, #tpu.memory_space<vmem>> -> memref<1x100x128xf32, #tpu.memory_space<vmem>>
      %dma_wait3A_411 = tpu.memref_squeeze %dma_wait3A_410 : memref<1x100x128xf32, #tpu.memory_space<vmem>> -> memref<100x128xf32, #tpu.memory_space<vmem>>
      %dma_wait3A_412 = arith.constant 0 : i32
      %dma_wait3A_413 = tpu.memref_slice %arg9[%add3A_14, %dma_wait3A_412] : memref<10240x128xf32, #tpu.memory_space<vmem_shared>> -> memref<100x128xf32, #tpu.memory_space<vmem_shared>>
      %dma_wait3A_414 = arith.constant 0 : i32
      %dma_wait3A_415 = tpu.memref_slice %arg9[%add3A_14, %dma_wait3A_414] : memref<10240x128xf32, #tpu.memory_space<vmem_shared>> -> memref<100x128xf32, #tpu.memory_space<vmem_shared>>
      %dma_wait3A_416 = arith.constant 0 : i32
      %dma_wait3A_417 = arith.constant 0 : i32
      %dma_wait3A_418 = tpu.memref_slice %arg8[%run_scoped3A_15, %dma_wait3A_416, %dma_wait3A_417] : memref<3x100x128xf32, #tpu.memory_space<vmem>> -> memref<1x100x128xf32, #tpu.memory_space<vmem>>
      %dma_wait3A_419 = tpu.memref_squeeze %dma_wait3A_418 : memref<1x100x128xf32, #tpu.memory_space<vmem>> -> memref<100x128xf32, #tpu.memory_space<vmem>>
      tpu.wait_dma2 semaphore(%run_scoped3A_395 : memref<!tpu.dma_semaphore, #tpu.memory_space<semaphore_mem>>) src(%dma_wait3A_419 : memref<100x128xf32, #tpu.memory_space<vmem>>) dst(%dma_wait3A_415 : memref<100x128xf32, #tpu.memory_space<vmem_shared>>)
      tpu.yield
    }) : () -> ()
    %add3A_16 = arith.constant 300 : i32
    %add3A_17 = arith.addi %mul3A_2, %add3A_16 : i32
    %run_scoped3A_18 = arith.constant 0 : i32
    "tpu.region"() ({
      %run_scoped3A_395 = tpu.sem_alloc : memref<!tpu.dma_semaphore, #tpu.memory_space<semaphore_mem>>
      %dma_start3A_396 = arith.constant 0 : i32
      %dma_start3A_397 = arith.constant 0 : i32
      %dma_start3A_398 = tpu.memref_slice %arg8[%run_scoped3A_18, %dma_start3A_396, %dma_start3A_397] : memref<3x100x128xf32, #tpu.memory_space<vmem>> -> memref<1x100x128xf32, #tpu.memory_space<vmem>>
      %dma_start3A_399 = tpu.memref_squeeze %dma_start3A_398 : memref<1x100x128xf32, #tpu.memory_space<vmem>> -> memref<100x128xf32, #tpu.memory_space<vmem>>
      %dma_start3A_400 = arith.constant 0 : i32
      %dma_start3A_401 = tpu.memref_slice %arg9[%add3A_17, %dma_start3A_400] : memref<10240x128xf32, #tpu.memory_space<vmem_shared>> -> memref<100x128xf32, #tpu.memory_space<vmem_shared>>
      %dma_start3A_402 = arith.constant 0 : i32
      %dma_start3A_403 = tpu.memref_slice %arg9[%add3A_17, %dma_start3A_402] : memref<10240x128xf32, #tpu.memory_space<vmem_shared>> -> memref<100x128xf32, #tpu.memory_space<vmem_shared>>
      %dma_start3A_404 = arith.constant 0 : i32
      %dma_start3A_405 = arith.constant 0 : i32
      %dma_start3A_406 = tpu.memref_slice %arg8[%run_scoped3A_18, %dma_start3A_404, %dma_start3A_405] : memref<3x100x128xf32, #tpu.memory_space<vmem>> -> memref<1x100x128xf32, #tpu.memory_space<vmem>>
      %dma_start3A_407 = tpu.memref_squeeze %dma_start3A_406 : memref<1x100x128xf32, #tpu.memory_space<vmem>> -> memref<100x128xf32, #tpu.memory_space<vmem>>
      tpu.enqueue_dma source(%dma_start3A_407 : memref<100x128xf32, #tpu.memory_space<vmem>>) target(%dma_start3A_403 : memref<100x128xf32, #tpu.memory_space<vmem_shared>>) target_semaphore(%run_scoped3A_395 : memref<!tpu.dma_semaphore, #tpu.memory_space<semaphore_mem>>)
      %dma_wait3A_408 = arith.constant 0 : i32
      %dma_wait3A_409 = arith.constant 0 : i32
      %dma_wait3A_410 = tpu.memref_slice %arg8[%run_scoped3A_18, %dma_wait3A_408, %dma_wait3A_409] : memref<3x100x128xf32, #tpu.memory_space<vmem>> -> memref<1x100x128xf32, #tpu.memory_space<vmem>>
      %dma_wait3A_411 = tpu.memref_squeeze %dma_wait3A_410 : memref<1x100x128xf32, #tpu.memory_space<vmem>> -> memref<100x128xf32, #tpu.memory_space<vmem>>
      %dma_wait3A_412 = arith.constant 0 : i32
      %dma_wait3A_413 = tpu.memref_slice %arg9[%add3A_17, %dma_wait3A_412] : memref<10240x128xf32, #tpu.memory_space<vmem_shared>> -> memref<100x128xf32, #tpu.memory_space<vmem_shared>>
      %dma_wait3A_414 = arith.constant 0 : i32
      %dma_wait3A_415 = tpu.memref_slice %arg9[%add3A_17, %dma_wait3A_414] : memref<10240x128xf32, #tpu.memory_space<vmem_shared>> -> memref<100x128xf32, #tpu.memory_space<vmem_shared>>
      %dma_wait3A_416 = arith.constant 0 : i32
      %dma_wait3A_417 = arith.constant 0 : i32
      %dma_wait3A_418 = tpu.memref_slice %arg8[%run_scoped3A_18, %dma_wait3A_416, %dma_wait3A_417] : memref<3x100x128xf32, #tpu.memory_space<vmem>> -> memref<1x100x128xf32, #tpu.memory_space<vmem>>
      %dma_wait3A_419 = tpu.memref_squeeze %dma_wait3A_418 : memref<1x100x128xf32, #tpu.memory_space<vmem>> -> memref<100x128xf32, #tpu.memory_space<vmem>>
      tpu.wait_dma2 semaphore(%run_scoped3A_395 : memref<!tpu.dma_semaphore, #tpu.memory_space<semaphore_mem>>) src(%dma_wait3A_419 : memref<100x128xf32, #tpu.memory_space<vmem>>) dst(%dma_wait3A_415 : memref<100x128xf32, #tpu.memory_space<vmem_shared>>)
      tpu.yield
    }) : () -> ()
    %add3A_19 = arith.constant 400 : i32
    %add3A_20 = arith.addi %mul3A_2, %add3A_19 : i32
    %run_scoped3A_21 = arith.constant 0 : i32
    "tpu.region"() ({
      %run_scoped3A_395 = tpu.sem_alloc : memref<!tpu.dma_semaphore, #tpu.memory_space<semaphore_mem>>
      %dma_start3A_396 = arith.constant 0 : i32
      %dma_start3A_397 = arith.constant 0 : i32
      %dma_start3A_398 = tpu.memref_slice %arg8[%run_scoped3A_21, %dma_start3A_396, %dma_start3A_397] : memref<3x100x128xf32, #tpu.memory_space<vmem>> -> memref<1x100x128xf32, #tpu.memory_space<vmem>>
      %dma_start3A_399 = tpu.memref_squeeze %dma_start3A_398 : memref<1x100x128xf32, #tpu.memory_space<vmem>> -> memref<100x128xf32, #tpu.memory_space<vmem>>
      %dma_start3A_400 = arith.constant 0 : i32
      %dma_start3A_401 = tpu.memref_slice %arg9[%add3A_20, %dma_start3A_400] : memref<10240x128xf32, #tpu.memory_space<vmem_shared>> -> memref<100x128xf32, #tpu.memory_space<vmem_shared>>
      %dma_start3A_402 = arith.constant 0 : i32
      %dma_start3A_403 = tpu.memref_slice %arg9[%add3A_20, %dma_start3A_402] : memref<10240x128xf32, #tpu.memory_space<vmem_shared>> -> memref<100x128xf32, #tpu.memory_space<vmem_shared>>
      %dma_start3A_404 = arith.constant 0 : i32
      %dma_start3A_405 = arith.constant 0 : i32
      %dma_start3A_406 = tpu.memref_slice %arg8[%run_scoped3A_21, %dma_start3A_404, %dma_start3A_405] : memref<3x100x128xf32, #tpu.memory_space<vmem>> -> memref<1x100x128xf32, #tpu.memory_space<vmem>>
      %dma_start3A_407 = tpu.memref_squeeze %dma_start3A_406 : memref<1x100x128xf32, #tpu.memory_space<vmem>> -> memref<100x128xf32, #tpu.memory_space<vmem>>
      tpu.enqueue_dma source(%dma_start3A_407 : memref<100x128xf32, #tpu.memory_space<vmem>>) target(%dma_start3A_403 : memref<100x128xf32, #tpu.memory_space<vmem_shared>>) target_semaphore(%run_scoped3A_395 : memref<!tpu.dma_semaphore, #tpu.memory_space<semaphore_mem>>)
      %dma_wait3A_408 = arith.constant 0 : i32
      %dma_wait3A_409 = arith.constant 0 : i32
      %dma_wait3A_410 = tpu.memref_slice %arg8[%run_scoped3A_21, %dma_wait3A_408, %dma_wait3A_409] : memref<3x100x128xf32, #tpu.memory_space<vmem>> -> memref<1x100x128xf32, #tpu.memory_space<vmem>>
      %dma_wait3A_411 = tpu.memref_squeeze %dma_wait3A_410 : memref<1x100x128xf32, #tpu.memory_space<vmem>> -> memref<100x128xf32, #tpu.memory_space<vmem>>
      %dma_wait3A_412 = arith.constant 0 : i32
      %dma_wait3A_413 = tpu.memref_slice %arg9[%add3A_20, %dma_wait3A_412] : memref<10240x128xf32, #tpu.memory_space<vmem_shared>> -> memref<100x128xf32, #tpu.memory_space<vmem_shared>>
      %dma_wait3A_414 = arith.constant 0 : i32
      %dma_wait3A_415 = tpu.memref_slice %arg9[%add3A_20, %dma_wait3A_414] : memref<10240x128xf32, #tpu.memory_space<vmem_shared>> -> memref<100x128xf32, #tpu.memory_space<vmem_shared>>
      %dma_wait3A_416 = arith.constant 0 : i32
      %dma_wait3A_417 = arith.constant 0 : i32
      %dma_wait3A_418 = tpu.memref_slice %arg8[%run_scoped3A_21, %dma_wait3A_416, %dma_wait3A_417] : memref<3x100x128xf32, #tpu.memory_space<vmem>> -> memref<1x100x128xf32, #tpu.memory_space<vmem>>
      %dma_wait3A_419 = tpu.memref_squeeze %dma_wait3A_418 : memref<1x100x128xf32, #tpu.memory_space<vmem>> -> memref<100x128xf32, #tpu.memory_space<vmem>>
      tpu.wait_dma2 semaphore(%run_scoped3A_395 : memref<!tpu.dma_semaphore, #tpu.memory_space<semaphore_mem>>) src(%dma_wait3A_419 : memref<100x128xf32, #tpu.memory_space<vmem>>) dst(%dma_wait3A_415 : memref<100x128xf32, #tpu.memory_space<vmem_shared>>)
      tpu.yield
    }) : () -> ()
    %add3A_22 = arith.constant 500 : i32
    %add3A_23 = arith.addi %mul3A_2, %add3A_22 : i32
    %run_scoped3A_24 = arith.constant 0 : i32
    "tpu.region"() ({
      %run_scoped3A_395 = tpu.sem_alloc : memref<!tpu.dma_semaphore, #tpu.memory_space<semaphore_mem>>
      %dma_start3A_396 = arith.constant 0 : i32
      %dma_start3A_397 = arith.constant 0 : i32
      %dma_start3A_398 = tpu.memref_slice %arg8[%run_scoped3A_24, %dma_start3A_396, %dma_start3A_397] : memref<3x100x128xf32, #tpu.memory_space<vmem>> -> memref<1x100x128xf32, #tpu.memory_space<vmem>>
      %dma_start3A_399 = tpu.memref_squeeze %dma_start3A_398 : memref<1x100x128xf32, #tpu.memory_space<vmem>> -> memref<100x128xf32, #tpu.memory_space<vmem>>
      %dma_start3A_400 = arith.constant 0 : i32
      %dma_start3A_401 = tpu.memref_slice %arg9[%add3A_23, %dma_start3A_400] : memref<10240x128xf32, #tpu.memory_space<vmem_shared>> -> memref<100x128xf32, #tpu.memory_space<vmem_shared>>
      %dma_start3A_402 = arith.constant 0 : i32
      %dma_start3A_403 = tpu.memref_slice %arg9[%add3A_23, %dma_start3A_402] : memref<10240x128xf32, #tpu.memory_space<vmem_shared>> -> memref<100x128xf32, #tpu.memory_space<vmem_shared>>
      %dma_start3A_404 = arith.constant 0 : i32
      %dma_start3A_405 = arith.constant 0 : i32
      %dma_start3A_406 = tpu.memref_slice %arg8[%run_scoped3A_24, %dma_start3A_404, %dma_start3A_405] : memref<3x100x128xf32, #tpu.memory_space<vmem>> -> memref<1x100x128xf32, #tpu.memory_space<vmem>>
      %dma_start3A_407 = tpu.memref_squeeze %dma_start3A_406 : memref<1x100x128xf32, #tpu.memory_space<vmem>> -> memref<100x128xf32, #tpu.memory_space<vmem>>
      tpu.enqueue_dma source(%dma_start3A_407 : memref<100x128xf32, #tpu.memory_space<vmem>>) target(%dma_start3A_403 : memref<100x128xf32, #tpu.memory_space<vmem_shared>>) target_semaphore(%run_scoped3A_395 : memref<!tpu.dma_semaphore, #tpu.memory_space<semaphore_mem>>)
      %dma_wait3A_408 = arith.constant 0 : i32
      %dma_wait3A_409 = arith.constant 0 : i32
      %dma_wait3A_410 = tpu.memref_slice %arg8[%run_scoped3A_24, %dma_wait3A_408, %dma_wait3A_409] : memref<3x100x128xf32, #tpu.memory_space<vmem>> -> memref<1x100x128xf32, #tpu.memory_space<vmem>>
      %dma_wait3A_411 = tpu.memref_squeeze %dma_wait3A_410 : memref<1x100x128xf32, #tpu.memory_space<vmem>> -> memref<100x128xf32, #tpu.memory_space<vmem>>
      %dma_wait3A_412 = arith.constant 0 : i32
      %dma_wait3A_413 = tpu.memref_slice %arg9[%add3A_23, %dma_wait3A_412] : memref<10240x128xf32, #tpu.memory_space<vmem_shared>> -> memref<100x128xf32, #tpu.memory_space<vmem_shared>>
      %dma_wait3A_414 = arith.constant 0 : i32
      %dma_wait3A_415 = tpu.memref_slice %arg9[%add3A_23, %dma_wait3A_414] : memref<10240x128xf32, #tpu.memory_space<vmem_shared>> -> memref<100x128xf32, #tpu.memory_space<vmem_shared>>
      %dma_wait3A_416 = arith.constant 0 : i32
      %dma_wait3A_417 = arith.constant 0 : i32
      %dma_wait3A_418 = tpu.memref_slice %arg8[%run_scoped3A_24, %dma_wait3A_416, %dma_wait3A_417] : memref<3x100x128xf32, #tpu.memory_space<vmem>> -> memref<1x100x128xf32, #tpu.memory_space<vmem>>
      %dma_wait3A_419 = tpu.memref_squeeze %dma_wait3A_418 : memref<1x100x128xf32, #tpu.memory_space<vmem>> -> memref<100x128xf32, #tpu.memory_space<vmem>>
      tpu.wait_dma2 semaphore(%run_scoped3A_395 : memref<!tpu.dma_semaphore, #tpu.memory_space<semaphore_mem>>) src(%dma_wait3A_419 : memref<100x128xf32, #tpu.memory_space<vmem>>) dst(%dma_wait3A_415 : memref<100x128xf32, #tpu.memory_space<vmem_shared>>)
      tpu.yield
    }) : () -> ()
    %add3A_25 = arith.constant 600 : i32
    %add3A_26 = arith.addi %mul3A_2, %add3A_25 : i32
    %run_scoped3A_27 = arith.constant 0 : i32
    "tpu.region"() ({
      %run_scoped3A_395 = tpu.sem_alloc : memref<!tpu.dma_semaphore, #tpu.memory_space<semaphore_mem>>
      %dma_start3A_396 = arith.constant 0 : i32
      %dma_start3A_397 = arith.constant 0 : i32
      %dma_start3A_398 = tpu.memref_slice %arg8[%run_scoped3A_27, %dma_start3A_396, %dma_start3A_397] : memref<3x100x128xf32, #tpu.memory_space<vmem>> -> memref<1x40x128xf32, #tpu.memory_space<vmem>>
      %dma_start3A_399 = tpu.memref_squeeze %dma_start3A_398 : memref<1x40x128xf32, #tpu.memory_space<vmem>> -> memref<40x128xf32, #tpu.memory_space<vmem>>
      %dma_start3A_400 = arith.constant 0 : i32
      %dma_start3A_401 = tpu.memref_slice %arg9[%add3A_26, %dma_start3A_400] : memref<10240x128xf32, #tpu.memory_space<vmem_shared>> -> memref<40x128xf32, #tpu.memory_space<vmem_shared>>
      %dma_start3A_402 = arith.constant 0 : i32
      %dma_start3A_403 = tpu.memref_slice %arg9[%add3A_26, %dma_start3A_402] : memref<10240x128xf32, #tpu.memory_space<vmem_shared>> -> memref<40x128xf32, #tpu.memory_space<vmem_shared>>
      %dma_start3A_404 = arith.constant 0 : i32
      %dma_start3A_405 = arith.constant 0 : i32
      %dma_start3A_406 = tpu.memref_slice %arg8[%run_scoped3A_27, %dma_start3A_404, %dma_start3A_405] : memref<3x100x128xf32, #tpu.memory_space<vmem>> -> memref<1x40x128xf32, #tpu.memory_space<vmem>>
      %dma_start3A_407 = tpu.memref_squeeze %dma_start3A_406 : memref<1x40x128xf32, #tpu.memory_space<vmem>> -> memref<40x128xf32, #tpu.memory_space<vmem>>
      tpu.enqueue_dma source(%dma_start3A_407 : memref<40x128xf32, #tpu.memory_space<vmem>>) target(%dma_start3A_403 : memref<40x128xf32, #tpu.memory_space<vmem_shared>>) target_semaphore(%run_scoped3A_395 : memref<!tpu.dma_semaphore, #tpu.memory_space<semaphore_mem>>)
      %dma_wait3A_408 = arith.constant 0 : i32
      %dma_wait3A_409 = arith.constant 0 : i32
      %dma_wait3A_410 = tpu.memref_slice %arg8[%run_scoped3A_27, %dma_wait3A_408, %dma_wait3A_409] : memref<3x100x128xf32, #tpu.memory_space<vmem>> -> memref<1x40x128xf32, #tpu.memory_space<vmem>>
      %dma_wait3A_411 = tpu.memref_squeeze %dma_wait3A_410 : memref<1x40x128xf32, #tpu.memory_space<vmem>> -> memref<40x128xf32, #tpu.memory_space<vmem>>
      %dma_wait3A_412 = arith.constant 0 : i32
      %dma_wait3A_413 = tpu.memref_slice %arg9[%add3A_26, %dma_wait3A_412] : memref<10240x128xf32, #tpu.memory_space<vmem_shared>> -> memref<40x128xf32, #tpu.memory_space<vmem_shared>>
      %dma_wait3A_414 = arith.constant 0 : i32
      %dma_wait3A_415 = tpu.memref_slice %arg9[%add3A_26, %dma_wait3A_414] : memref<10240x128xf32, #tpu.memory_space<vmem_shared>> -> memref<40x128xf32, #tpu.memory_space<vmem_shared>>
      %dma_wait3A_416 = arith.constant 0 : i32
      %dma_wait3A_417 = arith.constant 0 : i32
      %dma_wait3A_418 = tpu.memref_slice %arg8[%run_scoped3A_27, %dma_wait3A_416, %dma_wait3A_417] : memref<3x100x128xf32, #tpu.memory_space<vmem>> -> memref<1x40x128xf32, #tpu.memory_space<vmem>>
      %dma_wait3A_419 = tpu.memref_squeeze %dma_wait3A_418 : memref<1x40x128xf32, #tpu.memory_space<vmem>> -> memref<40x128xf32, #tpu.memory_space<vmem>>
      tpu.wait_dma2 semaphore(%run_scoped3A_395 : memref<!tpu.dma_semaphore, #tpu.memory_space<semaphore_mem>>) src(%dma_wait3A_419 : memref<40x128xf32, #tpu.memory_space<vmem>>) dst(%dma_wait3A_415 : memref<40x128xf32, #tpu.memory_space<vmem_shared>>)
      tpu.yield
    }) : () -> ()
    %barrier3A = arith.constant 0 : index
    tpu.barrier barrier_id(%barrier3A)
    %run_scoped3A_28 = arith.constant 0 : i32
    "tpu.region"() ({
      %run_scoped3A_395 = tpu.sem_alloc : memref<!tpu.dma_semaphore, #tpu.memory_space<semaphore_mem>>
      %dma_start3A_396 = arith.constant 0 : i32
      %dma_start3A_397 = arith.constant 0 : i32
      %dma_start3A_398 = tpu.memref_slice %arg3[%add3A, %run_scoped3A_28, %dma_start3A_396, %dma_start3A_397] : memref<32x4x25x100xi32, #tpu.memory_space<hbm>> -> memref<1x1x25x100xi32, #tpu.memory_space<hbm>>
      %dma_start3A_399 = tpu.memref_squeeze %dma_start3A_398 : memref<1x1x25x100xi32, #tpu.memory_space<hbm>> -> memref<25x100xi32, #tpu.memory_space<hbm>>
      %dma_start3A_400 = arith.constant 0 : i32
      %dma_start3A_401 = arith.constant 0 : i32
      %dma_start3A_402 = tpu.memref_slice %arg3[%add3A, %run_scoped3A_28, %dma_start3A_400, %dma_start3A_401] : memref<32x4x25x100xi32, #tpu.memory_space<hbm>> -> memref<1x1x25x100xi32, #tpu.memory_space<hbm>>
      %dma_start3A_403 = tpu.memref_squeeze %dma_start3A_402 : memref<1x1x25x100xi32, #tpu.memory_space<hbm>> -> memref<25x100xi32, #tpu.memory_space<hbm>>
      tpu.enqueue_dma source(%dma_start3A_403 : memref<25x100xi32, #tpu.memory_space<hbm>>) target(%arg6 : memref<25x100xi32, #tpu.memory_space<vmem>>) target_semaphore(%run_scoped3A_395 : memref<!tpu.dma_semaphore, #tpu.memory_space<semaphore_mem>>)
      %dma_wait3A_404 = arith.constant 0 : i32
      %dma_wait3A_405 = arith.constant 0 : i32
      %dma_wait3A_406 = tpu.memref_slice %arg3[%add3A, %run_scoped3A_28, %dma_wait3A_404, %dma_wait3A_405] : memref<32x4x25x100xi32, #tpu.memory_space<hbm>> -> memref<1x1x25x100xi32, #tpu.memory_space<hbm>>
      %dma_wait3A_407 = tpu.memref_squeeze %dma_wait3A_406 : memref<1x1x25x100xi32, #tpu.memory_space<hbm>> -> memref<25x100xi32, #tpu.memory_space<hbm>>
      %dma_wait3A_408 = arith.constant 0 : i32
      %dma_wait3A_409 = arith.constant 0 : i32
      %dma_wait3A_410 = tpu.memref_slice %arg3[%add3A, %run_scoped3A_28, %dma_wait3A_408, %dma_wait3A_409] : memref<32x4x25x100xi32, #tpu.memory_space<hbm>> -> memref<1x1x25x100xi32, #tpu.memory_space<hbm>>
      %dma_wait3A_411 = tpu.memref_squeeze %dma_wait3A_410 : memref<1x1x25x100xi32, #tpu.memory_space<hbm>> -> memref<25x100xi32, #tpu.memory_space<hbm>>
      tpu.wait_dma2 semaphore(%run_scoped3A_395 : memref<!tpu.dma_semaphore, #tpu.memory_space<semaphore_mem>>) src(%dma_wait3A_411 : memref<25x100xi32, #tpu.memory_space<hbm>>) dst(%arg6 : memref<25x100xi32, #tpu.memory_space<vmem>>)
      tpu.yield
    }) : () -> ()
    %run_scoped3A_29 = arith.constant 0 : i32
    "tpu.region"() ({
      %run_scoped3A_395 = tpu.sem_alloc : memref<!tpu.dma_semaphore, #tpu.memory_space<semaphore_mem>>
      %dma_start3A_396 = arith.constant 0 : i32
      %dma_start3A_397 = arith.constant 0 : i32
      %dma_start3A_398 = tpu.memref_slice %arg4[%add3A, %run_scoped3A_29, %dma_start3A_396, %dma_start3A_397] : memref<32x4x25x100xi32, #tpu.memory_space<hbm>> -> memref<1x1x25x100xi32, #tpu.memory_space<hbm>>
      %dma_start3A_399 = tpu.memref_squeeze %dma_start3A_398 : memref<1x1x25x100xi32, #tpu.memory_space<hbm>> -> memref<25x100xi32, #tpu.memory_space<hbm>>
      %dma_start3A_400 = arith.constant 0 : i32
      %dma_start3A_401 = arith.constant 0 : i32
      %dma_start3A_402 = tpu.memref_slice %arg4[%add3A, %run_scoped3A_29, %dma_start3A_400, %dma_start3A_401] : memref<32x4x25x100xi32, #tpu.memory_space<hbm>> -> memref<1x1x25x100xi32, #tpu.memory_space<hbm>>
      %dma_start3A_403 = tpu.memref_squeeze %dma_start3A_402 : memref<1x1x25x100xi32, #tpu.memory_space<hbm>> -> memref<25x100xi32, #tpu.memory_space<hbm>>
      tpu.enqueue_dma source(%dma_start3A_403 : memref<25x100xi32, #tpu.memory_space<hbm>>) target(%arg7 : memref<25x100xi32, #tpu.memory_space<vmem>>) target_semaphore(%run_scoped3A_395 : memref<!tpu.dma_semaphore, #tpu.memory_space<semaphore_mem>>)
      %dma_wait3A_404 = arith.constant 0 : i32
      %dma_wait3A_405 = arith.constant 0 : i32
      %dma_wait3A_406 = tpu.memref_slice %arg4[%add3A, %run_scoped3A_29, %dma_wait3A_404, %dma_wait3A_405] : memref<32x4x25x100xi32, #tpu.memory_space<hbm>> -> memref<1x1x25x100xi32, #tpu.memory_space<hbm>>
      %dma_wait3A_407 = tpu.memref_squeeze %dma_wait3A_406 : memref<1x1x25x100xi32, #tpu.memory_space<hbm>> -> memref<25x100xi32, #tpu.memory_space<hbm>>
      %dma_wait3A_408 = arith.constant 0 : i32
      %dma_wait3A_409 = arith.constant 0 : i32
      %dma_wait3A_410 = tpu.memref_slice %arg4[%add3A, %run_scoped3A_29, %dma_wait3A_408, %dma_wait3A_409] : memref<32x4x25x100xi32, #tpu.memory_space<hbm>> -> memref<1x1x25x100xi32, #tpu.memory_space<hbm>>
      %dma_wait3A_411 = tpu.memref_squeeze %dma_wait3A_410 : memref<1x1x25x100xi32, #tpu.memory_space<hbm>> -> memref<25x100xi32, #tpu.memory_space<hbm>>
      tpu.wait_dma2 semaphore(%run_scoped3A_395 : memref<!tpu.dma_semaphore, #tpu.memory_space<semaphore_mem>>) src(%dma_wait3A_411 : memref<25x100xi32, #tpu.memory_space<hbm>>) dst(%arg7 : memref<25x100xi32, #tpu.memory_space<vmem>>)
      tpu.yield
    }) : () -> ()
    %dma_start3A = arith.constant 0 : i32
    %dma_start3A_30 = arith.constant 0 : i32
    %dma_start3A_31 = arith.constant 0 : i32
    %dma_start3A_32 = arith.constant 0 : i32
    %dma_start3A_33 = tpu.memref_slice %arg8[%dma_start3A_30, %dma_start3A_31, %dma_start3A_32] : memref<3x100x128xf32, #tpu.memory_space<vmem>> -> memref<1x100x128xf32, #tpu.memory_space<vmem>>
    %dma_start3A_34 = tpu.memref_squeeze %dma_start3A_33 : memref<1x100x128xf32, #tpu.memory_space<vmem>> -> memref<100x128xf32, #tpu.memory_space<vmem>>
    %dma_start3A_35 = arith.constant 0 : i32
    %dma_start3A_36 = tpu.memref_slice %arg6[%dma_start3A, %dma_start3A_35] : memref<25x100xi32, #tpu.memory_space<vmem>> -> memref<1x100xi32, #tpu.memory_space<vmem>>
    %dma_start3A_37 = tpu.memref_squeeze %dma_start3A_36 : memref<1x100xi32, #tpu.memory_space<vmem>> -> memref<100xi32, #tpu.memory_space<vmem>>
    %dma_start3A_38 = arith.constant 0 : i32
    %dma_start3A_39 = arith.constant 0 : i32
    %dma_start3A_40 = tpu.memref_slice %arg2[%dma_start3A_38, %dma_start3A_39] : memref<10000x128xf32, #tpu.memory_space<hbm>> -> memref<10000x128xf32, #tpu.memory_space<hbm>>
    tpu.enqueue_indirect_dma source(%dma_start3A_40 : memref<10000x128xf32, #tpu.memory_space<hbm>>) target(%dma_start3A_34 : memref<100x128xf32, #tpu.memory_space<vmem>>) offsets(%dma_start3A_37 : memref<100xi32, #tpu.memory_space<vmem>>) semaphore(%arg10 : memref<!tpu.dma_semaphore, #tpu.memory_space<semaphore_mem>>)
    %dma_start3A_41 = arith.constant 1 : i32
    %dma_start3A_42 = arith.constant 1 : i32
    %dma_start3A_43 = arith.constant 0 : i32
    %dma_start3A_44 = arith.constant 0 : i32
    %dma_start3A_45 = tpu.memref_slice %arg8[%dma_start3A_42, %dma_start3A_43, %dma_start3A_44] : memref<3x100x128xf32, #tpu.memory_space<vmem>> -> memref<1x100x128xf32, #tpu.memory_space<vmem>>
    %dma_start3A_46 = tpu.memref_squeeze %dma_start3A_45 : memref<1x100x128xf32, #tpu.memory_space<vmem>> -> memref<100x128xf32, #tpu.memory_space<vmem>>
    %dma_start3A_47 = arith.constant 0 : i32
    %dma_start3A_48 = tpu.memref_slice %arg6[%dma_start3A_41, %dma_start3A_47] : memref<25x100xi32, #tpu.memory_space<vmem>> -> memref<1x100xi32, #tpu.memory_space<vmem>>
    %dma_start3A_49 = tpu.memref_squeeze %dma_start3A_48 : memref<1x100xi32, #tpu.memory_space<vmem>> -> memref<100xi32, #tpu.memory_space<vmem>>
    %dma_start3A_50 = arith.constant 0 : i32
    %dma_start3A_51 = arith.constant 0 : i32
    %dma_start3A_52 = tpu.memref_slice %arg2[%dma_start3A_50, %dma_start3A_51] : memref<10000x128xf32, #tpu.memory_space<hbm>> -> memref<10000x128xf32, #tpu.memory_space<hbm>>
    tpu.enqueue_indirect_dma source(%dma_start3A_52 : memref<10000x128xf32, #tpu.memory_space<hbm>>) target(%dma_start3A_46 : memref<100x128xf32, #tpu.memory_space<vmem>>) offsets(%dma_start3A_49 : memref<100xi32, #tpu.memory_space<vmem>>) semaphore(%arg11 : memref<!tpu.dma_semaphore, #tpu.memory_space<semaphore_mem>>)
    %scan3A_53 = arith.constant 0 : i32
    %scan3A_54 = arith.constant 0 : i32
    %scan3A_55 = arith.constant 8 : i32
    %scan3A_56 = arith.addi %scan3A_54, %scan3A_55 : i32
    %scan3A_57 = arith.constant 1 : i32
    scf.for %scan3A_395 = %scan3A_54 to %scan3A_56 step %scan3A_57  : i32 {
      %mul3A_396 = arith.constant 3 : i32
      %mul3A_397 = arith.muli %mul3A_396, %scan3A_395 : i32
      %add3A_398 = arith.constant 0 : i32
      %add3A_399 = arith.addi %mul3A_397, %add3A_398 : i32
      %dma_wait3A_400 = arith.constant 0 : i32
      %dma_wait3A_401 = arith.constant 0 : i32
      %dma_wait3A_402 = arith.constant 0 : i32
      %dma_wait3A_403 = arith.constant 0 : i32
      %dma_wait3A_404 = tpu.memref_slice %arg8[%dma_wait3A_401, %dma_wait3A_402, %dma_wait3A_403] : memref<3x100x128xf32, #tpu.memory_space<vmem>> -> memref<1x100x128xf32, #tpu.memory_space<vmem>>
      %dma_wait3A_405 = tpu.memref_squeeze %dma_wait3A_404 : memref<1x100x128xf32, #tpu.memory_space<vmem>> -> memref<100x128xf32, #tpu.memory_space<vmem>>
      %dma_wait3A_406 = arith.constant 0 : i32
      %dma_wait3A_407 = tpu.memref_slice %arg6[%dma_wait3A_400, %dma_wait3A_406] : memref<25x100xi32, #tpu.memory_space<vmem>> -> memref<1x100xi32, #tpu.memory_space<vmem>>
      %dma_wait3A_408 = tpu.memref_squeeze %dma_wait3A_407 : memref<1x100xi32, #tpu.memory_space<vmem>> -> memref<100xi32, #tpu.memory_space<vmem>>
      %dma_wait3A_409 = arith.constant 0 : i32
      %dma_wait3A_410 = arith.constant 0 : i32
      %dma_wait3A_411 = tpu.memref_slice %arg2[%dma_wait3A_409, %dma_wait3A_410] : memref<10000x128xf32, #tpu.memory_space<hbm>> -> memref<10000x128xf32, #tpu.memory_space<hbm>>
      tpu.wait_indirect_dma semaphore(%arg10 : memref<!tpu.dma_semaphore, #tpu.memory_space<semaphore_mem>>) src(%dma_wait3A_411 : memref<10000x128xf32, #tpu.memory_space<hbm>>) dst(%dma_wait3A_405 : memref<100x128xf32, #tpu.memory_space<vmem>>)
      %dma_start3A_412 = arith.constant 0 : i32
      %dma_start3A_413 = arith.constant 0 : i32
      %dma_start3A_414 = arith.constant 0 : i32
      %dma_start3A_415 = tpu.memref_slice %arg8[%dma_start3A_412, %dma_start3A_413, %dma_start3A_414] : memref<3x100x128xf32, #tpu.memory_space<vmem>> -> memref<1x100x128xf32, #tpu.memory_space<vmem>>
      %dma_start3A_416 = tpu.memref_squeeze %dma_start3A_415 : memref<1x100x128xf32, #tpu.memory_space<vmem>> -> memref<100x128xf32, #tpu.memory_space<vmem>>
      %dma_start3A_417 = arith.constant 0 : i32
      %dma_start3A_418 = tpu.memref_slice %arg7[%add3A_399, %dma_start3A_417] : memref<25x100xi32, #tpu.memory_space<vmem>> -> memref<1x100xi32, #tpu.memory_space<vmem>>
      %dma_start3A_419 = tpu.memref_squeeze %dma_start3A_418 : memref<1x100xi32, #tpu.memory_space<vmem>> -> memref<100xi32, #tpu.memory_space<vmem>>
      %dma_start3A_420 = arith.constant 0 : i32
      %dma_start3A_421 = arith.constant 0 : i32
      %dma_start3A_422 = tpu.memref_slice %arg9[%dma_start3A_420, %dma_start3A_421] : memref<10240x128xf32, #tpu.memory_space<vmem_shared>> -> memref<10240x128xf32, #tpu.memory_space<vmem_shared>>
      tpu.enqueue_indirect_dma source(%dma_start3A_416 : memref<100x128xf32, #tpu.memory_space<vmem>>) target(%dma_start3A_422 : memref<10240x128xf32, #tpu.memory_space<vmem_shared>>) offsets(%dma_start3A_419 : memref<100xi32, #tpu.memory_space<vmem>>) semaphore(%arg10 : memref<!tpu.dma_semaphore, #tpu.memory_space<semaphore_mem>>) {add = true}
      %add3A_423 = arith.constant 2 : i32
      %add3A_424 = arith.addi %add3A_399, %add3A_423 : i32
      %lt3A = arith.constant 25 : i32
      %lt3A_425 = arith.cmpi slt, %add3A_424, %lt3A : i32
      %convert_element_type3A = arith.extui %lt3A_425 : i1 to i32
      %cond3A = arith.constant 0 : i32
      %cond3A_426 = arith.cmpi ne, %convert_element_type3A, %cond3A : i32
      scf.if %cond3A_426 {
        %ge3A = arith.constant 1 : i32
        %ge3A_491 = arith.cmpi sge, %add3A_399, %ge3A : i32
        %convert_element_type3A_492 = arith.extui %ge3A_491 : i1 to i32
        %cond3A_493 = arith.constant 0 : i32
        %cond3A_494 = arith.cmpi ne, %convert_element_type3A_492, %cond3A_493 : i32
        scf.if %cond3A_494 {
          %dma_wait3A_508 = arith.constant 2 : i32
          %dma_wait3A_509 = arith.constant 0 : i32
          %dma_wait3A_510 = arith.constant 0 : i32
          %dma_wait3A_511 = arith.constant 0 : i32
          %dma_wait3A_512 = tpu.memref_slice %arg8[%dma_wait3A_508, %dma_wait3A_510, %dma_wait3A_511] : memref<3x100x128xf32, #tpu.memory_space<vmem>> -> memref<1x100x128xf32, #tpu.memory_space<vmem>>
          %dma_wait3A_513 = tpu.memref_squeeze %dma_wait3A_512 : memref<1x100x128xf32, #tpu.memory_space<vmem>> -> memref<100x128xf32, #tpu.memory_space<vmem>>
          %dma_wait3A_514 = arith.constant 0 : i32
          %dma_wait3A_515 = tpu.memref_slice %arg7[%dma_wait3A_509, %dma_wait3A_514] : memref<25x100xi32, #tpu.memory_space<vmem>> -> memref<1x100xi32, #tpu.memory_space<vmem>>
          %dma_wait3A_516 = tpu.memref_squeeze %dma_wait3A_515 : memref<1x100xi32, #tpu.memory_space<vmem>> -> memref<100xi32, #tpu.memory_space<vmem>>
          %dma_wait3A_517 = arith.constant 0 : i32
          %dma_wait3A_518 = arith.constant 0 : i32
          %dma_wait3A_519 = tpu.memref_slice %arg9[%dma_wait3A_517, %dma_wait3A_518] : memref<10240x128xf32, #tpu.memory_space<vmem_shared>> -> memref<10240x128xf32, #tpu.memory_space<vmem_shared>>
          tpu.wait_indirect_dma semaphore(%arg12 : memref<!tpu.dma_semaphore, #tpu.memory_space<semaphore_mem>>) src(%dma_wait3A_513 : memref<100x128xf32, #tpu.memory_space<vmem>>) dst(%dma_wait3A_519 : memref<10240x128xf32, #tpu.memory_space<vmem_shared>>)
        } else {
        }
        %add3A_495 = arith.constant 2 : i32
        %add3A_496 = arith.addi %add3A_399, %add3A_495 : i32
        %dma_start3A_497 = arith.constant 2 : i32
        %dma_start3A_498 = arith.constant 0 : i32
        %dma_start3A_499 = arith.constant 0 : i32
        %dma_start3A_500 = tpu.memref_slice %arg8[%dma_start3A_497, %dma_start3A_498, %dma_start3A_499] : memref<3x100x128xf32, #tpu.memory_space<vmem>> -> memref<1x100x128xf32, #tpu.memory_space<vmem>>
        %dma_start3A_501 = tpu.memref_squeeze %dma_start3A_500 : memref<1x100x128xf32, #tpu.memory_space<vmem>> -> memref<100x128xf32, #tpu.memory_space<vmem>>
        %dma_start3A_502 = arith.constant 0 : i32
        %dma_start3A_503 = tpu.memref_slice %arg6[%add3A_496, %dma_start3A_502] : memref<25x100xi32, #tpu.memory_space<vmem>> -> memref<1x100xi32, #tpu.memory_space<vmem>>
        %dma_start3A_504 = tpu.memref_squeeze %dma_start3A_503 : memref<1x100xi32, #tpu.memory_space<vmem>> -> memref<100xi32, #tpu.memory_space<vmem>>
        %dma_start3A_505 = arith.constant 0 : i32
        %dma_start3A_506 = arith.constant 0 : i32
        %dma_start3A_507 = tpu.memref_slice %arg2[%dma_start3A_505, %dma_start3A_506] : memref<10000x128xf32, #tpu.memory_space<hbm>> -> memref<10000x128xf32, #tpu.memory_space<hbm>>
        tpu.enqueue_indirect_dma source(%dma_start3A_507 : memref<10000x128xf32, #tpu.memory_space<hbm>>) target(%dma_start3A_501 : memref<100x128xf32, #tpu.memory_space<vmem>>) offsets(%dma_start3A_504 : memref<100xi32, #tpu.memory_space<vmem>>) semaphore(%arg12 : memref<!tpu.dma_semaphore, #tpu.memory_space<semaphore_mem>>)
      } else {
      }
      %add3A_427 = arith.constant 1 : i32
      %add3A_428 = arith.addi %mul3A_397, %add3A_427 : i32
      %dma_wait3A_429 = arith.constant 0 : i32
      %dma_wait3A_430 = arith.constant 1 : i32
      %dma_wait3A_431 = arith.constant 0 : i32
      %dma_wait3A_432 = arith.constant 0 : i32
      %dma_wait3A_433 = tpu.memref_slice %arg8[%dma_wait3A_430, %dma_wait3A_431, %dma_wait3A_432] : memref<3x100x128xf32, #tpu.memory_space<vmem>> -> memref<1x100x128xf32, #tpu.memory_space<vmem>>
      %dma_wait3A_434 = tpu.memref_squeeze %dma_wait3A_433 : memref<1x100x128xf32, #tpu.memory_space<vmem>> -> memref<100x128xf32, #tpu.memory_space<vmem>>
      %dma_wait3A_435 = arith.constant 0 : i32
      %dma_wait3A_436 = tpu.memref_slice %arg6[%dma_wait3A_429, %dma_wait3A_435] : memref<25x100xi32, #tpu.memory_space<vmem>> -> memref<1x100xi32, #tpu.memory_space<vmem>>
      %dma_wait3A_437 = tpu.memref_squeeze %dma_wait3A_436 : memref<1x100xi32, #tpu.memory_space<vmem>> -> memref<100xi32, #tpu.memory_space<vmem>>
      %dma_wait3A_438 = arith.constant 0 : i32
      %dma_wait3A_439 = arith.constant 0 : i32
      %dma_wait3A_440 = tpu.memref_slice %arg2[%dma_wait3A_438, %dma_wait3A_439] : memref<10000x128xf32, #tpu.memory_space<hbm>> -> memref<10000x128xf32, #tpu.memory_space<hbm>>
      tpu.wait_indirect_dma semaphore(%arg11 : memref<!tpu.dma_semaphore, #tpu.memory_space<semaphore_mem>>) src(%dma_wait3A_440 : memref<10000x128xf32, #tpu.memory_space<hbm>>) dst(%dma_wait3A_434 : memref<100x128xf32, #tpu.memory_space<vmem>>)
      %dma_start3A_441 = arith.constant 1 : i32
      %dma_start3A_442 = arith.constant 0 : i32
      %dma_start3A_443 = arith.constant 0 : i32
      %dma_start3A_444 = tpu.memref_slice %arg8[%dma_start3A_441, %dma_start3A_442, %dma_start3A_443] : memref<3x100x128xf32, #tpu.memory_space<vmem>> -> memref<1x100x128xf32, #tpu.memory_space<vmem>>
      %dma_start3A_445 = tpu.memref_squeeze %dma_start3A_444 : memref<1x100x128xf32, #tpu.memory_space<vmem>> -> memref<100x128xf32, #tpu.memory_space<vmem>>
      %dma_start3A_446 = arith.constant 0 : i32
      %dma_start3A_447 = tpu.memref_slice %arg7[%add3A_428, %dma_start3A_446] : memref<25x100xi32, #tpu.memory_space<vmem>> -> memref<1x100xi32, #tpu.memory_space<vmem>>
      %dma_start3A_448 = tpu.memref_squeeze %dma_start3A_447 : memref<1x100xi32, #tpu.memory_space<vmem>> -> memref<100xi32, #tpu.memory_space<vmem>>
      %dma_start3A_449 = arith.constant 0 : i32
      %dma_start3A_450 = arith.constant 0 : i32
      %dma_start3A_451 = tpu.memref_slice %arg9[%dma_start3A_449, %dma_start3A_450] : memref<10240x128xf32, #tpu.memory_space<vmem_shared>> -> memref<10240x128xf32, #tpu.memory_space<vmem_shared>>
      tpu.enqueue_indirect_dma source(%dma_start3A_445 : memref<100x128xf32, #tpu.memory_space<vmem>>) target(%dma_start3A_451 : memref<10240x128xf32, #tpu.memory_space<vmem_shared>>) offsets(%dma_start3A_448 : memref<100xi32, #tpu.memory_space<vmem>>) semaphore(%arg11 : memref<!tpu.dma_semaphore, #tpu.memory_space<semaphore_mem>>) {add = true}
      %add3A_452 = arith.constant 2 : i32
      %add3A_453 = arith.addi %add3A_428, %add3A_452 : i32
      %lt3A_454 = arith.constant 25 : i32
      %lt3A_455 = arith.cmpi slt, %add3A_453, %lt3A_454 : i32
      %convert_element_type3A_456 = arith.extui %lt3A_455 : i1 to i32
      %cond3A_457 = arith.constant 0 : i32
      %cond3A_458 = arith.cmpi ne, %convert_element_type3A_456, %cond3A_457 : i32
      scf.if %cond3A_458 {
        %ge3A = arith.constant 1 : i32
        %ge3A_491 = arith.cmpi sge, %add3A_428, %ge3A : i32
        %convert_element_type3A_492 = arith.extui %ge3A_491 : i1 to i32
        %cond3A_493 = arith.constant 0 : i32
        %cond3A_494 = arith.cmpi ne, %convert_element_type3A_492, %cond3A_493 : i32
        scf.if %cond3A_494 {
          %dma_wait3A_508 = arith.constant 0 : i32
          %dma_wait3A_509 = arith.constant 0 : i32
          %dma_wait3A_510 = arith.constant 0 : i32
          %dma_wait3A_511 = arith.constant 0 : i32
          %dma_wait3A_512 = tpu.memref_slice %arg8[%dma_wait3A_508, %dma_wait3A_510, %dma_wait3A_511] : memref<3x100x128xf32, #tpu.memory_space<vmem>> -> memref<1x100x128xf32, #tpu.memory_space<vmem>>
          %dma_wait3A_513 = tpu.memref_squeeze %dma_wait3A_512 : memref<1x100x128xf32, #tpu.memory_space<vmem>> -> memref<100x128xf32, #tpu.memory_space<vmem>>
          %dma_wait3A_514 = arith.constant 0 : i32
          %dma_wait3A_515 = tpu.memref_slice %arg7[%dma_wait3A_509, %dma_wait3A_514] : memref<25x100xi32, #tpu.memory_space<vmem>> -> memref<1x100xi32, #tpu.memory_space<vmem>>
          %dma_wait3A_516 = tpu.memref_squeeze %dma_wait3A_515 : memref<1x100xi32, #tpu.memory_space<vmem>> -> memref<100xi32, #tpu.memory_space<vmem>>
          %dma_wait3A_517 = arith.constant 0 : i32
          %dma_wait3A_518 = arith.constant 0 : i32
          %dma_wait3A_519 = tpu.memref_slice %arg9[%dma_wait3A_517, %dma_wait3A_518] : memref<10240x128xf32, #tpu.memory_space<vmem_shared>> -> memref<10240x128xf32, #tpu.memory_space<vmem_shared>>
          tpu.wait_indirect_dma semaphore(%arg10 : memref<!tpu.dma_semaphore, #tpu.memory_space<semaphore_mem>>) src(%dma_wait3A_513 : memref<100x128xf32, #tpu.memory_space<vmem>>) dst(%dma_wait3A_519 : memref<10240x128xf32, #tpu.memory_space<vmem_shared>>)
        } else {
        }
        %add3A_495 = arith.constant 2 : i32
        %add3A_496 = arith.addi %add3A_428, %add3A_495 : i32
        %dma_start3A_497 = arith.constant 0 : i32
        %dma_start3A_498 = arith.constant 0 : i32
        %dma_start3A_499 = arith.constant 0 : i32
        %dma_start3A_500 = tpu.memref_slice %arg8[%dma_start3A_497, %dma_start3A_498, %dma_start3A_499] : memref<3x100x128xf32, #tpu.memory_space<vmem>> -> memref<1x100x128xf32, #tpu.memory_space<vmem>>
        %dma_start3A_501 = tpu.memref_squeeze %dma_start3A_500 : memref<1x100x128xf32, #tpu.memory_space<vmem>> -> memref<100x128xf32, #tpu.memory_space<vmem>>
        %dma_start3A_502 = arith.constant 0 : i32
        %dma_start3A_503 = tpu.memref_slice %arg6[%add3A_496, %dma_start3A_502] : memref<25x100xi32, #tpu.memory_space<vmem>> -> memref<1x100xi32, #tpu.memory_space<vmem>>
        %dma_start3A_504 = tpu.memref_squeeze %dma_start3A_503 : memref<1x100xi32, #tpu.memory_space<vmem>> -> memref<100xi32, #tpu.memory_space<vmem>>
        %dma_start3A_505 = arith.constant 0 : i32
        %dma_start3A_506 = arith.constant 0 : i32
        %dma_start3A_507 = tpu.memref_slice %arg2[%dma_start3A_505, %dma_start3A_506] : memref<10000x128xf32, #tpu.memory_space<hbm>> -> memref<10000x128xf32, #tpu.memory_space<hbm>>
        tpu.enqueue_indirect_dma source(%dma_start3A_507 : memref<10000x128xf32, #tpu.memory_space<hbm>>) target(%dma_start3A_501 : memref<100x128xf32, #tpu.memory_space<vmem>>) offsets(%dma_start3A_504 : memref<100xi32, #tpu.memory_space<vmem>>) semaphore(%arg10 : memref<!tpu.dma_semaphore, #tpu.memory_space<semaphore_mem>>)
      } else {
      }
      %add3A_459 = arith.constant 2 : i32
      %add3A_460 = arith.addi %mul3A_397, %add3A_459 : i32
      %dma_wait3A_461 = arith.constant 0 : i32
      %dma_wait3A_462 = arith.constant 2 : i32
      %dma_wait3A_463 = arith.constant 0 : i32
      %dma_wait3A_464 = arith.constant 0 : i32
      %dma_wait3A_465 = tpu.memref_slice %arg8[%dma_wait3A_462, %dma_wait3A_463, %dma_wait3A_464] : memref<3x100x128xf32, #tpu.memory_space<vmem>> -> memref<1x100x128xf32, #tpu.memory_space<vmem>>
      %dma_wait3A_466 = tpu.memref_squeeze %dma_wait3A_465 : memref<1x100x128xf32, #tpu.memory_space<vmem>> -> memref<100x128xf32, #tpu.memory_space<vmem>>
      %dma_wait3A_467 = arith.constant 0 : i32
      %dma_wait3A_468 = tpu.memref_slice %arg6[%dma_wait3A_461, %dma_wait3A_467] : memref<25x100xi32, #tpu.memory_space<vmem>> -> memref<1x100xi32, #tpu.memory_space<vmem>>
      %dma_wait3A_469 = tpu.memref_squeeze %dma_wait3A_468 : memref<1x100xi32, #tpu.memory_space<vmem>> -> memref<100xi32, #tpu.memory_space<vmem>>
      %dma_wait3A_470 = arith.constant 0 : i32
      %dma_wait3A_471 = arith.constant 0 : i32
      %dma_wait3A_472 = tpu.memref_slice %arg2[%dma_wait3A_470, %dma_wait3A_471] : memref<10000x128xf32, #tpu.memory_space<hbm>> -> memref<10000x128xf32, #tpu.memory_space<hbm>>
      tpu.wait_indirect_dma semaphore(%arg12 : memref<!tpu.dma_semaphore, #tpu.memory_space<semaphore_mem>>) src(%dma_wait3A_472 : memref<10000x128xf32, #tpu.memory_space<hbm>>) dst(%dma_wait3A_466 : memref<100x128xf32, #tpu.memory_space<vmem>>)
      %dma_start3A_473 = arith.constant 2 : i32
      %dma_start3A_474 = arith.constant 0 : i32
      %dma_start3A_475 = arith.constant 0 : i32
      %dma_start3A_476 = tpu.memref_slice %arg8[%dma_start3A_473, %dma_start3A_474, %dma_start3A_475] : memref<3x100x128xf32, #tpu.memory_space<vmem>> -> memref<1x100x128xf32, #tpu.memory_space<vmem>>
      %dma_start3A_477 = tpu.memref_squeeze %dma_start3A_476 : memref<1x100x128xf32, #tpu.memory_space<vmem>> -> memref<100x128xf32, #tpu.memory_space<vmem>>
      %dma_start3A_478 = arith.constant 0 : i32
      %dma_start3A_479 = tpu.memref_slice %arg7[%add3A_460, %dma_start3A_478] : memref<25x100xi32, #tpu.memory_space<vmem>> -> memref<1x100xi32, #tpu.memory_space<vmem>>
      %dma_start3A_480 = tpu.memref_squeeze %dma_start3A_479 : memref<1x100xi32, #tpu.memory_space<vmem>> -> memref<100xi32, #tpu.memory_space<vmem>>
      %dma_start3A_481 = arith.constant 0 : i32
      %dma_start3A_482 = arith.constant 0 : i32
      %dma_start3A_483 = tpu.memref_slice %arg9[%dma_start3A_481, %dma_start3A_482] : memref<10240x128xf32, #tpu.memory_space<vmem_shared>> -> memref<10240x128xf32, #tpu.memory_space<vmem_shared>>
      tpu.enqueue_indirect_dma source(%dma_start3A_477 : memref<100x128xf32, #tpu.memory_space<vmem>>) target(%dma_start3A_483 : memref<10240x128xf32, #tpu.memory_space<vmem_shared>>) offsets(%dma_start3A_480 : memref<100xi32, #tpu.memory_space<vmem>>) semaphore(%arg12 : memref<!tpu.dma_semaphore, #tpu.memory_space<semaphore_mem>>) {add = true}
      %add3A_484 = arith.constant 2 : i32
      %add3A_485 = arith.addi %add3A_460, %add3A_484 : i32
      %lt3A_486 = arith.constant 25 : i32
      %lt3A_487 = arith.cmpi slt, %add3A_485, %lt3A_486 : i32
      %convert_element_type3A_488 = arith.extui %lt3A_487 : i1 to i32
      %cond3A_489 = arith.constant 0 : i32
      %cond3A_490 = arith.cmpi ne, %convert_element_type3A_488, %cond3A_489 : i32
      scf.if %cond3A_490 {
        %ge3A = arith.constant 1 : i32
        %ge3A_491 = arith.cmpi sge, %add3A_460, %ge3A : i32
        %convert_element_type3A_492 = arith.extui %ge3A_491 : i1 to i32
        %cond3A_493 = arith.constant 0 : i32
        %cond3A_494 = arith.cmpi ne, %convert_element_type3A_492, %cond3A_493 : i32
        scf.if %cond3A_494 {
          %dma_wait3A_508 = arith.constant 1 : i32
          %dma_wait3A_509 = arith.constant 0 : i32
          %dma_wait3A_510 = arith.constant 0 : i32
          %dma_wait3A_511 = arith.constant 0 : i32
          %dma_wait3A_512 = tpu.memref_slice %arg8[%dma_wait3A_508, %dma_wait3A_510, %dma_wait3A_511] : memref<3x100x128xf32, #tpu.memory_space<vmem>> -> memref<1x100x128xf32, #tpu.memory_space<vmem>>
          %dma_wait3A_513 = tpu.memref_squeeze %dma_wait3A_512 : memref<1x100x128xf32, #tpu.memory_space<vmem>> -> memref<100x128xf32, #tpu.memory_space<vmem>>
          %dma_wait3A_514 = arith.constant 0 : i32
          %dma_wait3A_515 = tpu.memref_slice %arg7[%dma_wait3A_509, %dma_wait3A_514] : memref<25x100xi32, #tpu.memory_space<vmem>> -> memref<1x100xi32, #tpu.memory_space<vmem>>
          %dma_wait3A_516 = tpu.memref_squeeze %dma_wait3A_515 : memref<1x100xi32, #tpu.memory_space<vmem>> -> memref<100xi32, #tpu.memory_space<vmem>>
          %dma_wait3A_517 = arith.constant 0 : i32
          %dma_wait3A_518 = arith.constant 0 : i32
          %dma_wait3A_519 = tpu.memref_slice %arg9[%dma_wait3A_517, %dma_wait3A_518] : memref<10240x128xf32, #tpu.memory_space<vmem_shared>> -> memref<10240x128xf32, #tpu.memory_space<vmem_shared>>
          tpu.wait_indirect_dma semaphore(%arg11 : memref<!tpu.dma_semaphore, #tpu.memory_space<semaphore_mem>>) src(%dma_wait3A_513 : memref<100x128xf32, #tpu.memory_space<vmem>>) dst(%dma_wait3A_519 : memref<10240x128xf32, #tpu.memory_space<vmem_shared>>)
        } else {
        }
        %add3A_495 = arith.constant 2 : i32
        %add3A_496 = arith.addi %add3A_460, %add3A_495 : i32
        %dma_start3A_497 = arith.constant 1 : i32
        %dma_start3A_498 = arith.constant 0 : i32
        %dma_start3A_499 = arith.constant 0 : i32
        %dma_start3A_500 = tpu.memref_slice %arg8[%dma_start3A_497, %dma_start3A_498, %dma_start3A_499] : memref<3x100x128xf32, #tpu.memory_space<vmem>> -> memref<1x100x128xf32, #tpu.memory_space<vmem>>
        %dma_start3A_501 = tpu.memref_squeeze %dma_start3A_500 : memref<1x100x128xf32, #tpu.memory_space<vmem>> -> memref<100x128xf32, #tpu.memory_space<vmem>>
        %dma_start3A_502 = arith.constant 0 : i32
        %dma_start3A_503 = tpu.memref_slice %arg6[%add3A_496, %dma_start3A_502] : memref<25x100xi32, #tpu.memory_space<vmem>> -> memref<1x100xi32, #tpu.memory_space<vmem>>
        %dma_start3A_504 = tpu.memref_squeeze %dma_start3A_503 : memref<1x100xi32, #tpu.memory_space<vmem>> -> memref<100xi32, #tpu.memory_space<vmem>>
        %dma_start3A_505 = arith.constant 0 : i32
        %dma_start3A_506 = arith.constant 0 : i32
        %dma_start3A_507 = tpu.memref_slice %arg2[%dma_start3A_505, %dma_start3A_506] : memref<10000x128xf32, #tpu.memory_space<hbm>> -> memref<10000x128xf32, #tpu.memory_space<hbm>>
        tpu.enqueue_indirect_dma source(%dma_start3A_507 : memref<10000x128xf32, #tpu.memory_space<hbm>>) target(%dma_start3A_501 : memref<100x128xf32, #tpu.memory_space<vmem>>) offsets(%dma_start3A_504 : memref<100xi32, #tpu.memory_space<vmem>>) semaphore(%arg11 : memref<!tpu.dma_semaphore, #tpu.memory_space<semaphore_mem>>)
      } else {
      }
    }
    %scan3A_58 = arith.constant 8 : i32
    %dma_wait3A = arith.constant 0 : i32
    %dma_wait3A_59 = arith.constant 0 : i32
    %dma_wait3A_60 = arith.constant 0 : i32
    %dma_wait3A_61 = arith.constant 0 : i32
    %dma_wait3A_62 = tpu.memref_slice %arg8[%dma_wait3A_59, %dma_wait3A_60, %dma_wait3A_61] : memref<3x100x128xf32, #tpu.memory_space<vmem>> -> memref<1x100x128xf32, #tpu.memory_space<vmem>>
    %dma_wait3A_63 = tpu.memref_squeeze %dma_wait3A_62 : memref<1x100x128xf32, #tpu.memory_space<vmem>> -> memref<100x128xf32, #tpu.memory_space<vmem>>
    %dma_wait3A_64 = arith.constant 0 : i32
    %dma_wait3A_65 = tpu.memref_slice %arg6[%dma_wait3A, %dma_wait3A_64] : memref<25x100xi32, #tpu.memory_space<vmem>> -> memref<1x100xi32, #tpu.memory_space<vmem>>
    %dma_wait3A_66 = tpu.memref_squeeze %dma_wait3A_65 : memref<1x100xi32, #tpu.memory_space<vmem>> -> memref<100xi32, #tpu.memory_space<vmem>>
    %dma_wait3A_67 = arith.constant 0 : i32
    %dma_wait3A_68 = arith.constant 0 : i32
    %dma_wait3A_69 = tpu.memref_slice %arg2[%dma_wait3A_67, %dma_wait3A_68] : memref<10000x128xf32, #tpu.memory_space<hbm>> -> memref<10000x128xf32, #tpu.memory_space<hbm>>
    tpu.wait_indirect_dma semaphore(%arg10 : memref<!tpu.dma_semaphore, #tpu.memory_space<semaphore_mem>>) src(%dma_wait3A_69 : memref<10000x128xf32, #tpu.memory_space<hbm>>) dst(%dma_wait3A_63 : memref<100x128xf32, #tpu.memory_space<vmem>>)
    %dma_start3A_70 = arith.constant 0 : i32
    %dma_start3A_71 = arith.constant 24 : i32
    %dma_start3A_72 = arith.constant 0 : i32
    %dma_start3A_73 = arith.constant 0 : i32
    %dma_start3A_74 = tpu.memref_slice %arg8[%dma_start3A_70, %dma_start3A_72, %dma_start3A_73] : memref<3x100x128xf32, #tpu.memory_space<vmem>> -> memref<1x100x128xf32, #tpu.memory_space<vmem>>
    %dma_start3A_75 = tpu.memref_squeeze %dma_start3A_74 : memref<1x100x128xf32, #tpu.memory_space<vmem>> -> memref<100x128xf32, #tpu.memory_space<vmem>>
    %dma_start3A_76 = arith.constant 0 : i32
    %dma_start3A_77 = tpu.memref_slice %arg7[%dma_start3A_71, %dma_start3A_76] : memref<25x100xi32, #tpu.memory_space<vmem>> -> memref<1x100xi32, #tpu.memory_space<vmem>>
    %dma_start3A_78 = tpu.memref_squeeze %dma_start3A_77 : memref<1x100xi32, #tpu.memory_space<vmem>> -> memref<100xi32, #tpu.memory_space<vmem>>
    %dma_start3A_79 = arith.constant 0 : i32
    %dma_start3A_80 = arith.constant 0 : i32
    %dma_start3A_81 = tpu.memref_slice %arg9[%dma_start3A_79, %dma_start3A_80] : memref<10240x128xf32, #tpu.memory_space<vmem_shared>> -> memref<10240x128xf32, #tpu.memory_space<vmem_shared>>
    tpu.enqueue_indirect_dma source(%dma_start3A_75 : memref<100x128xf32, #tpu.memory_space<vmem>>) target(%dma_start3A_81 : memref<10240x128xf32, #tpu.memory_space<vmem_shared>>) offsets(%dma_start3A_78 : memref<100xi32, #tpu.memory_space<vmem>>) semaphore(%arg10 : memref<!tpu.dma_semaphore, #tpu.memory_space<semaphore_mem>>) {add = true}
    %dma_wait3A_82 = arith.constant 1 : i32
    %dma_wait3A_83 = arith.constant 0 : i32
    %dma_wait3A_84 = arith.constant 0 : i32
    %dma_wait3A_85 = arith.constant 0 : i32
    %dma_wait3A_86 = tpu.memref_slice %arg8[%dma_wait3A_82, %dma_wait3A_84, %dma_wait3A_85] : memref<3x100x128xf32, #tpu.memory_space<vmem>> -> memref<1x100x128xf32, #tpu.memory_space<vmem>>
    %dma_wait3A_87 = tpu.memref_squeeze %dma_wait3A_86 : memref<1x100x128xf32, #tpu.memory_space<vmem>> -> memref<100x128xf32, #tpu.memory_space<vmem>>
    %dma_wait3A_88 = arith.constant 0 : i32
    %dma_wait3A_89 = tpu.memref_slice %arg7[%dma_wait3A_83, %dma_wait3A_88] : memref<25x100xi32, #tpu.memory_space<vmem>> -> memref<1x100xi32, #tpu.memory_space<vmem>>
    %dma_wait3A_90 = tpu.memref_squeeze %dma_wait3A_89 : memref<1x100xi32, #tpu.memory_space<vmem>> -> memref<100xi32, #tpu.memory_space<vmem>>
    %dma_wait3A_91 = arith.constant 0 : i32
    %dma_wait3A_92 = arith.constant 0 : i32
    %dma_wait3A_93 = tpu.memref_slice %arg9[%dma_wait3A_91, %dma_wait3A_92] : memref<10240x128xf32, #tpu.memory_space<vmem_shared>> -> memref<10240x128xf32, #tpu.memory_space<vmem_shared>>
    tpu.wait_indirect_dma semaphore(%arg11 : memref<!tpu.dma_semaphore, #tpu.memory_space<semaphore_mem>>) src(%dma_wait3A_87 : memref<100x128xf32, #tpu.memory_space<vmem>>) dst(%dma_wait3A_93 : memref<10240x128xf32, #tpu.memory_space<vmem_shared>>)
    %dma_wait3A_94 = arith.constant 2 : i32
    %dma_wait3A_95 = arith.constant 0 : i32
    %dma_wait3A_96 = arith.constant 0 : i32
    %dma_wait3A_97 = arith.constant 0 : i32
    %dma_wait3A_98 = tpu.memref_slice %arg8[%dma_wait3A_94, %dma_wait3A_96, %dma_wait3A_97] : memref<3x100x128xf32, #tpu.memory_space<vmem>> -> memref<1x100x128xf32, #tpu.memory_space<vmem>>
    %dma_wait3A_99 = tpu.memref_squeeze %dma_wait3A_98 : memref<1x100x128xf32, #tpu.memory_space<vmem>> -> memref<100x128xf32, #tpu.memory_space<vmem>>
    %dma_wait3A_100 = arith.constant 0 : i32
    %dma_wait3A_101 = tpu.memref_slice %arg7[%dma_wait3A_95, %dma_wait3A_100] : memref<25x100xi32, #tpu.memory_space<vmem>> -> memref<1x100xi32, #tpu.memory_space<vmem>>
    %dma_wait3A_102 = tpu.memref_squeeze %dma_wait3A_101 : memref<1x100xi32, #tpu.memory_space<vmem>> -> memref<100xi32, #tpu.memory_space<vmem>>
    %dma_wait3A_103 = arith.constant 0 : i32
    %dma_wait3A_104 = arith.constant 0 : i32
    %dma_wait3A_105 = tpu.memref_slice %arg9[%dma_wait3A_103, %dma_wait3A_104] : memref<10240x128xf32, #tpu.memory_space<vmem_shared>> -> memref<10240x128xf32, #tpu.memory_space<vmem_shared>>
    tpu.wait_indirect_dma semaphore(%arg12 : memref<!tpu.dma_semaphore, #tpu.memory_space<semaphore_mem>>) src(%dma_wait3A_99 : memref<100x128xf32, #tpu.memory_space<vmem>>) dst(%dma_wait3A_105 : memref<10240x128xf32, #tpu.memory_space<vmem_shared>>)
    %dma_wait3A_106 = arith.constant 0 : i32
    %dma_wait3A_107 = arith.constant 0 : i32
    %dma_wait3A_108 = arith.constant 0 : i32
    %dma_wait3A_109 = arith.constant 0 : i32
    %dma_wait3A_110 = tpu.memref_slice %arg8[%dma_wait3A_106, %dma_wait3A_108, %dma_wait3A_109] : memref<3x100x128xf32, #tpu.memory_space<vmem>> -> memref<1x100x128xf32, #tpu.memory_space<vmem>>
    %dma_wait3A_111 = tpu.memref_squeeze %dma_wait3A_110 : memref<1x100x128xf32, #tpu.memory_space<vmem>> -> memref<100x128xf32, #tpu.memory_space<vmem>>
    %dma_wait3A_112 = arith.constant 0 : i32
    %dma_wait3A_113 = tpu.memref_slice %arg7[%dma_wait3A_107, %dma_wait3A_112] : memref<25x100xi32, #tpu.memory_space<vmem>> -> memref<1x100xi32, #tpu.memory_space<vmem>>
    %dma_wait3A_114 = tpu.memref_squeeze %dma_wait3A_113 : memref<1x100xi32, #tpu.memory_space<vmem>> -> memref<100xi32, #tpu.memory_space<vmem>>
    %dma_wait3A_115 = arith.constant 0 : i32
    %dma_wait3A_116 = arith.constant 0 : i32
    %dma_wait3A_117 = tpu.memref_slice %arg9[%dma_wait3A_115, %dma_wait3A_116] : memref<10240x128xf32, #tpu.memory_space<vmem_shared>> -> memref<10240x128xf32, #tpu.memory_space<vmem_shared>>
    tpu.wait_indirect_dma semaphore(%arg10 : memref<!tpu.dma_semaphore, #tpu.memory_space<semaphore_mem>>) src(%dma_wait3A_111 : memref<100x128xf32, #tpu.memory_space<vmem>>) dst(%dma_wait3A_117 : memref<10240x128xf32, #tpu.memory_space<vmem_shared>>)
    %run_scoped3A_118 = arith.constant 1 : i32
    "tpu.region"() ({
      %run_scoped3A_395 = tpu.sem_alloc : memref<!tpu.dma_semaphore, #tpu.memory_space<semaphore_mem>>
      %dma_start3A_396 = arith.constant 0 : i32
      %dma_start3A_397 = arith.constant 0 : i32
      %dma_start3A_398 = tpu.memref_slice %arg3[%add3A, %run_scoped3A_118, %dma_start3A_396, %dma_start3A_397] : memref<32x4x25x100xi32, #tpu.memory_space<hbm>> -> memref<1x1x25x100xi32, #tpu.memory_space<hbm>>
      %dma_start3A_399 = tpu.memref_squeeze %dma_start3A_398 : memref<1x1x25x100xi32, #tpu.memory_space<hbm>> -> memref<25x100xi32, #tpu.memory_space<hbm>>
      %dma_start3A_400 = arith.constant 0 : i32
      %dma_start3A_401 = arith.constant 0 : i32
      %dma_start3A_402 = tpu.memref_slice %arg3[%add3A, %run_scoped3A_118, %dma_start3A_400, %dma_start3A_401] : memref<32x4x25x100xi32, #tpu.memory_space<hbm>> -> memref<1x1x25x100xi32, #tpu.memory_space<hbm>>
      %dma_start3A_403 = tpu.memref_squeeze %dma_start3A_402 : memref<1x1x25x100xi32, #tpu.memory_space<hbm>> -> memref<25x100xi32, #tpu.memory_space<hbm>>
      tpu.enqueue_dma source(%dma_start3A_403 : memref<25x100xi32, #tpu.memory_space<hbm>>) target(%arg6 : memref<25x100xi32, #tpu.memory_space<vmem>>) target_semaphore(%run_scoped3A_395 : memref<!tpu.dma_semaphore, #tpu.memory_space<semaphore_mem>>)
      %dma_wait3A_404 = arith.constant 0 : i32
      %dma_wait3A_405 = arith.constant 0 : i32
      %dma_wait3A_406 = tpu.memref_slice %arg3[%add3A, %run_scoped3A_118, %dma_wait3A_404, %dma_wait3A_405] : memref<32x4x25x100xi32, #tpu.memory_space<hbm>> -> memref<1x1x25x100xi32, #tpu.memory_space<hbm>>
      %dma_wait3A_407 = tpu.memref_squeeze %dma_wait3A_406 : memref<1x1x25x100xi32, #tpu.memory_space<hbm>> -> memref<25x100xi32, #tpu.memory_space<hbm>>
      %dma_wait3A_408 = arith.constant 0 : i32
      %dma_wait3A_409 = arith.constant 0 : i32
      %dma_wait3A_410 = tpu.memref_slice %arg3[%add3A, %run_scoped3A_118, %dma_wait3A_408, %dma_wait3A_409] : memref<32x4x25x100xi32, #tpu.memory_space<hbm>> -> memref<1x1x25x100xi32, #tpu.memory_space<hbm>>
      %dma_wait3A_411 = tpu.memref_squeeze %dma_wait3A_410 : memref<1x1x25x100xi32, #tpu.memory_space<hbm>> -> memref<25x100xi32, #tpu.memory_space<hbm>>
      tpu.wait_dma2 semaphore(%run_scoped3A_395 : memref<!tpu.dma_semaphore, #tpu.memory_space<semaphore_mem>>) src(%dma_wait3A_411 : memref<25x100xi32, #tpu.memory_space<hbm>>) dst(%arg6 : memref<25x100xi32, #tpu.memory_space<vmem>>)
      tpu.yield
    }) : () -> ()
    %run_scoped3A_119 = arith.constant 1 : i32
    "tpu.region"() ({
      %run_scoped3A_395 = tpu.sem_alloc : memref<!tpu.dma_semaphore, #tpu.memory_space<semaphore_mem>>
      %dma_start3A_396 = arith.constant 0 : i32
      %dma_start3A_397 = arith.constant 0 : i32
      %dma_start3A_398 = tpu.memref_slice %arg4[%add3A, %run_scoped3A_119, %dma_start3A_396, %dma_start3A_397] : memref<32x4x25x100xi32, #tpu.memory_space<hbm>> -> memref<1x1x25x100xi32, #tpu.memory_space<hbm>>
      %dma_start3A_399 = tpu.memref_squeeze %dma_start3A_398 : memref<1x1x25x100xi32, #tpu.memory_space<hbm>> -> memref<25x100xi32, #tpu.memory_space<hbm>>
      %dma_start3A_400 = arith.constant 0 : i32
      %dma_start3A_401 = arith.constant 0 : i32
      %dma_start3A_402 = tpu.memref_slice %arg4[%add3A, %run_scoped3A_119, %dma_start3A_400, %dma_start3A_401] : memref<32x4x25x100xi32, #tpu.memory_space<hbm>> -> memref<1x1x25x100xi32, #tpu.memory_space<hbm>>
      %dma_start3A_403 = tpu.memref_squeeze %dma_start3A_402 : memref<1x1x25x100xi32, #tpu.memory_space<hbm>> -> memref<25x100xi32, #tpu.memory_space<hbm>>
      tpu.enqueue_dma source(%dma_start3A_403 : memref<25x100xi32, #tpu.memory_space<hbm>>) target(%arg7 : memref<25x100xi32, #tpu.memory_space<vmem>>) target_semaphore(%run_scoped3A_395 : memref<!tpu.dma_semaphore, #tpu.memory_space<semaphore_mem>>)
      %dma_wait3A_404 = arith.constant 0 : i32
      %dma_wait3A_405 = arith.constant 0 : i32
      %dma_wait3A_406 = tpu.memref_slice %arg4[%add3A, %run_scoped3A_119, %dma_wait3A_404, %dma_wait3A_405] : memref<32x4x25x100xi32, #tpu.memory_space<hbm>> -> memref<1x1x25x100xi32, #tpu.memory_space<hbm>>
      %dma_wait3A_407 = tpu.memref_squeeze %dma_wait3A_406 : memref<1x1x25x100xi32, #tpu.memory_space<hbm>> -> memref<25x100xi32, #tpu.memory_space<hbm>>
      %dma_wait3A_408 = arith.constant 0 : i32
      %dma_wait3A_409 = arith.constant 0 : i32
      %dma_wait3A_410 = tpu.memref_slice %arg4[%add3A, %run_scoped3A_119, %dma_wait3A_408, %dma_wait3A_409] : memref<32x4x25x100xi32, #tpu.memory_space<hbm>> -> memref<1x1x25x100xi32, #tpu.memory_space<hbm>>
      %dma_wait3A_411 = tpu.memref_squeeze %dma_wait3A_410 : memref<1x1x25x100xi32, #tpu.memory_space<hbm>> -> memref<25x100xi32, #tpu.memory_space<hbm>>
      tpu.wait_dma2 semaphore(%run_scoped3A_395 : memref<!tpu.dma_semaphore, #tpu.memory_space<semaphore_mem>>) src(%dma_wait3A_411 : memref<25x100xi32, #tpu.memory_space<hbm>>) dst(%arg7 : memref<25x100xi32, #tpu.memory_space<vmem>>)
      tpu.yield
    }) : () -> ()
    %dma_start3A_120 = arith.constant 0 : i32
    %dma_start3A_121 = arith.constant 0 : i32
    %dma_start3A_122 = arith.constant 0 : i32
    %dma_start3A_123 = arith.constant 0 : i32
    %dma_start3A_124 = tpu.memref_slice %arg8[%dma_start3A_121, %dma_start3A_122, %dma_start3A_123] : memref<3x100x128xf32, #tpu.memory_space<vmem>> -> memref<1x100x128xf32, #tpu.memory_space<vmem>>
    %dma_start3A_125 = tpu.memref_squeeze %dma_start3A_124 : memref<1x100x128xf32, #tpu.memory_space<vmem>> -> memref<100x128xf32, #tpu.memory_space<vmem>>
    %dma_start3A_126 = arith.constant 0 : i32
    %dma_start3A_127 = tpu.memref_slice %arg6[%dma_start3A_120, %dma_start3A_126] : memref<25x100xi32, #tpu.memory_space<vmem>> -> memref<1x100xi32, #tpu.memory_space<vmem>>
    %dma_start3A_128 = tpu.memref_squeeze %dma_start3A_127 : memref<1x100xi32, #tpu.memory_space<vmem>> -> memref<100xi32, #tpu.memory_space<vmem>>
    %dma_start3A_129 = arith.constant 0 : i32
    %dma_start3A_130 = arith.constant 0 : i32
    %dma_start3A_131 = tpu.memref_slice %arg2[%dma_start3A_129, %dma_start3A_130] : memref<10000x128xf32, #tpu.memory_space<hbm>> -> memref<10000x128xf32, #tpu.memory_space<hbm>>
    tpu.enqueue_indirect_dma source(%dma_start3A_131 : memref<10000x128xf32, #tpu.memory_space<hbm>>) target(%dma_start3A_125 : memref<100x128xf32, #tpu.memory_space<vmem>>) offsets(%dma_start3A_128 : memref<100xi32, #tpu.memory_space<vmem>>) semaphore(%arg10 : memref<!tpu.dma_semaphore, #tpu.memory_space<semaphore_mem>>)
    %dma_start3A_132 = arith.constant 1 : i32
    %dma_start3A_133 = arith.constant 1 : i32
    %dma_start3A_134 = arith.constant 0 : i32
    %dma_start3A_135 = arith.constant 0 : i32
    %dma_start3A_136 = tpu.memref_slice %arg8[%dma_start3A_133, %dma_start3A_134, %dma_start3A_135] : memref<3x100x128xf32, #tpu.memory_space<vmem>> -> memref<1x100x128xf32, #tpu.memory_space<vmem>>
    %dma_start3A_137 = tpu.memref_squeeze %dma_start3A_136 : memref<1x100x128xf32, #tpu.memory_space<vmem>> -> memref<100x128xf32, #tpu.memory_space<vmem>>
    %dma_start3A_138 = arith.constant 0 : i32
    %dma_start3A_139 = tpu.memref_slice %arg6[%dma_start3A_132, %dma_start3A_138] : memref<25x100xi32, #tpu.memory_space<vmem>> -> memref<1x100xi32, #tpu.memory_space<vmem>>
    %dma_start3A_140 = tpu.memref_squeeze %dma_start3A_139 : memref<1x100xi32, #tpu.memory_space<vmem>> -> memref<100xi32, #tpu.memory_space<vmem>>
    %dma_start3A_141 = arith.constant 0 : i32
    %dma_start3A_142 = arith.constant 0 : i32
    %dma_start3A_143 = tpu.memref_slice %arg2[%dma_start3A_141, %dma_start3A_142] : memref<10000x128xf32, #tpu.memory_space<hbm>> -> memref<10000x128xf32, #tpu.memory_space<hbm>>
    tpu.enqueue_indirect_dma source(%dma_start3A_143 : memref<10000x128xf32, #tpu.memory_space<hbm>>) target(%dma_start3A_137 : memref<100x128xf32, #tpu.memory_space<vmem>>) offsets(%dma_start3A_140 : memref<100xi32, #tpu.memory_space<vmem>>) semaphore(%arg11 : memref<!tpu.dma_semaphore, #tpu.memory_space<semaphore_mem>>)
    %scan3A_144 = arith.constant 0 : i32
    %scan3A_145 = arith.constant 0 : i32
    %scan3A_146 = arith.constant 8 : i32
    %scan3A_147 = arith.addi %scan3A_145, %scan3A_146 : i32
    %scan3A_148 = arith.constant 1 : i32
    scf.for %scan3A_395 = %scan3A_145 to %scan3A_147 step %scan3A_148  : i32 {
      %mul3A_396 = arith.constant 3 : i32
      %mul3A_397 = arith.muli %mul3A_396, %scan3A_395 : i32
      %add3A_398 = arith.constant 0 : i32
      %add3A_399 = arith.addi %mul3A_397, %add3A_398 : i32
      %dma_wait3A_400 = arith.constant 0 : i32
      %dma_wait3A_401 = arith.constant 0 : i32
      %dma_wait3A_402 = arith.constant 0 : i32
      %dma_wait3A_403 = arith.constant 0 : i32
      %dma_wait3A_404 = tpu.memref_slice %arg8[%dma_wait3A_401, %dma_wait3A_402, %dma_wait3A_403] : memref<3x100x128xf32, #tpu.memory_space<vmem>> -> memref<1x100x128xf32, #tpu.memory_space<vmem>>
      %dma_wait3A_405 = tpu.memref_squeeze %dma_wait3A_404 : memref<1x100x128xf32, #tpu.memory_space<vmem>> -> memref<100x128xf32, #tpu.memory_space<vmem>>
      %dma_wait3A_406 = arith.constant 0 : i32
      %dma_wait3A_407 = tpu.memref_slice %arg6[%dma_wait3A_400, %dma_wait3A_406] : memref<25x100xi32, #tpu.memory_space<vmem>> -> memref<1x100xi32, #tpu.memory_space<vmem>>
      %dma_wait3A_408 = tpu.memref_squeeze %dma_wait3A_407 : memref<1x100xi32, #tpu.memory_space<vmem>> -> memref<100xi32, #tpu.memory_space<vmem>>
      %dma_wait3A_409 = arith.constant 0 : i32
      %dma_wait3A_410 = arith.constant 0 : i32
      %dma_wait3A_411 = tpu.memref_slice %arg2[%dma_wait3A_409, %dma_wait3A_410] : memref<10000x128xf32, #tpu.memory_space<hbm>> -> memref<10000x128xf32, #tpu.memory_space<hbm>>
      tpu.wait_indirect_dma semaphore(%arg10 : memref<!tpu.dma_semaphore, #tpu.memory_space<semaphore_mem>>) src(%dma_wait3A_411 : memref<10000x128xf32, #tpu.memory_space<hbm>>) dst(%dma_wait3A_405 : memref<100x128xf32, #tpu.memory_space<vmem>>)
      %dma_start3A_412 = arith.constant 0 : i32
      %dma_start3A_413 = arith.constant 0 : i32
      %dma_start3A_414 = arith.constant 0 : i32
      %dma_start3A_415 = tpu.memref_slice %arg8[%dma_start3A_412, %dma_start3A_413, %dma_start3A_414] : memref<3x100x128xf32, #tpu.memory_space<vmem>> -> memref<1x100x128xf32, #tpu.memory_space<vmem>>
      %dma_start3A_416 = tpu.memref_squeeze %dma_start3A_415 : memref<1x100x128xf32, #tpu.memory_space<vmem>> -> memref<100x128xf32, #tpu.memory_space<vmem>>
      %dma_start3A_417 = arith.constant 0 : i32
      %dma_start3A_418 = tpu.memref_slice %arg7[%add3A_399, %dma_start3A_417] : memref<25x100xi32, #tpu.memory_space<vmem>> -> memref<1x100xi32, #tpu.memory_space<vmem>>
      %dma_start3A_419 = tpu.memref_squeeze %dma_start3A_418 : memref<1x100xi32, #tpu.memory_space<vmem>> -> memref<100xi32, #tpu.memory_space<vmem>>
      %dma_start3A_420 = arith.constant 0 : i32
      %dma_start3A_421 = arith.constant 0 : i32
      %dma_start3A_422 = tpu.memref_slice %arg9[%dma_start3A_420, %dma_start3A_421] : memref<10240x128xf32, #tpu.memory_space<vmem_shared>> -> memref<10240x128xf32, #tpu.memory_space<vmem_shared>>
      tpu.enqueue_indirect_dma source(%dma_start3A_416 : memref<100x128xf32, #tpu.memory_space<vmem>>) target(%dma_start3A_422 : memref<10240x128xf32, #tpu.memory_space<vmem_shared>>) offsets(%dma_start3A_419 : memref<100xi32, #tpu.memory_space<vmem>>) semaphore(%arg10 : memref<!tpu.dma_semaphore, #tpu.memory_space<semaphore_mem>>) {add = true}
      %add3A_423 = arith.constant 2 : i32
      %add3A_424 = arith.addi %add3A_399, %add3A_423 : i32
      %lt3A = arith.constant 25 : i32
      %lt3A_425 = arith.cmpi slt, %add3A_424, %lt3A : i32
      %convert_element_type3A = arith.extui %lt3A_425 : i1 to i32
      %cond3A = arith.constant 0 : i32
      %cond3A_426 = arith.cmpi ne, %convert_element_type3A, %cond3A : i32
      scf.if %cond3A_426 {
        %ge3A = arith.constant 1 : i32
        %ge3A_491 = arith.cmpi sge, %add3A_399, %ge3A : i32
        %convert_element_type3A_492 = arith.extui %ge3A_491 : i1 to i32
        %cond3A_493 = arith.constant 0 : i32
        %cond3A_494 = arith.cmpi ne, %convert_element_type3A_492, %cond3A_493 : i32
        scf.if %cond3A_494 {
          %dma_wait3A_508 = arith.constant 2 : i32
          %dma_wait3A_509 = arith.constant 0 : i32
          %dma_wait3A_510 = arith.constant 0 : i32
          %dma_wait3A_511 = arith.constant 0 : i32
          %dma_wait3A_512 = tpu.memref_slice %arg8[%dma_wait3A_508, %dma_wait3A_510, %dma_wait3A_511] : memref<3x100x128xf32, #tpu.memory_space<vmem>> -> memref<1x100x128xf32, #tpu.memory_space<vmem>>
          %dma_wait3A_513 = tpu.memref_squeeze %dma_wait3A_512 : memref<1x100x128xf32, #tpu.memory_space<vmem>> -> memref<100x128xf32, #tpu.memory_space<vmem>>
          %dma_wait3A_514 = arith.constant 0 : i32
          %dma_wait3A_515 = tpu.memref_slice %arg7[%dma_wait3A_509, %dma_wait3A_514] : memref<25x100xi32, #tpu.memory_space<vmem>> -> memref<1x100xi32, #tpu.memory_space<vmem>>
          %dma_wait3A_516 = tpu.memref_squeeze %dma_wait3A_515 : memref<1x100xi32, #tpu.memory_space<vmem>> -> memref<100xi32, #tpu.memory_space<vmem>>
          %dma_wait3A_517 = arith.constant 0 : i32
          %dma_wait3A_518 = arith.constant 0 : i32
          %dma_wait3A_519 = tpu.memref_slice %arg9[%dma_wait3A_517, %dma_wait3A_518] : memref<10240x128xf32, #tpu.memory_space<vmem_shared>> -> memref<10240x128xf32, #tpu.memory_space<vmem_shared>>
          tpu.wait_indirect_dma semaphore(%arg12 : memref<!tpu.dma_semaphore, #tpu.memory_space<semaphore_mem>>) src(%dma_wait3A_513 : memref<100x128xf32, #tpu.memory_space<vmem>>) dst(%dma_wait3A_519 : memref<10240x128xf32, #tpu.memory_space<vmem_shared>>)
        } else {
        }
        %add3A_495 = arith.constant 2 : i32
        %add3A_496 = arith.addi %add3A_399, %add3A_495 : i32
        %dma_start3A_497 = arith.constant 2 : i32
        %dma_start3A_498 = arith.constant 0 : i32
        %dma_start3A_499 = arith.constant 0 : i32
        %dma_start3A_500 = tpu.memref_slice %arg8[%dma_start3A_497, %dma_start3A_498, %dma_start3A_499] : memref<3x100x128xf32, #tpu.memory_space<vmem>> -> memref<1x100x128xf32, #tpu.memory_space<vmem>>
        %dma_start3A_501 = tpu.memref_squeeze %dma_start3A_500 : memref<1x100x128xf32, #tpu.memory_space<vmem>> -> memref<100x128xf32, #tpu.memory_space<vmem>>
        %dma_start3A_502 = arith.constant 0 : i32
        %dma_start3A_503 = tpu.memref_slice %arg6[%add3A_496, %dma_start3A_502] : memref<25x100xi32, #tpu.memory_space<vmem>> -> memref<1x100xi32, #tpu.memory_space<vmem>>
        %dma_start3A_504 = tpu.memref_squeeze %dma_start3A_503 : memref<1x100xi32, #tpu.memory_space<vmem>> -> memref<100xi32, #tpu.memory_space<vmem>>
        %dma_start3A_505 = arith.constant 0 : i32
        %dma_start3A_506 = arith.constant 0 : i32
        %dma_start3A_507 = tpu.memref_slice %arg2[%dma_start3A_505, %dma_start3A_506] : memref<10000x128xf32, #tpu.memory_space<hbm>> -> memref<10000x128xf32, #tpu.memory_space<hbm>>
        tpu.enqueue_indirect_dma source(%dma_start3A_507 : memref<10000x128xf32, #tpu.memory_space<hbm>>) target(%dma_start3A_501 : memref<100x128xf32, #tpu.memory_space<vmem>>) offsets(%dma_start3A_504 : memref<100xi32, #tpu.memory_space<vmem>>) semaphore(%arg12 : memref<!tpu.dma_semaphore, #tpu.memory_space<semaphore_mem>>)
      } else {
      }
      %add3A_427 = arith.constant 1 : i32
      %add3A_428 = arith.addi %mul3A_397, %add3A_427 : i32
      %dma_wait3A_429 = arith.constant 0 : i32
      %dma_wait3A_430 = arith.constant 1 : i32
      %dma_wait3A_431 = arith.constant 0 : i32
      %dma_wait3A_432 = arith.constant 0 : i32
      %dma_wait3A_433 = tpu.memref_slice %arg8[%dma_wait3A_430, %dma_wait3A_431, %dma_wait3A_432] : memref<3x100x128xf32, #tpu.memory_space<vmem>> -> memref<1x100x128xf32, #tpu.memory_space<vmem>>
      %dma_wait3A_434 = tpu.memref_squeeze %dma_wait3A_433 : memref<1x100x128xf32, #tpu.memory_space<vmem>> -> memref<100x128xf32, #tpu.memory_space<vmem>>
      %dma_wait3A_435 = arith.constant 0 : i32
      %dma_wait3A_436 = tpu.memref_slice %arg6[%dma_wait3A_429, %dma_wait3A_435] : memref<25x100xi32, #tpu.memory_space<vmem>> -> memref<1x100xi32, #tpu.memory_space<vmem>>
      %dma_wait3A_437 = tpu.memref_squeeze %dma_wait3A_436 : memref<1x100xi32, #tpu.memory_space<vmem>> -> memref<100xi32, #tpu.memory_space<vmem>>
      %dma_wait3A_438 = arith.constant 0 : i32
      %dma_wait3A_439 = arith.constant 0 : i32
      %dma_wait3A_440 = tpu.memref_slice %arg2[%dma_wait3A_438, %dma_wait3A_439] : memref<10000x128xf32, #tpu.memory_space<hbm>> -> memref<10000x128xf32, #tpu.memory_space<hbm>>
      tpu.wait_indirect_dma semaphore(%arg11 : memref<!tpu.dma_semaphore, #tpu.memory_space<semaphore_mem>>) src(%dma_wait3A_440 : memref<10000x128xf32, #tpu.memory_space<hbm>>) dst(%dma_wait3A_434 : memref<100x128xf32, #tpu.memory_space<vmem>>)
      %dma_start3A_441 = arith.constant 1 : i32
      %dma_start3A_442 = arith.constant 0 : i32
      %dma_start3A_443 = arith.constant 0 : i32
      %dma_start3A_444 = tpu.memref_slice %arg8[%dma_start3A_441, %dma_start3A_442, %dma_start3A_443] : memref<3x100x128xf32, #tpu.memory_space<vmem>> -> memref<1x100x128xf32, #tpu.memory_space<vmem>>
      %dma_start3A_445 = tpu.memref_squeeze %dma_start3A_444 : memref<1x100x128xf32, #tpu.memory_space<vmem>> -> memref<100x128xf32, #tpu.memory_space<vmem>>
      %dma_start3A_446 = arith.constant 0 : i32
      %dma_start3A_447 = tpu.memref_slice %arg7[%add3A_428, %dma_start3A_446] : memref<25x100xi32, #tpu.memory_space<vmem>> -> memref<1x100xi32, #tpu.memory_space<vmem>>
      %dma_start3A_448 = tpu.memref_squeeze %dma_start3A_447 : memref<1x100xi32, #tpu.memory_space<vmem>> -> memref<100xi32, #tpu.memory_space<vmem>>
      %dma_start3A_449 = arith.constant 0 : i32
      %dma_start3A_450 = arith.constant 0 : i32
      %dma_start3A_451 = tpu.memref_slice %arg9[%dma_start3A_449, %dma_start3A_450] : memref<10240x128xf32, #tpu.memory_space<vmem_shared>> -> memref<10240x128xf32, #tpu.memory_space<vmem_shared>>
      tpu.enqueue_indirect_dma source(%dma_start3A_445 : memref<100x128xf32, #tpu.memory_space<vmem>>) target(%dma_start3A_451 : memref<10240x128xf32, #tpu.memory_space<vmem_shared>>) offsets(%dma_start3A_448 : memref<100xi32, #tpu.memory_space<vmem>>) semaphore(%arg11 : memref<!tpu.dma_semaphore, #tpu.memory_space<semaphore_mem>>) {add = true}
      %add3A_452 = arith.constant 2 : i32
      %add3A_453 = arith.addi %add3A_428, %add3A_452 : i32
      %lt3A_454 = arith.constant 25 : i32
      %lt3A_455 = arith.cmpi slt, %add3A_453, %lt3A_454 : i32
      %convert_element_type3A_456 = arith.extui %lt3A_455 : i1 to i32
      %cond3A_457 = arith.constant 0 : i32
      %cond3A_458 = arith.cmpi ne, %convert_element_type3A_456, %cond3A_457 : i32
      scf.if %cond3A_458 {
        %ge3A = arith.constant 1 : i32
        %ge3A_491 = arith.cmpi sge, %add3A_428, %ge3A : i32
        %convert_element_type3A_492 = arith.extui %ge3A_491 : i1 to i32
        %cond3A_493 = arith.constant 0 : i32
        %cond3A_494 = arith.cmpi ne, %convert_element_type3A_492, %cond3A_493 : i32
        scf.if %cond3A_494 {
          %dma_wait3A_508 = arith.constant 0 : i32
          %dma_wait3A_509 = arith.constant 0 : i32
          %dma_wait3A_510 = arith.constant 0 : i32
          %dma_wait3A_511 = arith.constant 0 : i32
          %dma_wait3A_512 = tpu.memref_slice %arg8[%dma_wait3A_508, %dma_wait3A_510, %dma_wait3A_511] : memref<3x100x128xf32, #tpu.memory_space<vmem>> -> memref<1x100x128xf32, #tpu.memory_space<vmem>>
          %dma_wait3A_513 = tpu.memref_squeeze %dma_wait3A_512 : memref<1x100x128xf32, #tpu.memory_space<vmem>> -> memref<100x128xf32, #tpu.memory_space<vmem>>
          %dma_wait3A_514 = arith.constant 0 : i32
          %dma_wait3A_515 = tpu.memref_slice %arg7[%dma_wait3A_509, %dma_wait3A_514] : memref<25x100xi32, #tpu.memory_space<vmem>> -> memref<1x100xi32, #tpu.memory_space<vmem>>
          %dma_wait3A_516 = tpu.memref_squeeze %dma_wait3A_515 : memref<1x100xi32, #tpu.memory_space<vmem>> -> memref<100xi32, #tpu.memory_space<vmem>>
          %dma_wait3A_517 = arith.constant 0 : i32
          %dma_wait3A_518 = arith.constant 0 : i32
          %dma_wait3A_519 = tpu.memref_slice %arg9[%dma_wait3A_517, %dma_wait3A_518] : memref<10240x128xf32, #tpu.memory_space<vmem_shared>> -> memref<10240x128xf32, #tpu.memory_space<vmem_shared>>
          tpu.wait_indirect_dma semaphore(%arg10 : memref<!tpu.dma_semaphore, #tpu.memory_space<semaphore_mem>>) src(%dma_wait3A_513 : memref<100x128xf32, #tpu.memory_space<vmem>>) dst(%dma_wait3A_519 : memref<10240x128xf32, #tpu.memory_space<vmem_shared>>)
        } else {
        }
        %add3A_495 = arith.constant 2 : i32
        %add3A_496 = arith.addi %add3A_428, %add3A_495 : i32
        %dma_start3A_497 = arith.constant 0 : i32
        %dma_start3A_498 = arith.constant 0 : i32
        %dma_start3A_499 = arith.constant 0 : i32
        %dma_start3A_500 = tpu.memref_slice %arg8[%dma_start3A_497, %dma_start3A_498, %dma_start3A_499] : memref<3x100x128xf32, #tpu.memory_space<vmem>> -> memref<1x100x128xf32, #tpu.memory_space<vmem>>
        %dma_start3A_501 = tpu.memref_squeeze %dma_start3A_500 : memref<1x100x128xf32, #tpu.memory_space<vmem>> -> memref<100x128xf32, #tpu.memory_space<vmem>>
        %dma_start3A_502 = arith.constant 0 : i32
        %dma_start3A_503 = tpu.memref_slice %arg6[%add3A_496, %dma_start3A_502] : memref<25x100xi32, #tpu.memory_space<vmem>> -> memref<1x100xi32, #tpu.memory_space<vmem>>
        %dma_start3A_504 = tpu.memref_squeeze %dma_start3A_503 : memref<1x100xi32, #tpu.memory_space<vmem>> -> memref<100xi32, #tpu.memory_space<vmem>>
        %dma_start3A_505 = arith.constant 0 : i32
        %dma_start3A_506 = arith.constant 0 : i32
        %dma_start3A_507 = tpu.memref_slice %arg2[%dma_start3A_505, %dma_start3A_506] : memref<10000x128xf32, #tpu.memory_space<hbm>> -> memref<10000x128xf32, #tpu.memory_space<hbm>>
        tpu.enqueue_indirect_dma source(%dma_start3A_507 : memref<10000x128xf32, #tpu.memory_space<hbm>>) target(%dma_start3A_501 : memref<100x128xf32, #tpu.memory_space<vmem>>) offsets(%dma_start3A_504 : memref<100xi32, #tpu.memory_space<vmem>>) semaphore(%arg10 : memref<!tpu.dma_semaphore, #tpu.memory_space<semaphore_mem>>)
      } else {
      }
      %add3A_459 = arith.constant 2 : i32
      %add3A_460 = arith.addi %mul3A_397, %add3A_459 : i32
      %dma_wait3A_461 = arith.constant 0 : i32
      %dma_wait3A_462 = arith.constant 2 : i32
      %dma_wait3A_463 = arith.constant 0 : i32
      %dma_wait3A_464 = arith.constant 0 : i32
      %dma_wait3A_465 = tpu.memref_slice %arg8[%dma_wait3A_462, %dma_wait3A_463, %dma_wait3A_464] : memref<3x100x128xf32, #tpu.memory_space<vmem>> -> memref<1x100x128xf32, #tpu.memory_space<vmem>>
      %dma_wait3A_466 = tpu.memref_squeeze %dma_wait3A_465 : memref<1x100x128xf32, #tpu.memory_space<vmem>> -> memref<100x128xf32, #tpu.memory_space<vmem>>
      %dma_wait3A_467 = arith.constant 0 : i32
      %dma_wait3A_468 = tpu.memref_slice %arg6[%dma_wait3A_461, %dma_wait3A_467] : memref<25x100xi32, #tpu.memory_space<vmem>> -> memref<1x100xi32, #tpu.memory_space<vmem>>
      %dma_wait3A_469 = tpu.memref_squeeze %dma_wait3A_468 : memref<1x100xi32, #tpu.memory_space<vmem>> -> memref<100xi32, #tpu.memory_space<vmem>>
      %dma_wait3A_470 = arith.constant 0 : i32
      %dma_wait3A_471 = arith.constant 0 : i32
      %dma_wait3A_472 = tpu.memref_slice %arg2[%dma_wait3A_470, %dma_wait3A_471] : memref<10000x128xf32, #tpu.memory_space<hbm>> -> memref<10000x128xf32, #tpu.memory_space<hbm>>
      tpu.wait_indirect_dma semaphore(%arg12 : memref<!tpu.dma_semaphore, #tpu.memory_space<semaphore_mem>>) src(%dma_wait3A_472 : memref<10000x128xf32, #tpu.memory_space<hbm>>) dst(%dma_wait3A_466 : memref<100x128xf32, #tpu.memory_space<vmem>>)
      %dma_start3A_473 = arith.constant 2 : i32
      %dma_start3A_474 = arith.constant 0 : i32
      %dma_start3A_475 = arith.constant 0 : i32
      %dma_start3A_476 = tpu.memref_slice %arg8[%dma_start3A_473, %dma_start3A_474, %dma_start3A_475] : memref<3x100x128xf32, #tpu.memory_space<vmem>> -> memref<1x100x128xf32, #tpu.memory_space<vmem>>
      %dma_start3A_477 = tpu.memref_squeeze %dma_start3A_476 : memref<1x100x128xf32, #tpu.memory_space<vmem>> -> memref<100x128xf32, #tpu.memory_space<vmem>>
      %dma_start3A_478 = arith.constant 0 : i32
      %dma_start3A_479 = tpu.memref_slice %arg7[%add3A_460, %dma_start3A_478] : memref<25x100xi32, #tpu.memory_space<vmem>> -> memref<1x100xi32, #tpu.memory_space<vmem>>
      %dma_start3A_480 = tpu.memref_squeeze %dma_start3A_479 : memref<1x100xi32, #tpu.memory_space<vmem>> -> memref<100xi32, #tpu.memory_space<vmem>>
      %dma_start3A_481 = arith.constant 0 : i32
      %dma_start3A_482 = arith.constant 0 : i32
      %dma_start3A_483 = tpu.memref_slice %arg9[%dma_start3A_481, %dma_start3A_482] : memref<10240x128xf32, #tpu.memory_space<vmem_shared>> -> memref<10240x128xf32, #tpu.memory_space<vmem_shared>>
      tpu.enqueue_indirect_dma source(%dma_start3A_477 : memref<100x128xf32, #tpu.memory_space<vmem>>) target(%dma_start3A_483 : memref<10240x128xf32, #tpu.memory_space<vmem_shared>>) offsets(%dma_start3A_480 : memref<100xi32, #tpu.memory_space<vmem>>) semaphore(%arg12 : memref<!tpu.dma_semaphore, #tpu.memory_space<semaphore_mem>>) {add = true}
      %add3A_484 = arith.constant 2 : i32
      %add3A_485 = arith.addi %add3A_460, %add3A_484 : i32
      %lt3A_486 = arith.constant 25 : i32
      %lt3A_487 = arith.cmpi slt, %add3A_485, %lt3A_486 : i32
      %convert_element_type3A_488 = arith.extui %lt3A_487 : i1 to i32
      %cond3A_489 = arith.constant 0 : i32
      %cond3A_490 = arith.cmpi ne, %convert_element_type3A_488, %cond3A_489 : i32
      scf.if %cond3A_490 {
        %ge3A = arith.constant 1 : i32
        %ge3A_491 = arith.cmpi sge, %add3A_460, %ge3A : i32
        %convert_element_type3A_492 = arith.extui %ge3A_491 : i1 to i32
        %cond3A_493 = arith.constant 0 : i32
        %cond3A_494 = arith.cmpi ne, %convert_element_type3A_492, %cond3A_493 : i32
        scf.if %cond3A_494 {
          %dma_wait3A_508 = arith.constant 1 : i32
          %dma_wait3A_509 = arith.constant 0 : i32
          %dma_wait3A_510 = arith.constant 0 : i32
          %dma_wait3A_511 = arith.constant 0 : i32
          %dma_wait3A_512 = tpu.memref_slice %arg8[%dma_wait3A_508, %dma_wait3A_510, %dma_wait3A_511] : memref<3x100x128xf32, #tpu.memory_space<vmem>> -> memref<1x100x128xf32, #tpu.memory_space<vmem>>
          %dma_wait3A_513 = tpu.memref_squeeze %dma_wait3A_512 : memref<1x100x128xf32, #tpu.memory_space<vmem>> -> memref<100x128xf32, #tpu.memory_space<vmem>>
          %dma_wait3A_514 = arith.constant 0 : i32
          %dma_wait3A_515 = tpu.memref_slice %arg7[%dma_wait3A_509, %dma_wait3A_514] : memref<25x100xi32, #tpu.memory_space<vmem>> -> memref<1x100xi32, #tpu.memory_space<vmem>>
          %dma_wait3A_516 = tpu.memref_squeeze %dma_wait3A_515 : memref<1x100xi32, #tpu.memory_space<vmem>> -> memref<100xi32, #tpu.memory_space<vmem>>
          %dma_wait3A_517 = arith.constant 0 : i32
          %dma_wait3A_518 = arith.constant 0 : i32
          %dma_wait3A_519 = tpu.memref_slice %arg9[%dma_wait3A_517, %dma_wait3A_518] : memref<10240x128xf32, #tpu.memory_space<vmem_shared>> -> memref<10240x128xf32, #tpu.memory_space<vmem_shared>>
          tpu.wait_indirect_dma semaphore(%arg11 : memref<!tpu.dma_semaphore, #tpu.memory_space<semaphore_mem>>) src(%dma_wait3A_513 : memref<100x128xf32, #tpu.memory_space<vmem>>) dst(%dma_wait3A_519 : memref<10240x128xf32, #tpu.memory_space<vmem_shared>>)
        } else {
        }
        %add3A_495 = arith.constant 2 : i32
        %add3A_496 = arith.addi %add3A_460, %add3A_495 : i32
        %dma_start3A_497 = arith.constant 1 : i32
        %dma_start3A_498 = arith.constant 0 : i32
        %dma_start3A_499 = arith.constant 0 : i32
        %dma_start3A_500 = tpu.memref_slice %arg8[%dma_start3A_497, %dma_start3A_498, %dma_start3A_499] : memref<3x100x128xf32, #tpu.memory_space<vmem>> -> memref<1x100x128xf32, #tpu.memory_space<vmem>>
        %dma_start3A_501 = tpu.memref_squeeze %dma_start3A_500 : memref<1x100x128xf32, #tpu.memory_space<vmem>> -> memref<100x128xf32, #tpu.memory_space<vmem>>
        %dma_start3A_502 = arith.constant 0 : i32
        %dma_start3A_503 = tpu.memref_slice %arg6[%add3A_496, %dma_start3A_502] : memref<25x100xi32, #tpu.memory_space<vmem>> -> memref<1x100xi32, #tpu.memory_space<vmem>>
        %dma_start3A_504 = tpu.memref_squeeze %dma_start3A_503 : memref<1x100xi32, #tpu.memory_space<vmem>> -> memref<100xi32, #tpu.memory_space<vmem>>
        %dma_start3A_505 = arith.constant 0 : i32
        %dma_start3A_506 = arith.constant 0 : i32
        %dma_start3A_507 = tpu.memref_slice %arg2[%dma_start3A_505, %dma_start3A_506] : memref<10000x128xf32, #tpu.memory_space<hbm>> -> memref<10000x128xf32, #tpu.memory_space<hbm>>
        tpu.enqueue_indirect_dma source(%dma_start3A_507 : memref<10000x128xf32, #tpu.memory_space<hbm>>) target(%dma_start3A_501 : memref<100x128xf32, #tpu.memory_space<vmem>>) offsets(%dma_start3A_504 : memref<100xi32, #tpu.memory_space<vmem>>) semaphore(%arg11 : memref<!tpu.dma_semaphore, #tpu.memory_space<semaphore_mem>>)
      } else {
      }
    }
    %scan3A_149 = arith.constant 8 : i32
    %dma_wait3A_150 = arith.constant 0 : i32
    %dma_wait3A_151 = arith.constant 0 : i32
    %dma_wait3A_152 = arith.constant 0 : i32
    %dma_wait3A_153 = arith.constant 0 : i32
    %dma_wait3A_154 = tpu.memref_slice %arg8[%dma_wait3A_151, %dma_wait3A_152, %dma_wait3A_153] : memref<3x100x128xf32, #tpu.memory_space<vmem>> -> memref<1x100x128xf32, #tpu.memory_space<vmem>>
    %dma_wait3A_155 = tpu.memref_squeeze %dma_wait3A_154 : memref<1x100x128xf32, #tpu.memory_space<vmem>> -> memref<100x128xf32, #tpu.memory_space<vmem>>
    %dma_wait3A_156 = arith.constant 0 : i32
    %dma_wait3A_157 = tpu.memref_slice %arg6[%dma_wait3A_150, %dma_wait3A_156] : memref<25x100xi32, #tpu.memory_space<vmem>> -> memref<1x100xi32, #tpu.memory_space<vmem>>
    %dma_wait3A_158 = tpu.memref_squeeze %dma_wait3A_157 : memref<1x100xi32, #tpu.memory_space<vmem>> -> memref<100xi32, #tpu.memory_space<vmem>>
    %dma_wait3A_159 = arith.constant 0 : i32
    %dma_wait3A_160 = arith.constant 0 : i32
    %dma_wait3A_161 = tpu.memref_slice %arg2[%dma_wait3A_159, %dma_wait3A_160] : memref<10000x128xf32, #tpu.memory_space<hbm>> -> memref<10000x128xf32, #tpu.memory_space<hbm>>
    tpu.wait_indirect_dma semaphore(%arg10 : memref<!tpu.dma_semaphore, #tpu.memory_space<semaphore_mem>>) src(%dma_wait3A_161 : memref<10000x128xf32, #tpu.memory_space<hbm>>) dst(%dma_wait3A_155 : memref<100x128xf32, #tpu.memory_space<vmem>>)
    %dma_start3A_162 = arith.constant 0 : i32
    %dma_start3A_163 = arith.constant 24 : i32
    %dma_start3A_164 = arith.constant 0 : i32
    %dma_start3A_165 = arith.constant 0 : i32
    %dma_start3A_166 = tpu.memref_slice %arg8[%dma_start3A_162, %dma_start3A_164, %dma_start3A_165] : memref<3x100x128xf32, #tpu.memory_space<vmem>> -> memref<1x100x128xf32, #tpu.memory_space<vmem>>
    %dma_start3A_167 = tpu.memref_squeeze %dma_start3A_166 : memref<1x100x128xf32, #tpu.memory_space<vmem>> -> memref<100x128xf32, #tpu.memory_space<vmem>>
    %dma_start3A_168 = arith.constant 0 : i32
    %dma_start3A_169 = tpu.memref_slice %arg7[%dma_start3A_163, %dma_start3A_168] : memref<25x100xi32, #tpu.memory_space<vmem>> -> memref<1x100xi32, #tpu.memory_space<vmem>>
    %dma_start3A_170 = tpu.memref_squeeze %dma_start3A_169 : memref<1x100xi32, #tpu.memory_space<vmem>> -> memref<100xi32, #tpu.memory_space<vmem>>
    %dma_start3A_171 = arith.constant 0 : i32
    %dma_start3A_172 = arith.constant 0 : i32
    %dma_start3A_173 = tpu.memref_slice %arg9[%dma_start3A_171, %dma_start3A_172] : memref<10240x128xf32, #tpu.memory_space<vmem_shared>> -> memref<10240x128xf32, #tpu.memory_space<vmem_shared>>
    tpu.enqueue_indirect_dma source(%dma_start3A_167 : memref<100x128xf32, #tpu.memory_space<vmem>>) target(%dma_start3A_173 : memref<10240x128xf32, #tpu.memory_space<vmem_shared>>) offsets(%dma_start3A_170 : memref<100xi32, #tpu.memory_space<vmem>>) semaphore(%arg10 : memref<!tpu.dma_semaphore, #tpu.memory_space<semaphore_mem>>) {add = true}
    %dma_wait3A_174 = arith.constant 1 : i32
    %dma_wait3A_175 = arith.constant 0 : i32
    %dma_wait3A_176 = arith.constant 0 : i32
    %dma_wait3A_177 = arith.constant 0 : i32
    %dma_wait3A_178 = tpu.memref_slice %arg8[%dma_wait3A_174, %dma_wait3A_176, %dma_wait3A_177] : memref<3x100x128xf32, #tpu.memory_space<vmem>> -> memref<1x100x128xf32, #tpu.memory_space<vmem>>
    %dma_wait3A_179 = tpu.memref_squeeze %dma_wait3A_178 : memref<1x100x128xf32, #tpu.memory_space<vmem>> -> memref<100x128xf32, #tpu.memory_space<vmem>>
    %dma_wait3A_180 = arith.constant 0 : i32
    %dma_wait3A_181 = tpu.memref_slice %arg7[%dma_wait3A_175, %dma_wait3A_180] : memref<25x100xi32, #tpu.memory_space<vmem>> -> memref<1x100xi32, #tpu.memory_space<vmem>>
    %dma_wait3A_182 = tpu.memref_squeeze %dma_wait3A_181 : memref<1x100xi32, #tpu.memory_space<vmem>> -> memref<100xi32, #tpu.memory_space<vmem>>
    %dma_wait3A_183 = arith.constant 0 : i32
    %dma_wait3A_184 = arith.constant 0 : i32
    %dma_wait3A_185 = tpu.memref_slice %arg9[%dma_wait3A_183, %dma_wait3A_184] : memref<10240x128xf32, #tpu.memory_space<vmem_shared>> -> memref<10240x128xf32, #tpu.memory_space<vmem_shared>>
    tpu.wait_indirect_dma semaphore(%arg11 : memref<!tpu.dma_semaphore, #tpu.memory_space<semaphore_mem>>) src(%dma_wait3A_179 : memref<100x128xf32, #tpu.memory_space<vmem>>) dst(%dma_wait3A_185 : memref<10240x128xf32, #tpu.memory_space<vmem_shared>>)
    %dma_wait3A_186 = arith.constant 2 : i32
    %dma_wait3A_187 = arith.constant 0 : i32
    %dma_wait3A_188 = arith.constant 0 : i32
    %dma_wait3A_189 = arith.constant 0 : i32
    %dma_wait3A_190 = tpu.memref_slice %arg8[%dma_wait3A_186, %dma_wait3A_188, %dma_wait3A_189] : memref<3x100x128xf32, #tpu.memory_space<vmem>> -> memref<1x100x128xf32, #tpu.memory_space<vmem>>
    %dma_wait3A_191 = tpu.memref_squeeze %dma_wait3A_190 : memref<1x100x128xf32, #tpu.memory_space<vmem>> -> memref<100x128xf32, #tpu.memory_space<vmem>>
    %dma_wait3A_192 = arith.constant 0 : i32
    %dma_wait3A_193 = tpu.memref_slice %arg7[%dma_wait3A_187, %dma_wait3A_192] : memref<25x100xi32, #tpu.memory_space<vmem>> -> memref<1x100xi32, #tpu.memory_space<vmem>>
    %dma_wait3A_194 = tpu.memref_squeeze %dma_wait3A_193 : memref<1x100xi32, #tpu.memory_space<vmem>> -> memref<100xi32, #tpu.memory_space<vmem>>
    %dma_wait3A_195 = arith.constant 0 : i32
    %dma_wait3A_196 = arith.constant 0 : i32
    %dma_wait3A_197 = tpu.memref_slice %arg9[%dma_wait3A_195, %dma_wait3A_196] : memref<10240x128xf32, #tpu.memory_space<vmem_shared>> -> memref<10240x128xf32, #tpu.memory_space<vmem_shared>>
    tpu.wait_indirect_dma semaphore(%arg12 : memref<!tpu.dma_semaphore, #tpu.memory_space<semaphore_mem>>) src(%dma_wait3A_191 : memref<100x128xf32, #tpu.memory_space<vmem>>) dst(%dma_wait3A_197 : memref<10240x128xf32, #tpu.memory_space<vmem_shared>>)
    %dma_wait3A_198 = arith.constant 0 : i32
    %dma_wait3A_199 = arith.constant 0 : i32
    %dma_wait3A_200 = arith.constant 0 : i32
    %dma_wait3A_201 = arith.constant 0 : i32
    %dma_wait3A_202 = tpu.memref_slice %arg8[%dma_wait3A_198, %dma_wait3A_200, %dma_wait3A_201] : memref<3x100x128xf32, #tpu.memory_space<vmem>> -> memref<1x100x128xf32, #tpu.memory_space<vmem>>
    %dma_wait3A_203 = tpu.memref_squeeze %dma_wait3A_202 : memref<1x100x128xf32, #tpu.memory_space<vmem>> -> memref<100x128xf32, #tpu.memory_space<vmem>>
    %dma_wait3A_204 = arith.constant 0 : i32
    %dma_wait3A_205 = tpu.memref_slice %arg7[%dma_wait3A_199, %dma_wait3A_204] : memref<25x100xi32, #tpu.memory_space<vmem>> -> memref<1x100xi32, #tpu.memory_space<vmem>>
    %dma_wait3A_206 = tpu.memref_squeeze %dma_wait3A_205 : memref<1x100xi32, #tpu.memory_space<vmem>> -> memref<100xi32, #tpu.memory_space<vmem>>
    %dma_wait3A_207 = arith.constant 0 : i32
    %dma_wait3A_208 = arith.constant 0 : i32
    %dma_wait3A_209 = tpu.memref_slice %arg9[%dma_wait3A_207, %dma_wait3A_208] : memref<10240x128xf32, #tpu.memory_space<vmem_shared>> -> memref<10240x128xf32, #tpu.memory_space<vmem_shared>>
    tpu.wait_indirect_dma semaphore(%arg10 : memref<!tpu.dma_semaphore, #tpu.memory_space<semaphore_mem>>) src(%dma_wait3A_203 : memref<100x128xf32, #tpu.memory_space<vmem>>) dst(%dma_wait3A_209 : memref<10240x128xf32, #tpu.memory_space<vmem_shared>>)
    %run_scoped3A_210 = arith.constant 2 : i32
    "tpu.region"() ({
      %run_scoped3A_395 = tpu.sem_alloc : memref<!tpu.dma_semaphore, #tpu.memory_space<semaphore_mem>>
      %dma_start3A_396 = arith.constant 0 : i32
      %dma_start3A_397 = arith.constant 0 : i32
      %dma_start3A_398 = tpu.memref_slice %arg3[%add3A, %run_scoped3A_210, %dma_start3A_396, %dma_start3A_397] : memref<32x4x25x100xi32, #tpu.memory_space<hbm>> -> memref<1x1x25x100xi32, #tpu.memory_space<hbm>>
      %dma_start3A_399 = tpu.memref_squeeze %dma_start3A_398 : memref<1x1x25x100xi32, #tpu.memory_space<hbm>> -> memref<25x100xi32, #tpu.memory_space<hbm>>
      %dma_start3A_400 = arith.constant 0 : i32
      %dma_start3A_401 = arith.constant 0 : i32
      %dma_start3A_402 = tpu.memref_slice %arg3[%add3A, %run_scoped3A_210, %dma_start3A_400, %dma_start3A_401] : memref<32x4x25x100xi32, #tpu.memory_space<hbm>> -> memref<1x1x25x100xi32, #tpu.memory_space<hbm>>
      %dma_start3A_403 = tpu.memref_squeeze %dma_start3A_402 : memref<1x1x25x100xi32, #tpu.memory_space<hbm>> -> memref<25x100xi32, #tpu.memory_space<hbm>>
      tpu.enqueue_dma source(%dma_start3A_403 : memref<25x100xi32, #tpu.memory_space<hbm>>) target(%arg6 : memref<25x100xi32, #tpu.memory_space<vmem>>) target_semaphore(%run_scoped3A_395 : memref<!tpu.dma_semaphore, #tpu.memory_space<semaphore_mem>>)
      %dma_wait3A_404 = arith.constant 0 : i32
      %dma_wait3A_405 = arith.constant 0 : i32
      %dma_wait3A_406 = tpu.memref_slice %arg3[%add3A, %run_scoped3A_210, %dma_wait3A_404, %dma_wait3A_405] : memref<32x4x25x100xi32, #tpu.memory_space<hbm>> -> memref<1x1x25x100xi32, #tpu.memory_space<hbm>>
      %dma_wait3A_407 = tpu.memref_squeeze %dma_wait3A_406 : memref<1x1x25x100xi32, #tpu.memory_space<hbm>> -> memref<25x100xi32, #tpu.memory_space<hbm>>
      %dma_wait3A_408 = arith.constant 0 : i32
      %dma_wait3A_409 = arith.constant 0 : i32
      %dma_wait3A_410 = tpu.memref_slice %arg3[%add3A, %run_scoped3A_210, %dma_wait3A_408, %dma_wait3A_409] : memref<32x4x25x100xi32, #tpu.memory_space<hbm>> -> memref<1x1x25x100xi32, #tpu.memory_space<hbm>>
      %dma_wait3A_411 = tpu.memref_squeeze %dma_wait3A_410 : memref<1x1x25x100xi32, #tpu.memory_space<hbm>> -> memref<25x100xi32, #tpu.memory_space<hbm>>
      tpu.wait_dma2 semaphore(%run_scoped3A_395 : memref<!tpu.dma_semaphore, #tpu.memory_space<semaphore_mem>>) src(%dma_wait3A_411 : memref<25x100xi32, #tpu.memory_space<hbm>>) dst(%arg6 : memref<25x100xi32, #tpu.memory_space<vmem>>)
      tpu.yield
    }) : () -> ()
    %run_scoped3A_211 = arith.constant 2 : i32
    "tpu.region"() ({
      %run_scoped3A_395 = tpu.sem_alloc : memref<!tpu.dma_semaphore, #tpu.memory_space<semaphore_mem>>
      %dma_start3A_396 = arith.constant 0 : i32
      %dma_start3A_397 = arith.constant 0 : i32
      %dma_start3A_398 = tpu.memref_slice %arg4[%add3A, %run_scoped3A_211, %dma_start3A_396, %dma_start3A_397] : memref<32x4x25x100xi32, #tpu.memory_space<hbm>> -> memref<1x1x25x100xi32, #tpu.memory_space<hbm>>
      %dma_start3A_399 = tpu.memref_squeeze %dma_start3A_398 : memref<1x1x25x100xi32, #tpu.memory_space<hbm>> -> memref<25x100xi32, #tpu.memory_space<hbm>>
      %dma_start3A_400 = arith.constant 0 : i32
      %dma_start3A_401 = arith.constant 0 : i32
      %dma_start3A_402 = tpu.memref_slice %arg4[%add3A, %run_scoped3A_211, %dma_start3A_400, %dma_start3A_401] : memref<32x4x25x100xi32, #tpu.memory_space<hbm>> -> memref<1x1x25x100xi32, #tpu.memory_space<hbm>>
      %dma_start3A_403 = tpu.memref_squeeze %dma_start3A_402 : memref<1x1x25x100xi32, #tpu.memory_space<hbm>> -> memref<25x100xi32, #tpu.memory_space<hbm>>
      tpu.enqueue_dma source(%dma_start3A_403 : memref<25x100xi32, #tpu.memory_space<hbm>>) target(%arg7 : memref<25x100xi32, #tpu.memory_space<vmem>>) target_semaphore(%run_scoped3A_395 : memref<!tpu.dma_semaphore, #tpu.memory_space<semaphore_mem>>)
      %dma_wait3A_404 = arith.constant 0 : i32
      %dma_wait3A_405 = arith.constant 0 : i32
      %dma_wait3A_406 = tpu.memref_slice %arg4[%add3A, %run_scoped3A_211, %dma_wait3A_404, %dma_wait3A_405] : memref<32x4x25x100xi32, #tpu.memory_space<hbm>> -> memref<1x1x25x100xi32, #tpu.memory_space<hbm>>
      %dma_wait3A_407 = tpu.memref_squeeze %dma_wait3A_406 : memref<1x1x25x100xi32, #tpu.memory_space<hbm>> -> memref<25x100xi32, #tpu.memory_space<hbm>>
      %dma_wait3A_408 = arith.constant 0 : i32
      %dma_wait3A_409 = arith.constant 0 : i32
      %dma_wait3A_410 = tpu.memref_slice %arg4[%add3A, %run_scoped3A_211, %dma_wait3A_408, %dma_wait3A_409] : memref<32x4x25x100xi32, #tpu.memory_space<hbm>> -> memref<1x1x25x100xi32, #tpu.memory_space<hbm>>
      %dma_wait3A_411 = tpu.memref_squeeze %dma_wait3A_410 : memref<1x1x25x100xi32, #tpu.memory_space<hbm>> -> memref<25x100xi32, #tpu.memory_space<hbm>>
      tpu.wait_dma2 semaphore(%run_scoped3A_395 : memref<!tpu.dma_semaphore, #tpu.memory_space<semaphore_mem>>) src(%dma_wait3A_411 : memref<25x100xi32, #tpu.memory_space<hbm>>) dst(%arg7 : memref<25x100xi32, #tpu.memory_space<vmem>>)
      tpu.yield
    }) : () -> ()
    %dma_start3A_212 = arith.constant 0 : i32
    %dma_start3A_213 = arith.constant 0 : i32
    %dma_start3A_214 = arith.constant 0 : i32
    %dma_start3A_215 = arith.constant 0 : i32
    %dma_start3A_216 = tpu.memref_slice %arg8[%dma_start3A_213, %dma_start3A_214, %dma_start3A_215] : memref<3x100x128xf32, #tpu.memory_space<vmem>> -> memref<1x100x128xf32, #tpu.memory_space<vmem>>
    %dma_start3A_217 = tpu.memref_squeeze %dma_start3A_216 : memref<1x100x128xf32, #tpu.memory_space<vmem>> -> memref<100x128xf32, #tpu.memory_space<vmem>>
    %dma_start3A_218 = arith.constant 0 : i32
    %dma_start3A_219 = tpu.memref_slice %arg6[%dma_start3A_212, %dma_start3A_218] : memref<25x100xi32, #tpu.memory_space<vmem>> -> memref<1x100xi32, #tpu.memory_space<vmem>>
    %dma_start3A_220 = tpu.memref_squeeze %dma_start3A_219 : memref<1x100xi32, #tpu.memory_space<vmem>> -> memref<100xi32, #tpu.memory_space<vmem>>
    %dma_start3A_221 = arith.constant 0 : i32
    %dma_start3A_222 = arith.constant 0 : i32
    %dma_start3A_223 = tpu.memref_slice %arg2[%dma_start3A_221, %dma_start3A_222] : memref<10000x128xf32, #tpu.memory_space<hbm>> -> memref<10000x128xf32, #tpu.memory_space<hbm>>
    tpu.enqueue_indirect_dma source(%dma_start3A_223 : memref<10000x128xf32, #tpu.memory_space<hbm>>) target(%dma_start3A_217 : memref<100x128xf32, #tpu.memory_space<vmem>>) offsets(%dma_start3A_220 : memref<100xi32, #tpu.memory_space<vmem>>) semaphore(%arg10 : memref<!tpu.dma_semaphore, #tpu.memory_space<semaphore_mem>>)
    %dma_start3A_224 = arith.constant 1 : i32
    %dma_start3A_225 = arith.constant 1 : i32
    %dma_start3A_226 = arith.constant 0 : i32
    %dma_start3A_227 = arith.constant 0 : i32
    %dma_start3A_228 = tpu.memref_slice %arg8[%dma_start3A_225, %dma_start3A_226, %dma_start3A_227] : memref<3x100x128xf32, #tpu.memory_space<vmem>> -> memref<1x100x128xf32, #tpu.memory_space<vmem>>
    %dma_start3A_229 = tpu.memref_squeeze %dma_start3A_228 : memref<1x100x128xf32, #tpu.memory_space<vmem>> -> memref<100x128xf32, #tpu.memory_space<vmem>>
    %dma_start3A_230 = arith.constant 0 : i32
    %dma_start3A_231 = tpu.memref_slice %arg6[%dma_start3A_224, %dma_start3A_230] : memref<25x100xi32, #tpu.memory_space<vmem>> -> memref<1x100xi32, #tpu.memory_space<vmem>>
    %dma_start3A_232 = tpu.memref_squeeze %dma_start3A_231 : memref<1x100xi32, #tpu.memory_space<vmem>> -> memref<100xi32, #tpu.memory_space<vmem>>
    %dma_start3A_233 = arith.constant 0 : i32
    %dma_start3A_234 = arith.constant 0 : i32
    %dma_start3A_235 = tpu.memref_slice %arg2[%dma_start3A_233, %dma_start3A_234] : memref<10000x128xf32, #tpu.memory_space<hbm>> -> memref<10000x128xf32, #tpu.memory_space<hbm>>
    tpu.enqueue_indirect_dma source(%dma_start3A_235 : memref<10000x128xf32, #tpu.memory_space<hbm>>) target(%dma_start3A_229 : memref<100x128xf32, #tpu.memory_space<vmem>>) offsets(%dma_start3A_232 : memref<100xi32, #tpu.memory_space<vmem>>) semaphore(%arg11 : memref<!tpu.dma_semaphore, #tpu.memory_space<semaphore_mem>>)
    %scan3A_236 = arith.constant 0 : i32
    %scan3A_237 = arith.constant 0 : i32
    %scan3A_238 = arith.constant 8 : i32
    %scan3A_239 = arith.addi %scan3A_237, %scan3A_238 : i32
    %scan3A_240 = arith.constant 1 : i32
    scf.for %scan3A_395 = %scan3A_237 to %scan3A_239 step %scan3A_240  : i32 {
      %mul3A_396 = arith.constant 3 : i32
      %mul3A_397 = arith.muli %mul3A_396, %scan3A_395 : i32
      %add3A_398 = arith.constant 0 : i32
      %add3A_399 = arith.addi %mul3A_397, %add3A_398 : i32
      %dma_wait3A_400 = arith.constant 0 : i32
      %dma_wait3A_401 = arith.constant 0 : i32
      %dma_wait3A_402 = arith.constant 0 : i32
      %dma_wait3A_403 = arith.constant 0 : i32
      %dma_wait3A_404 = tpu.memref_slice %arg8[%dma_wait3A_401, %dma_wait3A_402, %dma_wait3A_403] : memref<3x100x128xf32, #tpu.memory_space<vmem>> -> memref<1x100x128xf32, #tpu.memory_space<vmem>>
      %dma_wait3A_405 = tpu.memref_squeeze %dma_wait3A_404 : memref<1x100x128xf32, #tpu.memory_space<vmem>> -> memref<100x128xf32, #tpu.memory_space<vmem>>
      %dma_wait3A_406 = arith.constant 0 : i32
      %dma_wait3A_407 = tpu.memref_slice %arg6[%dma_wait3A_400, %dma_wait3A_406] : memref<25x100xi32, #tpu.memory_space<vmem>> -> memref<1x100xi32, #tpu.memory_space<vmem>>
      %dma_wait3A_408 = tpu.memref_squeeze %dma_wait3A_407 : memref<1x100xi32, #tpu.memory_space<vmem>> -> memref<100xi32, #tpu.memory_space<vmem>>
      %dma_wait3A_409 = arith.constant 0 : i32
      %dma_wait3A_410 = arith.constant 0 : i32
      %dma_wait3A_411 = tpu.memref_slice %arg2[%dma_wait3A_409, %dma_wait3A_410] : memref<10000x128xf32, #tpu.memory_space<hbm>> -> memref<10000x128xf32, #tpu.memory_space<hbm>>
      tpu.wait_indirect_dma semaphore(%arg10 : memref<!tpu.dma_semaphore, #tpu.memory_space<semaphore_mem>>) src(%dma_wait3A_411 : memref<10000x128xf32, #tpu.memory_space<hbm>>) dst(%dma_wait3A_405 : memref<100x128xf32, #tpu.memory_space<vmem>>)
      %dma_start3A_412 = arith.constant 0 : i32
      %dma_start3A_413 = arith.constant 0 : i32
      %dma_start3A_414 = arith.constant 0 : i32
      %dma_start3A_415 = tpu.memref_slice %arg8[%dma_start3A_412, %dma_start3A_413, %dma_start3A_414] : memref<3x100x128xf32, #tpu.memory_space<vmem>> -> memref<1x100x128xf32, #tpu.memory_space<vmem>>
      %dma_start3A_416 = tpu.memref_squeeze %dma_start3A_415 : memref<1x100x128xf32, #tpu.memory_space<vmem>> -> memref<100x128xf32, #tpu.memory_space<vmem>>
      %dma_start3A_417 = arith.constant 0 : i32
      %dma_start3A_418 = tpu.memref_slice %arg7[%add3A_399, %dma_start3A_417] : memref<25x100xi32, #tpu.memory_space<vmem>> -> memref<1x100xi32, #tpu.memory_space<vmem>>
      %dma_start3A_419 = tpu.memref_squeeze %dma_start3A_418 : memref<1x100xi32, #tpu.memory_space<vmem>> -> memref<100xi32, #tpu.memory_space<vmem>>
      %dma_start3A_420 = arith.constant 0 : i32
      %dma_start3A_421 = arith.constant 0 : i32
      %dma_start3A_422 = tpu.memref_slice %arg9[%dma_start3A_420, %dma_start3A_421] : memref<10240x128xf32, #tpu.memory_space<vmem_shared>> -> memref<10240x128xf32, #tpu.memory_space<vmem_shared>>
      tpu.enqueue_indirect_dma source(%dma_start3A_416 : memref<100x128xf32, #tpu.memory_space<vmem>>) target(%dma_start3A_422 : memref<10240x128xf32, #tpu.memory_space<vmem_shared>>) offsets(%dma_start3A_419 : memref<100xi32, #tpu.memory_space<vmem>>) semaphore(%arg10 : memref<!tpu.dma_semaphore, #tpu.memory_space<semaphore_mem>>) {add = true}
      %add3A_423 = arith.constant 2 : i32
      %add3A_424 = arith.addi %add3A_399, %add3A_423 : i32
      %lt3A = arith.constant 25 : i32
      %lt3A_425 = arith.cmpi slt, %add3A_424, %lt3A : i32
      %convert_element_type3A = arith.extui %lt3A_425 : i1 to i32
      %cond3A = arith.constant 0 : i32
      %cond3A_426 = arith.cmpi ne, %convert_element_type3A, %cond3A : i32
      scf.if %cond3A_426 {
        %ge3A = arith.constant 1 : i32
        %ge3A_491 = arith.cmpi sge, %add3A_399, %ge3A : i32
        %convert_element_type3A_492 = arith.extui %ge3A_491 : i1 to i32
        %cond3A_493 = arith.constant 0 : i32
        %cond3A_494 = arith.cmpi ne, %convert_element_type3A_492, %cond3A_493 : i32
        scf.if %cond3A_494 {
          %dma_wait3A_508 = arith.constant 2 : i32
          %dma_wait3A_509 = arith.constant 0 : i32
          %dma_wait3A_510 = arith.constant 0 : i32
          %dma_wait3A_511 = arith.constant 0 : i32
          %dma_wait3A_512 = tpu.memref_slice %arg8[%dma_wait3A_508, %dma_wait3A_510, %dma_wait3A_511] : memref<3x100x128xf32, #tpu.memory_space<vmem>> -> memref<1x100x128xf32, #tpu.memory_space<vmem>>
          %dma_wait3A_513 = tpu.memref_squeeze %dma_wait3A_512 : memref<1x100x128xf32, #tpu.memory_space<vmem>> -> memref<100x128xf32, #tpu.memory_space<vmem>>
          %dma_wait3A_514 = arith.constant 0 : i32
          %dma_wait3A_515 = tpu.memref_slice %arg7[%dma_wait3A_509, %dma_wait3A_514] : memref<25x100xi32, #tpu.memory_space<vmem>> -> memref<1x100xi32, #tpu.memory_space<vmem>>
          %dma_wait3A_516 = tpu.memref_squeeze %dma_wait3A_515 : memref<1x100xi32, #tpu.memory_space<vmem>> -> memref<100xi32, #tpu.memory_space<vmem>>
          %dma_wait3A_517 = arith.constant 0 : i32
          %dma_wait3A_518 = arith.constant 0 : i32
          %dma_wait3A_519 = tpu.memref_slice %arg9[%dma_wait3A_517, %dma_wait3A_518] : memref<10240x128xf32, #tpu.memory_space<vmem_shared>> -> memref<10240x128xf32, #tpu.memory_space<vmem_shared>>
          tpu.wait_indirect_dma semaphore(%arg12 : memref<!tpu.dma_semaphore, #tpu.memory_space<semaphore_mem>>) src(%dma_wait3A_513 : memref<100x128xf32, #tpu.memory_space<vmem>>) dst(%dma_wait3A_519 : memref<10240x128xf32, #tpu.memory_space<vmem_shared>>)
        } else {
        }
        %add3A_495 = arith.constant 2 : i32
        %add3A_496 = arith.addi %add3A_399, %add3A_495 : i32
        %dma_start3A_497 = arith.constant 2 : i32
        %dma_start3A_498 = arith.constant 0 : i32
        %dma_start3A_499 = arith.constant 0 : i32
        %dma_start3A_500 = tpu.memref_slice %arg8[%dma_start3A_497, %dma_start3A_498, %dma_start3A_499] : memref<3x100x128xf32, #tpu.memory_space<vmem>> -> memref<1x100x128xf32, #tpu.memory_space<vmem>>
        %dma_start3A_501 = tpu.memref_squeeze %dma_start3A_500 : memref<1x100x128xf32, #tpu.memory_space<vmem>> -> memref<100x128xf32, #tpu.memory_space<vmem>>
        %dma_start3A_502 = arith.constant 0 : i32
        %dma_start3A_503 = tpu.memref_slice %arg6[%add3A_496, %dma_start3A_502] : memref<25x100xi32, #tpu.memory_space<vmem>> -> memref<1x100xi32, #tpu.memory_space<vmem>>
        %dma_start3A_504 = tpu.memref_squeeze %dma_start3A_503 : memref<1x100xi32, #tpu.memory_space<vmem>> -> memref<100xi32, #tpu.memory_space<vmem>>
        %dma_start3A_505 = arith.constant 0 : i32
        %dma_start3A_506 = arith.constant 0 : i32
        %dma_start3A_507 = tpu.memref_slice %arg2[%dma_start3A_505, %dma_start3A_506] : memref<10000x128xf32, #tpu.memory_space<hbm>> -> memref<10000x128xf32, #tpu.memory_space<hbm>>
        tpu.enqueue_indirect_dma source(%dma_start3A_507 : memref<10000x128xf32, #tpu.memory_space<hbm>>) target(%dma_start3A_501 : memref<100x128xf32, #tpu.memory_space<vmem>>) offsets(%dma_start3A_504 : memref<100xi32, #tpu.memory_space<vmem>>) semaphore(%arg12 : memref<!tpu.dma_semaphore, #tpu.memory_space<semaphore_mem>>)
      } else {
      }
      %add3A_427 = arith.constant 1 : i32
      %add3A_428 = arith.addi %mul3A_397, %add3A_427 : i32
      %dma_wait3A_429 = arith.constant 0 : i32
      %dma_wait3A_430 = arith.constant 1 : i32
      %dma_wait3A_431 = arith.constant 0 : i32
      %dma_wait3A_432 = arith.constant 0 : i32
      %dma_wait3A_433 = tpu.memref_slice %arg8[%dma_wait3A_430, %dma_wait3A_431, %dma_wait3A_432] : memref<3x100x128xf32, #tpu.memory_space<vmem>> -> memref<1x100x128xf32, #tpu.memory_space<vmem>>
      %dma_wait3A_434 = tpu.memref_squeeze %dma_wait3A_433 : memref<1x100x128xf32, #tpu.memory_space<vmem>> -> memref<100x128xf32, #tpu.memory_space<vmem>>
      %dma_wait3A_435 = arith.constant 0 : i32
      %dma_wait3A_436 = tpu.memref_slice %arg6[%dma_wait3A_429, %dma_wait3A_435] : memref<25x100xi32, #tpu.memory_space<vmem>> -> memref<1x100xi32, #tpu.memory_space<vmem>>
      %dma_wait3A_437 = tpu.memref_squeeze %dma_wait3A_436 : memref<1x100xi32, #tpu.memory_space<vmem>> -> memref<100xi32, #tpu.memory_space<vmem>>
      %dma_wait3A_438 = arith.constant 0 : i32
      %dma_wait3A_439 = arith.constant 0 : i32
      %dma_wait3A_440 = tpu.memref_slice %arg2[%dma_wait3A_438, %dma_wait3A_439] : memref<10000x128xf32, #tpu.memory_space<hbm>> -> memref<10000x128xf32, #tpu.memory_space<hbm>>
      tpu.wait_indirect_dma semaphore(%arg11 : memref<!tpu.dma_semaphore, #tpu.memory_space<semaphore_mem>>) src(%dma_wait3A_440 : memref<10000x128xf32, #tpu.memory_space<hbm>>) dst(%dma_wait3A_434 : memref<100x128xf32, #tpu.memory_space<vmem>>)
      %dma_start3A_441 = arith.constant 1 : i32
      %dma_start3A_442 = arith.constant 0 : i32
      %dma_start3A_443 = arith.constant 0 : i32
      %dma_start3A_444 = tpu.memref_slice %arg8[%dma_start3A_441, %dma_start3A_442, %dma_start3A_443] : memref<3x100x128xf32, #tpu.memory_space<vmem>> -> memref<1x100x128xf32, #tpu.memory_space<vmem>>
      %dma_start3A_445 = tpu.memref_squeeze %dma_start3A_444 : memref<1x100x128xf32, #tpu.memory_space<vmem>> -> memref<100x128xf32, #tpu.memory_space<vmem>>
      %dma_start3A_446 = arith.constant 0 : i32
      %dma_start3A_447 = tpu.memref_slice %arg7[%add3A_428, %dma_start3A_446] : memref<25x100xi32, #tpu.memory_space<vmem>> -> memref<1x100xi32, #tpu.memory_space<vmem>>
      %dma_start3A_448 = tpu.memref_squeeze %dma_start3A_447 : memref<1x100xi32, #tpu.memory_space<vmem>> -> memref<100xi32, #tpu.memory_space<vmem>>
      %dma_start3A_449 = arith.constant 0 : i32
      %dma_start3A_450 = arith.constant 0 : i32
      %dma_start3A_451 = tpu.memref_slice %arg9[%dma_start3A_449, %dma_start3A_450] : memref<10240x128xf32, #tpu.memory_space<vmem_shared>> -> memref<10240x128xf32, #tpu.memory_space<vmem_shared>>
      tpu.enqueue_indirect_dma source(%dma_start3A_445 : memref<100x128xf32, #tpu.memory_space<vmem>>) target(%dma_start3A_451 : memref<10240x128xf32, #tpu.memory_space<vmem_shared>>) offsets(%dma_start3A_448 : memref<100xi32, #tpu.memory_space<vmem>>) semaphore(%arg11 : memref<!tpu.dma_semaphore, #tpu.memory_space<semaphore_mem>>) {add = true}
      %add3A_452 = arith.constant 2 : i32
      %add3A_453 = arith.addi %add3A_428, %add3A_452 : i32
      %lt3A_454 = arith.constant 25 : i32
      %lt3A_455 = arith.cmpi slt, %add3A_453, %lt3A_454 : i32
      %convert_element_type3A_456 = arith.extui %lt3A_455 : i1 to i32
      %cond3A_457 = arith.constant 0 : i32
      %cond3A_458 = arith.cmpi ne, %convert_element_type3A_456, %cond3A_457 : i32
      scf.if %cond3A_458 {
        %ge3A = arith.constant 1 : i32
        %ge3A_491 = arith.cmpi sge, %add3A_428, %ge3A : i32
        %convert_element_type3A_492 = arith.extui %ge3A_491 : i1 to i32
        %cond3A_493 = arith.constant 0 : i32
        %cond3A_494 = arith.cmpi ne, %convert_element_type3A_492, %cond3A_493 : i32
        scf.if %cond3A_494 {
          %dma_wait3A_508 = arith.constant 0 : i32
          %dma_wait3A_509 = arith.constant 0 : i32
          %dma_wait3A_510 = arith.constant 0 : i32
          %dma_wait3A_511 = arith.constant 0 : i32
          %dma_wait3A_512 = tpu.memref_slice %arg8[%dma_wait3A_508, %dma_wait3A_510, %dma_wait3A_511] : memref<3x100x128xf32, #tpu.memory_space<vmem>> -> memref<1x100x128xf32, #tpu.memory_space<vmem>>
          %dma_wait3A_513 = tpu.memref_squeeze %dma_wait3A_512 : memref<1x100x128xf32, #tpu.memory_space<vmem>> -> memref<100x128xf32, #tpu.memory_space<vmem>>
          %dma_wait3A_514 = arith.constant 0 : i32
          %dma_wait3A_515 = tpu.memref_slice %arg7[%dma_wait3A_509, %dma_wait3A_514] : memref<25x100xi32, #tpu.memory_space<vmem>> -> memref<1x100xi32, #tpu.memory_space<vmem>>
          %dma_wait3A_516 = tpu.memref_squeeze %dma_wait3A_515 : memref<1x100xi32, #tpu.memory_space<vmem>> -> memref<100xi32, #tpu.memory_space<vmem>>
          %dma_wait3A_517 = arith.constant 0 : i32
          %dma_wait3A_518 = arith.constant 0 : i32
          %dma_wait3A_519 = tpu.memref_slice %arg9[%dma_wait3A_517, %dma_wait3A_518] : memref<10240x128xf32, #tpu.memory_space<vmem_shared>> -> memref<10240x128xf32, #tpu.memory_space<vmem_shared>>
          tpu.wait_indirect_dma semaphore(%arg10 : memref<!tpu.dma_semaphore, #tpu.memory_space<semaphore_mem>>) src(%dma_wait3A_513 : memref<100x128xf32, #tpu.memory_space<vmem>>) dst(%dma_wait3A_519 : memref<10240x128xf32, #tpu.memory_space<vmem_shared>>)
        } else {
        }
        %add3A_495 = arith.constant 2 : i32
        %add3A_496 = arith.addi %add3A_428, %add3A_495 : i32
        %dma_start3A_497 = arith.constant 0 : i32
        %dma_start3A_498 = arith.constant 0 : i32
        %dma_start3A_499 = arith.constant 0 : i32
        %dma_start3A_500 = tpu.memref_slice %arg8[%dma_start3A_497, %dma_start3A_498, %dma_start3A_499] : memref<3x100x128xf32, #tpu.memory_space<vmem>> -> memref<1x100x128xf32, #tpu.memory_space<vmem>>
        %dma_start3A_501 = tpu.memref_squeeze %dma_start3A_500 : memref<1x100x128xf32, #tpu.memory_space<vmem>> -> memref<100x128xf32, #tpu.memory_space<vmem>>
        %dma_start3A_502 = arith.constant 0 : i32
        %dma_start3A_503 = tpu.memref_slice %arg6[%add3A_496, %dma_start3A_502] : memref<25x100xi32, #tpu.memory_space<vmem>> -> memref<1x100xi32, #tpu.memory_space<vmem>>
        %dma_start3A_504 = tpu.memref_squeeze %dma_start3A_503 : memref<1x100xi32, #tpu.memory_space<vmem>> -> memref<100xi32, #tpu.memory_space<vmem>>
        %dma_start3A_505 = arith.constant 0 : i32
        %dma_start3A_506 = arith.constant 0 : i32
        %dma_start3A_507 = tpu.memref_slice %arg2[%dma_start3A_505, %dma_start3A_506] : memref<10000x128xf32, #tpu.memory_space<hbm>> -> memref<10000x128xf32, #tpu.memory_space<hbm>>
        tpu.enqueue_indirect_dma source(%dma_start3A_507 : memref<10000x128xf32, #tpu.memory_space<hbm>>) target(%dma_start3A_501 : memref<100x128xf32, #tpu.memory_space<vmem>>) offsets(%dma_start3A_504 : memref<100xi32, #tpu.memory_space<vmem>>) semaphore(%arg10 : memref<!tpu.dma_semaphore, #tpu.memory_space<semaphore_mem>>)
      } else {
      }
      %add3A_459 = arith.constant 2 : i32
      %add3A_460 = arith.addi %mul3A_397, %add3A_459 : i32
      %dma_wait3A_461 = arith.constant 0 : i32
      %dma_wait3A_462 = arith.constant 2 : i32
      %dma_wait3A_463 = arith.constant 0 : i32
      %dma_wait3A_464 = arith.constant 0 : i32
      %dma_wait3A_465 = tpu.memref_slice %arg8[%dma_wait3A_462, %dma_wait3A_463, %dma_wait3A_464] : memref<3x100x128xf32, #tpu.memory_space<vmem>> -> memref<1x100x128xf32, #tpu.memory_space<vmem>>
      %dma_wait3A_466 = tpu.memref_squeeze %dma_wait3A_465 : memref<1x100x128xf32, #tpu.memory_space<vmem>> -> memref<100x128xf32, #tpu.memory_space<vmem>>
      %dma_wait3A_467 = arith.constant 0 : i32
      %dma_wait3A_468 = tpu.memref_slice %arg6[%dma_wait3A_461, %dma_wait3A_467] : memref<25x100xi32, #tpu.memory_space<vmem>> -> memref<1x100xi32, #tpu.memory_space<vmem>>
      %dma_wait3A_469 = tpu.memref_squeeze %dma_wait3A_468 : memref<1x100xi32, #tpu.memory_space<vmem>> -> memref<100xi32, #tpu.memory_space<vmem>>
      %dma_wait3A_470 = arith.constant 0 : i32
      %dma_wait3A_471 = arith.constant 0 : i32
      %dma_wait3A_472 = tpu.memref_slice %arg2[%dma_wait3A_470, %dma_wait3A_471] : memref<10000x128xf32, #tpu.memory_space<hbm>> -> memref<10000x128xf32, #tpu.memory_space<hbm>>
      tpu.wait_indirect_dma semaphore(%arg12 : memref<!tpu.dma_semaphore, #tpu.memory_space<semaphore_mem>>) src(%dma_wait3A_472 : memref<10000x128xf32, #tpu.memory_space<hbm>>) dst(%dma_wait3A_466 : memref<100x128xf32, #tpu.memory_space<vmem>>)
      %dma_start3A_473 = arith.constant 2 : i32
      %dma_start3A_474 = arith.constant 0 : i32
      %dma_start3A_475 = arith.constant 0 : i32
      %dma_start3A_476 = tpu.memref_slice %arg8[%dma_start3A_473, %dma_start3A_474, %dma_start3A_475] : memref<3x100x128xf32, #tpu.memory_space<vmem>> -> memref<1x100x128xf32, #tpu.memory_space<vmem>>
      %dma_start3A_477 = tpu.memref_squeeze %dma_start3A_476 : memref<1x100x128xf32, #tpu.memory_space<vmem>> -> memref<100x128xf32, #tpu.memory_space<vmem>>
      %dma_start3A_478 = arith.constant 0 : i32
      %dma_start3A_479 = tpu.memref_slice %arg7[%add3A_460, %dma_start3A_478] : memref<25x100xi32, #tpu.memory_space<vmem>> -> memref<1x100xi32, #tpu.memory_space<vmem>>
      %dma_start3A_480 = tpu.memref_squeeze %dma_start3A_479 : memref<1x100xi32, #tpu.memory_space<vmem>> -> memref<100xi32, #tpu.memory_space<vmem>>
      %dma_start3A_481 = arith.constant 0 : i32
      %dma_start3A_482 = arith.constant 0 : i32
      %dma_start3A_483 = tpu.memref_slice %arg9[%dma_start3A_481, %dma_start3A_482] : memref<10240x128xf32, #tpu.memory_space<vmem_shared>> -> memref<10240x128xf32, #tpu.memory_space<vmem_shared>>
      tpu.enqueue_indirect_dma source(%dma_start3A_477 : memref<100x128xf32, #tpu.memory_space<vmem>>) target(%dma_start3A_483 : memref<10240x128xf32, #tpu.memory_space<vmem_shared>>) offsets(%dma_start3A_480 : memref<100xi32, #tpu.memory_space<vmem>>) semaphore(%arg12 : memref<!tpu.dma_semaphore, #tpu.memory_space<semaphore_mem>>) {add = true}
      %add3A_484 = arith.constant 2 : i32
      %add3A_485 = arith.addi %add3A_460, %add3A_484 : i32
      %lt3A_486 = arith.constant 25 : i32
      %lt3A_487 = arith.cmpi slt, %add3A_485, %lt3A_486 : i32
      %convert_element_type3A_488 = arith.extui %lt3A_487 : i1 to i32
      %cond3A_489 = arith.constant 0 : i32
      %cond3A_490 = arith.cmpi ne, %convert_element_type3A_488, %cond3A_489 : i32
      scf.if %cond3A_490 {
        %ge3A = arith.constant 1 : i32
        %ge3A_491 = arith.cmpi sge, %add3A_460, %ge3A : i32
        %convert_element_type3A_492 = arith.extui %ge3A_491 : i1 to i32
        %cond3A_493 = arith.constant 0 : i32
        %cond3A_494 = arith.cmpi ne, %convert_element_type3A_492, %cond3A_493 : i32
        scf.if %cond3A_494 {
          %dma_wait3A_508 = arith.constant 1 : i32
          %dma_wait3A_509 = arith.constant 0 : i32
          %dma_wait3A_510 = arith.constant 0 : i32
          %dma_wait3A_511 = arith.constant 0 : i32
          %dma_wait3A_512 = tpu.memref_slice %arg8[%dma_wait3A_508, %dma_wait3A_510, %dma_wait3A_511] : memref<3x100x128xf32, #tpu.memory_space<vmem>> -> memref<1x100x128xf32, #tpu.memory_space<vmem>>
          %dma_wait3A_513 = tpu.memref_squeeze %dma_wait3A_512 : memref<1x100x128xf32, #tpu.memory_space<vmem>> -> memref<100x128xf32, #tpu.memory_space<vmem>>
          %dma_wait3A_514 = arith.constant 0 : i32
          %dma_wait3A_515 = tpu.memref_slice %arg7[%dma_wait3A_509, %dma_wait3A_514] : memref<25x100xi32, #tpu.memory_space<vmem>> -> memref<1x100xi32, #tpu.memory_space<vmem>>
          %dma_wait3A_516 = tpu.memref_squeeze %dma_wait3A_515 : memref<1x100xi32, #tpu.memory_space<vmem>> -> memref<100xi32, #tpu.memory_space<vmem>>
          %dma_wait3A_517 = arith.constant 0 : i32
          %dma_wait3A_518 = arith.constant 0 : i32
          %dma_wait3A_519 = tpu.memref_slice %arg9[%dma_wait3A_517, %dma_wait3A_518] : memref<10240x128xf32, #tpu.memory_space<vmem_shared>> -> memref<10240x128xf32, #tpu.memory_space<vmem_shared>>
          tpu.wait_indirect_dma semaphore(%arg11 : memref<!tpu.dma_semaphore, #tpu.memory_space<semaphore_mem>>) src(%dma_wait3A_513 : memref<100x128xf32, #tpu.memory_space<vmem>>) dst(%dma_wait3A_519 : memref<10240x128xf32, #tpu.memory_space<vmem_shared>>)
        } else {
        }
        %add3A_495 = arith.constant 2 : i32
        %add3A_496 = arith.addi %add3A_460, %add3A_495 : i32
        %dma_start3A_497 = arith.constant 1 : i32
        %dma_start3A_498 = arith.constant 0 : i32
        %dma_start3A_499 = arith.constant 0 : i32
        %dma_start3A_500 = tpu.memref_slice %arg8[%dma_start3A_497, %dma_start3A_498, %dma_start3A_499] : memref<3x100x128xf32, #tpu.memory_space<vmem>> -> memref<1x100x128xf32, #tpu.memory_space<vmem>>
        %dma_start3A_501 = tpu.memref_squeeze %dma_start3A_500 : memref<1x100x128xf32, #tpu.memory_space<vmem>> -> memref<100x128xf32, #tpu.memory_space<vmem>>
        %dma_start3A_502 = arith.constant 0 : i32
        %dma_start3A_503 = tpu.memref_slice %arg6[%add3A_496, %dma_start3A_502] : memref<25x100xi32, #tpu.memory_space<vmem>> -> memref<1x100xi32, #tpu.memory_space<vmem>>
        %dma_start3A_504 = tpu.memref_squeeze %dma_start3A_503 : memref<1x100xi32, #tpu.memory_space<vmem>> -> memref<100xi32, #tpu.memory_space<vmem>>
        %dma_start3A_505 = arith.constant 0 : i32
        %dma_start3A_506 = arith.constant 0 : i32
        %dma_start3A_507 = tpu.memref_slice %arg2[%dma_start3A_505, %dma_start3A_506] : memref<10000x128xf32, #tpu.memory_space<hbm>> -> memref<10000x128xf32, #tpu.memory_space<hbm>>
        tpu.enqueue_indirect_dma source(%dma_start3A_507 : memref<10000x128xf32, #tpu.memory_space<hbm>>) target(%dma_start3A_501 : memref<100x128xf32, #tpu.memory_space<vmem>>) offsets(%dma_start3A_504 : memref<100xi32, #tpu.memory_space<vmem>>) semaphore(%arg11 : memref<!tpu.dma_semaphore, #tpu.memory_space<semaphore_mem>>)
      } else {
      }
    }
    %scan3A_241 = arith.constant 8 : i32
    %dma_wait3A_242 = arith.constant 0 : i32
    %dma_wait3A_243 = arith.constant 0 : i32
    %dma_wait3A_244 = arith.constant 0 : i32
    %dma_wait3A_245 = arith.constant 0 : i32
    %dma_wait3A_246 = tpu.memref_slice %arg8[%dma_wait3A_243, %dma_wait3A_244, %dma_wait3A_245] : memref<3x100x128xf32, #tpu.memory_space<vmem>> -> memref<1x100x128xf32, #tpu.memory_space<vmem>>
    %dma_wait3A_247 = tpu.memref_squeeze %dma_wait3A_246 : memref<1x100x128xf32, #tpu.memory_space<vmem>> -> memref<100x128xf32, #tpu.memory_space<vmem>>
    %dma_wait3A_248 = arith.constant 0 : i32
    %dma_wait3A_249 = tpu.memref_slice %arg6[%dma_wait3A_242, %dma_wait3A_248] : memref<25x100xi32, #tpu.memory_space<vmem>> -> memref<1x100xi32, #tpu.memory_space<vmem>>
    %dma_wait3A_250 = tpu.memref_squeeze %dma_wait3A_249 : memref<1x100xi32, #tpu.memory_space<vmem>> -> memref<100xi32, #tpu.memory_space<vmem>>
    %dma_wait3A_251 = arith.constant 0 : i32
    %dma_wait3A_252 = arith.constant 0 : i32
    %dma_wait3A_253 = tpu.memref_slice %arg2[%dma_wait3A_251, %dma_wait3A_252] : memref<10000x128xf32, #tpu.memory_space<hbm>> -> memref<10000x128xf32, #tpu.memory_space<hbm>>
    tpu.wait_indirect_dma semaphore(%arg10 : memref<!tpu.dma_semaphore, #tpu.memory_space<semaphore_mem>>) src(%dma_wait3A_253 : memref<10000x128xf32, #tpu.memory_space<hbm>>) dst(%dma_wait3A_247 : memref<100x128xf32, #tpu.memory_space<vmem>>)
    %dma_start3A_254 = arith.constant 0 : i32
    %dma_start3A_255 = arith.constant 24 : i32
    %dma_start3A_256 = arith.constant 0 : i32
    %dma_start3A_257 = arith.constant 0 : i32
    %dma_start3A_258 = tpu.memref_slice %arg8[%dma_start3A_254, %dma_start3A_256, %dma_start3A_257] : memref<3x100x128xf32, #tpu.memory_space<vmem>> -> memref<1x100x128xf32, #tpu.memory_space<vmem>>
    %dma_start3A_259 = tpu.memref_squeeze %dma_start3A_258 : memref<1x100x128xf32, #tpu.memory_space<vmem>> -> memref<100x128xf32, #tpu.memory_space<vmem>>
    %dma_start3A_260 = arith.constant 0 : i32
    %dma_start3A_261 = tpu.memref_slice %arg7[%dma_start3A_255, %dma_start3A_260] : memref<25x100xi32, #tpu.memory_space<vmem>> -> memref<1x100xi32, #tpu.memory_space<vmem>>
    %dma_start3A_262 = tpu.memref_squeeze %dma_start3A_261 : memref<1x100xi32, #tpu.memory_space<vmem>> -> memref<100xi32, #tpu.memory_space<vmem>>
    %dma_start3A_263 = arith.constant 0 : i32
    %dma_start3A_264 = arith.constant 0 : i32
    %dma_start3A_265 = tpu.memref_slice %arg9[%dma_start3A_263, %dma_start3A_264] : memref<10240x128xf32, #tpu.memory_space<vmem_shared>> -> memref<10240x128xf32, #tpu.memory_space<vmem_shared>>
    tpu.enqueue_indirect_dma source(%dma_start3A_259 : memref<100x128xf32, #tpu.memory_space<vmem>>) target(%dma_start3A_265 : memref<10240x128xf32, #tpu.memory_space<vmem_shared>>) offsets(%dma_start3A_262 : memref<100xi32, #tpu.memory_space<vmem>>) semaphore(%arg10 : memref<!tpu.dma_semaphore, #tpu.memory_space<semaphore_mem>>) {add = true}
    %dma_wait3A_266 = arith.constant 1 : i32
    %dma_wait3A_267 = arith.constant 0 : i32
    %dma_wait3A_268 = arith.constant 0 : i32
    %dma_wait3A_269 = arith.constant 0 : i32
    %dma_wait3A_270 = tpu.memref_slice %arg8[%dma_wait3A_266, %dma_wait3A_268, %dma_wait3A_269] : memref<3x100x128xf32, #tpu.memory_space<vmem>> -> memref<1x100x128xf32, #tpu.memory_space<vmem>>
    %dma_wait3A_271 = tpu.memref_squeeze %dma_wait3A_270 : memref<1x100x128xf32, #tpu.memory_space<vmem>> -> memref<100x128xf32, #tpu.memory_space<vmem>>
    %dma_wait3A_272 = arith.constant 0 : i32
    %dma_wait3A_273 = tpu.memref_slice %arg7[%dma_wait3A_267, %dma_wait3A_272] : memref<25x100xi32, #tpu.memory_space<vmem>> -> memref<1x100xi32, #tpu.memory_space<vmem>>
    %dma_wait3A_274 = tpu.memref_squeeze %dma_wait3A_273 : memref<1x100xi32, #tpu.memory_space<vmem>> -> memref<100xi32, #tpu.memory_space<vmem>>
    %dma_wait3A_275 = arith.constant 0 : i32
    %dma_wait3A_276 = arith.constant 0 : i32
    %dma_wait3A_277 = tpu.memref_slice %arg9[%dma_wait3A_275, %dma_wait3A_276] : memref<10240x128xf32, #tpu.memory_space<vmem_shared>> -> memref<10240x128xf32, #tpu.memory_space<vmem_shared>>
    tpu.wait_indirect_dma semaphore(%arg11 : memref<!tpu.dma_semaphore, #tpu.memory_space<semaphore_mem>>) src(%dma_wait3A_271 : memref<100x128xf32, #tpu.memory_space<vmem>>) dst(%dma_wait3A_277 : memref<10240x128xf32, #tpu.memory_space<vmem_shared>>)
    %dma_wait3A_278 = arith.constant 2 : i32
    %dma_wait3A_279 = arith.constant 0 : i32
    %dma_wait3A_280 = arith.constant 0 : i32
    %dma_wait3A_281 = arith.constant 0 : i32
    %dma_wait3A_282 = tpu.memref_slice %arg8[%dma_wait3A_278, %dma_wait3A_280, %dma_wait3A_281] : memref<3x100x128xf32, #tpu.memory_space<vmem>> -> memref<1x100x128xf32, #tpu.memory_space<vmem>>
    %dma_wait3A_283 = tpu.memref_squeeze %dma_wait3A_282 : memref<1x100x128xf32, #tpu.memory_space<vmem>> -> memref<100x128xf32, #tpu.memory_space<vmem>>
    %dma_wait3A_284 = arith.constant 0 : i32
    %dma_wait3A_285 = tpu.memref_slice %arg7[%dma_wait3A_279, %dma_wait3A_284] : memref<25x100xi32, #tpu.memory_space<vmem>> -> memref<1x100xi32, #tpu.memory_space<vmem>>
    %dma_wait3A_286 = tpu.memref_squeeze %dma_wait3A_285 : memref<1x100xi32, #tpu.memory_space<vmem>> -> memref<100xi32, #tpu.memory_space<vmem>>
    %dma_wait3A_287 = arith.constant 0 : i32
    %dma_wait3A_288 = arith.constant 0 : i32
    %dma_wait3A_289 = tpu.memref_slice %arg9[%dma_wait3A_287, %dma_wait3A_288] : memref<10240x128xf32, #tpu.memory_space<vmem_shared>> -> memref<10240x128xf32, #tpu.memory_space<vmem_shared>>
    tpu.wait_indirect_dma semaphore(%arg12 : memref<!tpu.dma_semaphore, #tpu.memory_space<semaphore_mem>>) src(%dma_wait3A_283 : memref<100x128xf32, #tpu.memory_space<vmem>>) dst(%dma_wait3A_289 : memref<10240x128xf32, #tpu.memory_space<vmem_shared>>)
    %dma_wait3A_290 = arith.constant 0 : i32
    %dma_wait3A_291 = arith.constant 0 : i32
    %dma_wait3A_292 = arith.constant 0 : i32
    %dma_wait3A_293 = arith.constant 0 : i32
    %dma_wait3A_294 = tpu.memref_slice %arg8[%dma_wait3A_290, %dma_wait3A_292, %dma_wait3A_293] : memref<3x100x128xf32, #tpu.memory_space<vmem>> -> memref<1x100x128xf32, #tpu.memory_space<vmem>>
    %dma_wait3A_295 = tpu.memref_squeeze %dma_wait3A_294 : memref<1x100x128xf32, #tpu.memory_space<vmem>> -> memref<100x128xf32, #tpu.memory_space<vmem>>
    %dma_wait3A_296 = arith.constant 0 : i32
    %dma_wait3A_297 = tpu.memref_slice %arg7[%dma_wait3A_291, %dma_wait3A_296] : memref<25x100xi32, #tpu.memory_space<vmem>> -> memref<1x100xi32, #tpu.memory_space<vmem>>
    %dma_wait3A_298 = tpu.memref_squeeze %dma_wait3A_297 : memref<1x100xi32, #tpu.memory_space<vmem>> -> memref<100xi32, #tpu.memory_space<vmem>>
    %dma_wait3A_299 = arith.constant 0 : i32
    %dma_wait3A_300 = arith.constant 0 : i32
    %dma_wait3A_301 = tpu.memref_slice %arg9[%dma_wait3A_299, %dma_wait3A_300] : memref<10240x128xf32, #tpu.memory_space<vmem_shared>> -> memref<10240x128xf32, #tpu.memory_space<vmem_shared>>
    tpu.wait_indirect_dma semaphore(%arg10 : memref<!tpu.dma_semaphore, #tpu.memory_space<semaphore_mem>>) src(%dma_wait3A_295 : memref<100x128xf32, #tpu.memory_space<vmem>>) dst(%dma_wait3A_301 : memref<10240x128xf32, #tpu.memory_space<vmem_shared>>)
    %run_scoped3A_302 = arith.constant 3 : i32
    "tpu.region"() ({
      %run_scoped3A_395 = tpu.sem_alloc : memref<!tpu.dma_semaphore, #tpu.memory_space<semaphore_mem>>
      %dma_start3A_396 = arith.constant 0 : i32
      %dma_start3A_397 = arith.constant 0 : i32
      %dma_start3A_398 = tpu.memref_slice %arg3[%add3A, %run_scoped3A_302, %dma_start3A_396, %dma_start3A_397] : memref<32x4x25x100xi32, #tpu.memory_space<hbm>> -> memref<1x1x25x100xi32, #tpu.memory_space<hbm>>
      %dma_start3A_399 = tpu.memref_squeeze %dma_start3A_398 : memref<1x1x25x100xi32, #tpu.memory_space<hbm>> -> memref<25x100xi32, #tpu.memory_space<hbm>>
      %dma_start3A_400 = arith.constant 0 : i32
      %dma_start3A_401 = arith.constant 0 : i32
      %dma_start3A_402 = tpu.memref_slice %arg3[%add3A, %run_scoped3A_302, %dma_start3A_400, %dma_start3A_401] : memref<32x4x25x100xi32, #tpu.memory_space<hbm>> -> memref<1x1x25x100xi32, #tpu.memory_space<hbm>>
      %dma_start3A_403 = tpu.memref_squeeze %dma_start3A_402 : memref<1x1x25x100xi32, #tpu.memory_space<hbm>> -> memref<25x100xi32, #tpu.memory_space<hbm>>
      tpu.enqueue_dma source(%dma_start3A_403 : memref<25x100xi32, #tpu.memory_space<hbm>>) target(%arg6 : memref<25x100xi32, #tpu.memory_space<vmem>>) target_semaphore(%run_scoped3A_395 : memref<!tpu.dma_semaphore, #tpu.memory_space<semaphore_mem>>)
      %dma_wait3A_404 = arith.constant 0 : i32
      %dma_wait3A_405 = arith.constant 0 : i32
      %dma_wait3A_406 = tpu.memref_slice %arg3[%add3A, %run_scoped3A_302, %dma_wait3A_404, %dma_wait3A_405] : memref<32x4x25x100xi32, #tpu.memory_space<hbm>> -> memref<1x1x25x100xi32, #tpu.memory_space<hbm>>
      %dma_wait3A_407 = tpu.memref_squeeze %dma_wait3A_406 : memref<1x1x25x100xi32, #tpu.memory_space<hbm>> -> memref<25x100xi32, #tpu.memory_space<hbm>>
      %dma_wait3A_408 = arith.constant 0 : i32
      %dma_wait3A_409 = arith.constant 0 : i32
      %dma_wait3A_410 = tpu.memref_slice %arg3[%add3A, %run_scoped3A_302, %dma_wait3A_408, %dma_wait3A_409] : memref<32x4x25x100xi32, #tpu.memory_space<hbm>> -> memref<1x1x25x100xi32, #tpu.memory_space<hbm>>
      %dma_wait3A_411 = tpu.memref_squeeze %dma_wait3A_410 : memref<1x1x25x100xi32, #tpu.memory_space<hbm>> -> memref<25x100xi32, #tpu.memory_space<hbm>>
      tpu.wait_dma2 semaphore(%run_scoped3A_395 : memref<!tpu.dma_semaphore, #tpu.memory_space<semaphore_mem>>) src(%dma_wait3A_411 : memref<25x100xi32, #tpu.memory_space<hbm>>) dst(%arg6 : memref<25x100xi32, #tpu.memory_space<vmem>>)
      tpu.yield
    }) : () -> ()
    %run_scoped3A_303 = arith.constant 3 : i32
    "tpu.region"() ({
      %run_scoped3A_395 = tpu.sem_alloc : memref<!tpu.dma_semaphore, #tpu.memory_space<semaphore_mem>>
      %dma_start3A_396 = arith.constant 0 : i32
      %dma_start3A_397 = arith.constant 0 : i32
      %dma_start3A_398 = tpu.memref_slice %arg4[%add3A, %run_scoped3A_303, %dma_start3A_396, %dma_start3A_397] : memref<32x4x25x100xi32, #tpu.memory_space<hbm>> -> memref<1x1x25x100xi32, #tpu.memory_space<hbm>>
      %dma_start3A_399 = tpu.memref_squeeze %dma_start3A_398 : memref<1x1x25x100xi32, #tpu.memory_space<hbm>> -> memref<25x100xi32, #tpu.memory_space<hbm>>
      %dma_start3A_400 = arith.constant 0 : i32
      %dma_start3A_401 = arith.constant 0 : i32
      %dma_start3A_402 = tpu.memref_slice %arg4[%add3A, %run_scoped3A_303, %dma_start3A_400, %dma_start3A_401] : memref<32x4x25x100xi32, #tpu.memory_space<hbm>> -> memref<1x1x25x100xi32, #tpu.memory_space<hbm>>
      %dma_start3A_403 = tpu.memref_squeeze %dma_start3A_402 : memref<1x1x25x100xi32, #tpu.memory_space<hbm>> -> memref<25x100xi32, #tpu.memory_space<hbm>>
      tpu.enqueue_dma source(%dma_start3A_403 : memref<25x100xi32, #tpu.memory_space<hbm>>) target(%arg7 : memref<25x100xi32, #tpu.memory_space<vmem>>) target_semaphore(%run_scoped3A_395 : memref<!tpu.dma_semaphore, #tpu.memory_space<semaphore_mem>>)
      %dma_wait3A_404 = arith.constant 0 : i32
      %dma_wait3A_405 = arith.constant 0 : i32
      %dma_wait3A_406 = tpu.memref_slice %arg4[%add3A, %run_scoped3A_303, %dma_wait3A_404, %dma_wait3A_405] : memref<32x4x25x100xi32, #tpu.memory_space<hbm>> -> memref<1x1x25x100xi32, #tpu.memory_space<hbm>>
      %dma_wait3A_407 = tpu.memref_squeeze %dma_wait3A_406 : memref<1x1x25x100xi32, #tpu.memory_space<hbm>> -> memref<25x100xi32, #tpu.memory_space<hbm>>
      %dma_wait3A_408 = arith.constant 0 : i32
      %dma_wait3A_409 = arith.constant 0 : i32
      %dma_wait3A_410 = tpu.memref_slice %arg4[%add3A, %run_scoped3A_303, %dma_wait3A_408, %dma_wait3A_409] : memref<32x4x25x100xi32, #tpu.memory_space<hbm>> -> memref<1x1x25x100xi32, #tpu.memory_space<hbm>>
      %dma_wait3A_411 = tpu.memref_squeeze %dma_wait3A_410 : memref<1x1x25x100xi32, #tpu.memory_space<hbm>> -> memref<25x100xi32, #tpu.memory_space<hbm>>
      tpu.wait_dma2 semaphore(%run_scoped3A_395 : memref<!tpu.dma_semaphore, #tpu.memory_space<semaphore_mem>>) src(%dma_wait3A_411 : memref<25x100xi32, #tpu.memory_space<hbm>>) dst(%arg7 : memref<25x100xi32, #tpu.memory_space<vmem>>)
      tpu.yield
    }) : () -> ()
    %dma_start3A_304 = arith.constant 0 : i32
    %dma_start3A_305 = arith.constant 0 : i32
    %dma_start3A_306 = arith.constant 0 : i32
    %dma_start3A_307 = arith.constant 0 : i32
    %dma_start3A_308 = tpu.memref_slice %arg8[%dma_start3A_305, %dma_start3A_306, %dma_start3A_307] : memref<3x100x128xf32, #tpu.memory_space<vmem>> -> memref<1x100x128xf32, #tpu.memory_space<vmem>>
    %dma_start3A_309 = tpu.memref_squeeze %dma_start3A_308 : memref<1x100x128xf32, #tpu.memory_space<vmem>> -> memref<100x128xf32, #tpu.memory_space<vmem>>
    %dma_start3A_310 = arith.constant 0 : i32
    %dma_start3A_311 = tpu.memref_slice %arg6[%dma_start3A_304, %dma_start3A_310] : memref<25x100xi32, #tpu.memory_space<vmem>> -> memref<1x100xi32, #tpu.memory_space<vmem>>
    %dma_start3A_312 = tpu.memref_squeeze %dma_start3A_311 : memref<1x100xi32, #tpu.memory_space<vmem>> -> memref<100xi32, #tpu.memory_space<vmem>>
    %dma_start3A_313 = arith.constant 0 : i32
    %dma_start3A_314 = arith.constant 0 : i32
    %dma_start3A_315 = tpu.memref_slice %arg2[%dma_start3A_313, %dma_start3A_314] : memref<10000x128xf32, #tpu.memory_space<hbm>> -> memref<10000x128xf32, #tpu.memory_space<hbm>>
    tpu.enqueue_indirect_dma source(%dma_start3A_315 : memref<10000x128xf32, #tpu.memory_space<hbm>>) target(%dma_start3A_309 : memref<100x128xf32, #tpu.memory_space<vmem>>) offsets(%dma_start3A_312 : memref<100xi32, #tpu.memory_space<vmem>>) semaphore(%arg10 : memref<!tpu.dma_semaphore, #tpu.memory_space<semaphore_mem>>)
    %dma_start3A_316 = arith.constant 1 : i32
    %dma_start3A_317 = arith.constant 1 : i32
    %dma_start3A_318 = arith.constant 0 : i32
    %dma_start3A_319 = arith.constant 0 : i32
    %dma_start3A_320 = tpu.memref_slice %arg8[%dma_start3A_317, %dma_start3A_318, %dma_start3A_319] : memref<3x100x128xf32, #tpu.memory_space<vmem>> -> memref<1x100x128xf32, #tpu.memory_space<vmem>>
    %dma_start3A_321 = tpu.memref_squeeze %dma_start3A_320 : memref<1x100x128xf32, #tpu.memory_space<vmem>> -> memref<100x128xf32, #tpu.memory_space<vmem>>
    %dma_start3A_322 = arith.constant 0 : i32
    %dma_start3A_323 = tpu.memref_slice %arg6[%dma_start3A_316, %dma_start3A_322] : memref<25x100xi32, #tpu.memory_space<vmem>> -> memref<1x100xi32, #tpu.memory_space<vmem>>
    %dma_start3A_324 = tpu.memref_squeeze %dma_start3A_323 : memref<1x100xi32, #tpu.memory_space<vmem>> -> memref<100xi32, #tpu.memory_space<vmem>>
    %dma_start3A_325 = arith.constant 0 : i32
    %dma_start3A_326 = arith.constant 0 : i32
    %dma_start3A_327 = tpu.memref_slice %arg2[%dma_start3A_325, %dma_start3A_326] : memref<10000x128xf32, #tpu.memory_space<hbm>> -> memref<10000x128xf32, #tpu.memory_space<hbm>>
    tpu.enqueue_indirect_dma source(%dma_start3A_327 : memref<10000x128xf32, #tpu.memory_space<hbm>>) target(%dma_start3A_321 : memref<100x128xf32, #tpu.memory_space<vmem>>) offsets(%dma_start3A_324 : memref<100xi32, #tpu.memory_space<vmem>>) semaphore(%arg11 : memref<!tpu.dma_semaphore, #tpu.memory_space<semaphore_mem>>)
    %scan3A_328 = arith.constant 0 : i32
    %scan3A_329 = arith.constant 0 : i32
    %scan3A_330 = arith.constant 8 : i32
    %scan3A_331 = arith.addi %scan3A_329, %scan3A_330 : i32
    %scan3A_332 = arith.constant 1 : i32
    scf.for %scan3A_395 = %scan3A_329 to %scan3A_331 step %scan3A_332  : i32 {
      %mul3A_396 = arith.constant 3 : i32
      %mul3A_397 = arith.muli %mul3A_396, %scan3A_395 : i32
      %add3A_398 = arith.constant 0 : i32
      %add3A_399 = arith.addi %mul3A_397, %add3A_398 : i32
      %dma_wait3A_400 = arith.constant 0 : i32
      %dma_wait3A_401 = arith.constant 0 : i32
      %dma_wait3A_402 = arith.constant 0 : i32
      %dma_wait3A_403 = arith.constant 0 : i32
      %dma_wait3A_404 = tpu.memref_slice %arg8[%dma_wait3A_401, %dma_wait3A_402, %dma_wait3A_403] : memref<3x100x128xf32, #tpu.memory_space<vmem>> -> memref<1x100x128xf32, #tpu.memory_space<vmem>>
      %dma_wait3A_405 = tpu.memref_squeeze %dma_wait3A_404 : memref<1x100x128xf32, #tpu.memory_space<vmem>> -> memref<100x128xf32, #tpu.memory_space<vmem>>
      %dma_wait3A_406 = arith.constant 0 : i32
      %dma_wait3A_407 = tpu.memref_slice %arg6[%dma_wait3A_400, %dma_wait3A_406] : memref<25x100xi32, #tpu.memory_space<vmem>> -> memref<1x100xi32, #tpu.memory_space<vmem>>
      %dma_wait3A_408 = tpu.memref_squeeze %dma_wait3A_407 : memref<1x100xi32, #tpu.memory_space<vmem>> -> memref<100xi32, #tpu.memory_space<vmem>>
      %dma_wait3A_409 = arith.constant 0 : i32
      %dma_wait3A_410 = arith.constant 0 : i32
      %dma_wait3A_411 = tpu.memref_slice %arg2[%dma_wait3A_409, %dma_wait3A_410] : memref<10000x128xf32, #tpu.memory_space<hbm>> -> memref<10000x128xf32, #tpu.memory_space<hbm>>
      tpu.wait_indirect_dma semaphore(%arg10 : memref<!tpu.dma_semaphore, #tpu.memory_space<semaphore_mem>>) src(%dma_wait3A_411 : memref<10000x128xf32, #tpu.memory_space<hbm>>) dst(%dma_wait3A_405 : memref<100x128xf32, #tpu.memory_space<vmem>>)
      %dma_start3A_412 = arith.constant 0 : i32
      %dma_start3A_413 = arith.constant 0 : i32
      %dma_start3A_414 = arith.constant 0 : i32
      %dma_start3A_415 = tpu.memref_slice %arg8[%dma_start3A_412, %dma_start3A_413, %dma_start3A_414] : memref<3x100x128xf32, #tpu.memory_space<vmem>> -> memref<1x100x128xf32, #tpu.memory_space<vmem>>
      %dma_start3A_416 = tpu.memref_squeeze %dma_start3A_415 : memref<1x100x128xf32, #tpu.memory_space<vmem>> -> memref<100x128xf32, #tpu.memory_space<vmem>>
      %dma_start3A_417 = arith.constant 0 : i32
      %dma_start3A_418 = tpu.memref_slice %arg7[%add3A_399, %dma_start3A_417] : memref<25x100xi32, #tpu.memory_space<vmem>> -> memref<1x100xi32, #tpu.memory_space<vmem>>
      %dma_start3A_419 = tpu.memref_squeeze %dma_start3A_418 : memref<1x100xi32, #tpu.memory_space<vmem>> -> memref<100xi32, #tpu.memory_space<vmem>>
      %dma_start3A_420 = arith.constant 0 : i32
      %dma_start3A_421 = arith.constant 0 : i32
      %dma_start3A_422 = tpu.memref_slice %arg9[%dma_start3A_420, %dma_start3A_421] : memref<10240x128xf32, #tpu.memory_space<vmem_shared>> -> memref<10240x128xf32, #tpu.memory_space<vmem_shared>>
      tpu.enqueue_indirect_dma source(%dma_start3A_416 : memref<100x128xf32, #tpu.memory_space<vmem>>) target(%dma_start3A_422 : memref<10240x128xf32, #tpu.memory_space<vmem_shared>>) offsets(%dma_start3A_419 : memref<100xi32, #tpu.memory_space<vmem>>) semaphore(%arg10 : memref<!tpu.dma_semaphore, #tpu.memory_space<semaphore_mem>>) {add = true}
      %add3A_423 = arith.constant 2 : i32
      %add3A_424 = arith.addi %add3A_399, %add3A_423 : i32
      %lt3A = arith.constant 25 : i32
      %lt3A_425 = arith.cmpi slt, %add3A_424, %lt3A : i32
      %convert_element_type3A = arith.extui %lt3A_425 : i1 to i32
      %cond3A = arith.constant 0 : i32
      %cond3A_426 = arith.cmpi ne, %convert_element_type3A, %cond3A : i32
      scf.if %cond3A_426 {
        %ge3A = arith.constant 1 : i32
        %ge3A_491 = arith.cmpi sge, %add3A_399, %ge3A : i32
        %convert_element_type3A_492 = arith.extui %ge3A_491 : i1 to i32
        %cond3A_493 = arith.constant 0 : i32
        %cond3A_494 = arith.cmpi ne, %convert_element_type3A_492, %cond3A_493 : i32
        scf.if %cond3A_494 {
          %dma_wait3A_508 = arith.constant 2 : i32
          %dma_wait3A_509 = arith.constant 0 : i32
          %dma_wait3A_510 = arith.constant 0 : i32
          %dma_wait3A_511 = arith.constant 0 : i32
          %dma_wait3A_512 = tpu.memref_slice %arg8[%dma_wait3A_508, %dma_wait3A_510, %dma_wait3A_511] : memref<3x100x128xf32, #tpu.memory_space<vmem>> -> memref<1x100x128xf32, #tpu.memory_space<vmem>>
          %dma_wait3A_513 = tpu.memref_squeeze %dma_wait3A_512 : memref<1x100x128xf32, #tpu.memory_space<vmem>> -> memref<100x128xf32, #tpu.memory_space<vmem>>
          %dma_wait3A_514 = arith.constant 0 : i32
          %dma_wait3A_515 = tpu.memref_slice %arg7[%dma_wait3A_509, %dma_wait3A_514] : memref<25x100xi32, #tpu.memory_space<vmem>> -> memref<1x100xi32, #tpu.memory_space<vmem>>
          %dma_wait3A_516 = tpu.memref_squeeze %dma_wait3A_515 : memref<1x100xi32, #tpu.memory_space<vmem>> -> memref<100xi32, #tpu.memory_space<vmem>>
          %dma_wait3A_517 = arith.constant 0 : i32
          %dma_wait3A_518 = arith.constant 0 : i32
          %dma_wait3A_519 = tpu.memref_slice %arg9[%dma_wait3A_517, %dma_wait3A_518] : memref<10240x128xf32, #tpu.memory_space<vmem_shared>> -> memref<10240x128xf32, #tpu.memory_space<vmem_shared>>
          tpu.wait_indirect_dma semaphore(%arg12 : memref<!tpu.dma_semaphore, #tpu.memory_space<semaphore_mem>>) src(%dma_wait3A_513 : memref<100x128xf32, #tpu.memory_space<vmem>>) dst(%dma_wait3A_519 : memref<10240x128xf32, #tpu.memory_space<vmem_shared>>)
        } else {
        }
        %add3A_495 = arith.constant 2 : i32
        %add3A_496 = arith.addi %add3A_399, %add3A_495 : i32
        %dma_start3A_497 = arith.constant 2 : i32
        %dma_start3A_498 = arith.constant 0 : i32
        %dma_start3A_499 = arith.constant 0 : i32
        %dma_start3A_500 = tpu.memref_slice %arg8[%dma_start3A_497, %dma_start3A_498, %dma_start3A_499] : memref<3x100x128xf32, #tpu.memory_space<vmem>> -> memref<1x100x128xf32, #tpu.memory_space<vmem>>
        %dma_start3A_501 = tpu.memref_squeeze %dma_start3A_500 : memref<1x100x128xf32, #tpu.memory_space<vmem>> -> memref<100x128xf32, #tpu.memory_space<vmem>>
        %dma_start3A_502 = arith.constant 0 : i32
        %dma_start3A_503 = tpu.memref_slice %arg6[%add3A_496, %dma_start3A_502] : memref<25x100xi32, #tpu.memory_space<vmem>> -> memref<1x100xi32, #tpu.memory_space<vmem>>
        %dma_start3A_504 = tpu.memref_squeeze %dma_start3A_503 : memref<1x100xi32, #tpu.memory_space<vmem>> -> memref<100xi32, #tpu.memory_space<vmem>>
        %dma_start3A_505 = arith.constant 0 : i32
        %dma_start3A_506 = arith.constant 0 : i32
        %dma_start3A_507 = tpu.memref_slice %arg2[%dma_start3A_505, %dma_start3A_506] : memref<10000x128xf32, #tpu.memory_space<hbm>> -> memref<10000x128xf32, #tpu.memory_space<hbm>>
        tpu.enqueue_indirect_dma source(%dma_start3A_507 : memref<10000x128xf32, #tpu.memory_space<hbm>>) target(%dma_start3A_501 : memref<100x128xf32, #tpu.memory_space<vmem>>) offsets(%dma_start3A_504 : memref<100xi32, #tpu.memory_space<vmem>>) semaphore(%arg12 : memref<!tpu.dma_semaphore, #tpu.memory_space<semaphore_mem>>)
      } else {
      }
      %add3A_427 = arith.constant 1 : i32
      %add3A_428 = arith.addi %mul3A_397, %add3A_427 : i32
      %dma_wait3A_429 = arith.constant 0 : i32
      %dma_wait3A_430 = arith.constant 1 : i32
      %dma_wait3A_431 = arith.constant 0 : i32
      %dma_wait3A_432 = arith.constant 0 : i32
      %dma_wait3A_433 = tpu.memref_slice %arg8[%dma_wait3A_430, %dma_wait3A_431, %dma_wait3A_432] : memref<3x100x128xf32, #tpu.memory_space<vmem>> -> memref<1x100x128xf32, #tpu.memory_space<vmem>>
      %dma_wait3A_434 = tpu.memref_squeeze %dma_wait3A_433 : memref<1x100x128xf32, #tpu.memory_space<vmem>> -> memref<100x128xf32, #tpu.memory_space<vmem>>
      %dma_wait3A_435 = arith.constant 0 : i32
      %dma_wait3A_436 = tpu.memref_slice %arg6[%dma_wait3A_429, %dma_wait3A_435] : memref<25x100xi32, #tpu.memory_space<vmem>> -> memref<1x100xi32, #tpu.memory_space<vmem>>
      %dma_wait3A_437 = tpu.memref_squeeze %dma_wait3A_436 : memref<1x100xi32, #tpu.memory_space<vmem>> -> memref<100xi32, #tpu.memory_space<vmem>>
      %dma_wait3A_438 = arith.constant 0 : i32
      %dma_wait3A_439 = arith.constant 0 : i32
      %dma_wait3A_440 = tpu.memref_slice %arg2[%dma_wait3A_438, %dma_wait3A_439] : memref<10000x128xf32, #tpu.memory_space<hbm>> -> memref<10000x128xf32, #tpu.memory_space<hbm>>
      tpu.wait_indirect_dma semaphore(%arg11 : memref<!tpu.dma_semaphore, #tpu.memory_space<semaphore_mem>>) src(%dma_wait3A_440 : memref<10000x128xf32, #tpu.memory_space<hbm>>) dst(%dma_wait3A_434 : memref<100x128xf32, #tpu.memory_space<vmem>>)
      %dma_start3A_441 = arith.constant 1 : i32
      %dma_start3A_442 = arith.constant 0 : i32
      %dma_start3A_443 = arith.constant 0 : i32
      %dma_start3A_444 = tpu.memref_slice %arg8[%dma_start3A_441, %dma_start3A_442, %dma_start3A_443] : memref<3x100x128xf32, #tpu.memory_space<vmem>> -> memref<1x100x128xf32, #tpu.memory_space<vmem>>
      %dma_start3A_445 = tpu.memref_squeeze %dma_start3A_444 : memref<1x100x128xf32, #tpu.memory_space<vmem>> -> memref<100x128xf32, #tpu.memory_space<vmem>>
      %dma_start3A_446 = arith.constant 0 : i32
      %dma_start3A_447 = tpu.memref_slice %arg7[%add3A_428, %dma_start3A_446] : memref<25x100xi32, #tpu.memory_space<vmem>> -> memref<1x100xi32, #tpu.memory_space<vmem>>
      %dma_start3A_448 = tpu.memref_squeeze %dma_start3A_447 : memref<1x100xi32, #tpu.memory_space<vmem>> -> memref<100xi32, #tpu.memory_space<vmem>>
      %dma_start3A_449 = arith.constant 0 : i32
      %dma_start3A_450 = arith.constant 0 : i32
      %dma_start3A_451 = tpu.memref_slice %arg9[%dma_start3A_449, %dma_start3A_450] : memref<10240x128xf32, #tpu.memory_space<vmem_shared>> -> memref<10240x128xf32, #tpu.memory_space<vmem_shared>>
      tpu.enqueue_indirect_dma source(%dma_start3A_445 : memref<100x128xf32, #tpu.memory_space<vmem>>) target(%dma_start3A_451 : memref<10240x128xf32, #tpu.memory_space<vmem_shared>>) offsets(%dma_start3A_448 : memref<100xi32, #tpu.memory_space<vmem>>) semaphore(%arg11 : memref<!tpu.dma_semaphore, #tpu.memory_space<semaphore_mem>>) {add = true}
      %add3A_452 = arith.constant 2 : i32
      %add3A_453 = arith.addi %add3A_428, %add3A_452 : i32
      %lt3A_454 = arith.constant 25 : i32
      %lt3A_455 = arith.cmpi slt, %add3A_453, %lt3A_454 : i32
      %convert_element_type3A_456 = arith.extui %lt3A_455 : i1 to i32
      %cond3A_457 = arith.constant 0 : i32
      %cond3A_458 = arith.cmpi ne, %convert_element_type3A_456, %cond3A_457 : i32
      scf.if %cond3A_458 {
        %ge3A = arith.constant 1 : i32
        %ge3A_491 = arith.cmpi sge, %add3A_428, %ge3A : i32
        %convert_element_type3A_492 = arith.extui %ge3A_491 : i1 to i32
        %cond3A_493 = arith.constant 0 : i32
        %cond3A_494 = arith.cmpi ne, %convert_element_type3A_492, %cond3A_493 : i32
        scf.if %cond3A_494 {
          %dma_wait3A_508 = arith.constant 0 : i32
          %dma_wait3A_509 = arith.constant 0 : i32
          %dma_wait3A_510 = arith.constant 0 : i32
          %dma_wait3A_511 = arith.constant 0 : i32
          %dma_wait3A_512 = tpu.memref_slice %arg8[%dma_wait3A_508, %dma_wait3A_510, %dma_wait3A_511] : memref<3x100x128xf32, #tpu.memory_space<vmem>> -> memref<1x100x128xf32, #tpu.memory_space<vmem>>
          %dma_wait3A_513 = tpu.memref_squeeze %dma_wait3A_512 : memref<1x100x128xf32, #tpu.memory_space<vmem>> -> memref<100x128xf32, #tpu.memory_space<vmem>>
          %dma_wait3A_514 = arith.constant 0 : i32
          %dma_wait3A_515 = tpu.memref_slice %arg7[%dma_wait3A_509, %dma_wait3A_514] : memref<25x100xi32, #tpu.memory_space<vmem>> -> memref<1x100xi32, #tpu.memory_space<vmem>>
          %dma_wait3A_516 = tpu.memref_squeeze %dma_wait3A_515 : memref<1x100xi32, #tpu.memory_space<vmem>> -> memref<100xi32, #tpu.memory_space<vmem>>
          %dma_wait3A_517 = arith.constant 0 : i32
          %dma_wait3A_518 = arith.constant 0 : i32
          %dma_wait3A_519 = tpu.memref_slice %arg9[%dma_wait3A_517, %dma_wait3A_518] : memref<10240x128xf32, #tpu.memory_space<vmem_shared>> -> memref<10240x128xf32, #tpu.memory_space<vmem_shared>>
          tpu.wait_indirect_dma semaphore(%arg10 : memref<!tpu.dma_semaphore, #tpu.memory_space<semaphore_mem>>) src(%dma_wait3A_513 : memref<100x128xf32, #tpu.memory_space<vmem>>) dst(%dma_wait3A_519 : memref<10240x128xf32, #tpu.memory_space<vmem_shared>>)
        } else {
        }
        %add3A_495 = arith.constant 2 : i32
        %add3A_496 = arith.addi %add3A_428, %add3A_495 : i32
        %dma_start3A_497 = arith.constant 0 : i32
        %dma_start3A_498 = arith.constant 0 : i32
        %dma_start3A_499 = arith.constant 0 : i32
        %dma_start3A_500 = tpu.memref_slice %arg8[%dma_start3A_497, %dma_start3A_498, %dma_start3A_499] : memref<3x100x128xf32, #tpu.memory_space<vmem>> -> memref<1x100x128xf32, #tpu.memory_space<vmem>>
        %dma_start3A_501 = tpu.memref_squeeze %dma_start3A_500 : memref<1x100x128xf32, #tpu.memory_space<vmem>> -> memref<100x128xf32, #tpu.memory_space<vmem>>
        %dma_start3A_502 = arith.constant 0 : i32
        %dma_start3A_503 = tpu.memref_slice %arg6[%add3A_496, %dma_start3A_502] : memref<25x100xi32, #tpu.memory_space<vmem>> -> memref<1x100xi32, #tpu.memory_space<vmem>>
        %dma_start3A_504 = tpu.memref_squeeze %dma_start3A_503 : memref<1x100xi32, #tpu.memory_space<vmem>> -> memref<100xi32, #tpu.memory_space<vmem>>
        %dma_start3A_505 = arith.constant 0 : i32
        %dma_start3A_506 = arith.constant 0 : i32
        %dma_start3A_507 = tpu.memref_slice %arg2[%dma_start3A_505, %dma_start3A_506] : memref<10000x128xf32, #tpu.memory_space<hbm>> -> memref<10000x128xf32, #tpu.memory_space<hbm>>
        tpu.enqueue_indirect_dma source(%dma_start3A_507 : memref<10000x128xf32, #tpu.memory_space<hbm>>) target(%dma_start3A_501 : memref<100x128xf32, #tpu.memory_space<vmem>>) offsets(%dma_start3A_504 : memref<100xi32, #tpu.memory_space<vmem>>) semaphore(%arg10 : memref<!tpu.dma_semaphore, #tpu.memory_space<semaphore_mem>>)
      } else {
      }
      %add3A_459 = arith.constant 2 : i32
      %add3A_460 = arith.addi %mul3A_397, %add3A_459 : i32
      %dma_wait3A_461 = arith.constant 0 : i32
      %dma_wait3A_462 = arith.constant 2 : i32
      %dma_wait3A_463 = arith.constant 0 : i32
      %dma_wait3A_464 = arith.constant 0 : i32
      %dma_wait3A_465 = tpu.memref_slice %arg8[%dma_wait3A_462, %dma_wait3A_463, %dma_wait3A_464] : memref<3x100x128xf32, #tpu.memory_space<vmem>> -> memref<1x100x128xf32, #tpu.memory_space<vmem>>
      %dma_wait3A_466 = tpu.memref_squeeze %dma_wait3A_465 : memref<1x100x128xf32, #tpu.memory_space<vmem>> -> memref<100x128xf32, #tpu.memory_space<vmem>>
      %dma_wait3A_467 = arith.constant 0 : i32
      %dma_wait3A_468 = tpu.memref_slice %arg6[%dma_wait3A_461, %dma_wait3A_467] : memref<25x100xi32, #tpu.memory_space<vmem>> -> memref<1x100xi32, #tpu.memory_space<vmem>>
      %dma_wait3A_469 = tpu.memref_squeeze %dma_wait3A_468 : memref<1x100xi32, #tpu.memory_space<vmem>> -> memref<100xi32, #tpu.memory_space<vmem>>
      %dma_wait3A_470 = arith.constant 0 : i32
      %dma_wait3A_471 = arith.constant 0 : i32
      %dma_wait3A_472 = tpu.memref_slice %arg2[%dma_wait3A_470, %dma_wait3A_471] : memref<10000x128xf32, #tpu.memory_space<hbm>> -> memref<10000x128xf32, #tpu.memory_space<hbm>>
      tpu.wait_indirect_dma semaphore(%arg12 : memref<!tpu.dma_semaphore, #tpu.memory_space<semaphore_mem>>) src(%dma_wait3A_472 : memref<10000x128xf32, #tpu.memory_space<hbm>>) dst(%dma_wait3A_466 : memref<100x128xf32, #tpu.memory_space<vmem>>)
      %dma_start3A_473 = arith.constant 2 : i32
      %dma_start3A_474 = arith.constant 0 : i32
      %dma_start3A_475 = arith.constant 0 : i32
      %dma_start3A_476 = tpu.memref_slice %arg8[%dma_start3A_473, %dma_start3A_474, %dma_start3A_475] : memref<3x100x128xf32, #tpu.memory_space<vmem>> -> memref<1x100x128xf32, #tpu.memory_space<vmem>>
      %dma_start3A_477 = tpu.memref_squeeze %dma_start3A_476 : memref<1x100x128xf32, #tpu.memory_space<vmem>> -> memref<100x128xf32, #tpu.memory_space<vmem>>
      %dma_start3A_478 = arith.constant 0 : i32
      %dma_start3A_479 = tpu.memref_slice %arg7[%add3A_460, %dma_start3A_478] : memref<25x100xi32, #tpu.memory_space<vmem>> -> memref<1x100xi32, #tpu.memory_space<vmem>>
      %dma_start3A_480 = tpu.memref_squeeze %dma_start3A_479 : memref<1x100xi32, #tpu.memory_space<vmem>> -> memref<100xi32, #tpu.memory_space<vmem>>
      %dma_start3A_481 = arith.constant 0 : i32
      %dma_start3A_482 = arith.constant 0 : i32
      %dma_start3A_483 = tpu.memref_slice %arg9[%dma_start3A_481, %dma_start3A_482] : memref<10240x128xf32, #tpu.memory_space<vmem_shared>> -> memref<10240x128xf32, #tpu.memory_space<vmem_shared>>
      tpu.enqueue_indirect_dma source(%dma_start3A_477 : memref<100x128xf32, #tpu.memory_space<vmem>>) target(%dma_start3A_483 : memref<10240x128xf32, #tpu.memory_space<vmem_shared>>) offsets(%dma_start3A_480 : memref<100xi32, #tpu.memory_space<vmem>>) semaphore(%arg12 : memref<!tpu.dma_semaphore, #tpu.memory_space<semaphore_mem>>) {add = true}
      %add3A_484 = arith.constant 2 : i32
      %add3A_485 = arith.addi %add3A_460, %add3A_484 : i32
      %lt3A_486 = arith.constant 25 : i32
      %lt3A_487 = arith.cmpi slt, %add3A_485, %lt3A_486 : i32
      %convert_element_type3A_488 = arith.extui %lt3A_487 : i1 to i32
      %cond3A_489 = arith.constant 0 : i32
      %cond3A_490 = arith.cmpi ne, %convert_element_type3A_488, %cond3A_489 : i32
      scf.if %cond3A_490 {
        %ge3A = arith.constant 1 : i32
        %ge3A_491 = arith.cmpi sge, %add3A_460, %ge3A : i32
        %convert_element_type3A_492 = arith.extui %ge3A_491 : i1 to i32
        %cond3A_493 = arith.constant 0 : i32
        %cond3A_494 = arith.cmpi ne, %convert_element_type3A_492, %cond3A_493 : i32
        scf.if %cond3A_494 {
          %dma_wait3A_508 = arith.constant 1 : i32
          %dma_wait3A_509 = arith.constant 0 : i32
          %dma_wait3A_510 = arith.constant 0 : i32
          %dma_wait3A_511 = arith.constant 0 : i32
          %dma_wait3A_512 = tpu.memref_slice %arg8[%dma_wait3A_508, %dma_wait3A_510, %dma_wait3A_511] : memref<3x100x128xf32, #tpu.memory_space<vmem>> -> memref<1x100x128xf32, #tpu.memory_space<vmem>>
          %dma_wait3A_513 = tpu.memref_squeeze %dma_wait3A_512 : memref<1x100x128xf32, #tpu.memory_space<vmem>> -> memref<100x128xf32, #tpu.memory_space<vmem>>
          %dma_wait3A_514 = arith.constant 0 : i32
          %dma_wait3A_515 = tpu.memref_slice %arg7[%dma_wait3A_509, %dma_wait3A_514] : memref<25x100xi32, #tpu.memory_space<vmem>> -> memref<1x100xi32, #tpu.memory_space<vmem>>
          %dma_wait3A_516 = tpu.memref_squeeze %dma_wait3A_515 : memref<1x100xi32, #tpu.memory_space<vmem>> -> memref<100xi32, #tpu.memory_space<vmem>>
          %dma_wait3A_517 = arith.constant 0 : i32
          %dma_wait3A_518 = arith.constant 0 : i32
          %dma_wait3A_519 = tpu.memref_slice %arg9[%dma_wait3A_517, %dma_wait3A_518] : memref<10240x128xf32, #tpu.memory_space<vmem_shared>> -> memref<10240x128xf32, #tpu.memory_space<vmem_shared>>
          tpu.wait_indirect_dma semaphore(%arg11 : memref<!tpu.dma_semaphore, #tpu.memory_space<semaphore_mem>>) src(%dma_wait3A_513 : memref<100x128xf32, #tpu.memory_space<vmem>>) dst(%dma_wait3A_519 : memref<10240x128xf32, #tpu.memory_space<vmem_shared>>)
        } else {
        }
        %add3A_495 = arith.constant 2 : i32
        %add3A_496 = arith.addi %add3A_460, %add3A_495 : i32
        %dma_start3A_497 = arith.constant 1 : i32
        %dma_start3A_498 = arith.constant 0 : i32
        %dma_start3A_499 = arith.constant 0 : i32
        %dma_start3A_500 = tpu.memref_slice %arg8[%dma_start3A_497, %dma_start3A_498, %dma_start3A_499] : memref<3x100x128xf32, #tpu.memory_space<vmem>> -> memref<1x100x128xf32, #tpu.memory_space<vmem>>
        %dma_start3A_501 = tpu.memref_squeeze %dma_start3A_500 : memref<1x100x128xf32, #tpu.memory_space<vmem>> -> memref<100x128xf32, #tpu.memory_space<vmem>>
        %dma_start3A_502 = arith.constant 0 : i32
        %dma_start3A_503 = tpu.memref_slice %arg6[%add3A_496, %dma_start3A_502] : memref<25x100xi32, #tpu.memory_space<vmem>> -> memref<1x100xi32, #tpu.memory_space<vmem>>
        %dma_start3A_504 = tpu.memref_squeeze %dma_start3A_503 : memref<1x100xi32, #tpu.memory_space<vmem>> -> memref<100xi32, #tpu.memory_space<vmem>>
        %dma_start3A_505 = arith.constant 0 : i32
        %dma_start3A_506 = arith.constant 0 : i32
        %dma_start3A_507 = tpu.memref_slice %arg2[%dma_start3A_505, %dma_start3A_506] : memref<10000x128xf32, #tpu.memory_space<hbm>> -> memref<10000x128xf32, #tpu.memory_space<hbm>>
        tpu.enqueue_indirect_dma source(%dma_start3A_507 : memref<10000x128xf32, #tpu.memory_space<hbm>>) target(%dma_start3A_501 : memref<100x128xf32, #tpu.memory_space<vmem>>) offsets(%dma_start3A_504 : memref<100xi32, #tpu.memory_space<vmem>>) semaphore(%arg11 : memref<!tpu.dma_semaphore, #tpu.memory_space<semaphore_mem>>)
      } else {
      }
    }
    %scan3A_333 = arith.constant 8 : i32
    %dma_wait3A_334 = arith.constant 0 : i32
    %dma_wait3A_335 = arith.constant 0 : i32
    %dma_wait3A_336 = arith.constant 0 : i32
    %dma_wait3A_337 = arith.constant 0 : i32
    %dma_wait3A_338 = tpu.memref_slice %arg8[%dma_wait3A_335, %dma_wait3A_336, %dma_wait3A_337] : memref<3x100x128xf32, #tpu.memory_space<vmem>> -> memref<1x100x128xf32, #tpu.memory_space<vmem>>
    %dma_wait3A_339 = tpu.memref_squeeze %dma_wait3A_338 : memref<1x100x128xf32, #tpu.memory_space<vmem>> -> memref<100x128xf32, #tpu.memory_space<vmem>>
    %dma_wait3A_340 = arith.constant 0 : i32
    %dma_wait3A_341 = tpu.memref_slice %arg6[%dma_wait3A_334, %dma_wait3A_340] : memref<25x100xi32, #tpu.memory_space<vmem>> -> memref<1x100xi32, #tpu.memory_space<vmem>>
    %dma_wait3A_342 = tpu.memref_squeeze %dma_wait3A_341 : memref<1x100xi32, #tpu.memory_space<vmem>> -> memref<100xi32, #tpu.memory_space<vmem>>
    %dma_wait3A_343 = arith.constant 0 : i32
    %dma_wait3A_344 = arith.constant 0 : i32
    %dma_wait3A_345 = tpu.memref_slice %arg2[%dma_wait3A_343, %dma_wait3A_344] : memref<10000x128xf32, #tpu.memory_space<hbm>> -> memref<10000x128xf32, #tpu.memory_space<hbm>>
    tpu.wait_indirect_dma semaphore(%arg10 : memref<!tpu.dma_semaphore, #tpu.memory_space<semaphore_mem>>) src(%dma_wait3A_345 : memref<10000x128xf32, #tpu.memory_space<hbm>>) dst(%dma_wait3A_339 : memref<100x128xf32, #tpu.memory_space<vmem>>)
    %dma_start3A_346 = arith.constant 0 : i32
    %dma_start3A_347 = arith.constant 24 : i32
    %dma_start3A_348 = arith.constant 0 : i32
    %dma_start3A_349 = arith.constant 0 : i32
    %dma_start3A_350 = tpu.memref_slice %arg8[%dma_start3A_346, %dma_start3A_348, %dma_start3A_349] : memref<3x100x128xf32, #tpu.memory_space<vmem>> -> memref<1x100x128xf32, #tpu.memory_space<vmem>>
    %dma_start3A_351 = tpu.memref_squeeze %dma_start3A_350 : memref<1x100x128xf32, #tpu.memory_space<vmem>> -> memref<100x128xf32, #tpu.memory_space<vmem>>
    %dma_start3A_352 = arith.constant 0 : i32
    %dma_start3A_353 = tpu.memref_slice %arg7[%dma_start3A_347, %dma_start3A_352] : memref<25x100xi32, #tpu.memory_space<vmem>> -> memref<1x100xi32, #tpu.memory_space<vmem>>
    %dma_start3A_354 = tpu.memref_squeeze %dma_start3A_353 : memref<1x100xi32, #tpu.memory_space<vmem>> -> memref<100xi32, #tpu.memory_space<vmem>>
    %dma_start3A_355 = arith.constant 0 : i32
    %dma_start3A_356 = arith.constant 0 : i32
    %dma_start3A_357 = tpu.memref_slice %arg9[%dma_start3A_355, %dma_start3A_356] : memref<10240x128xf32, #tpu.memory_space<vmem_shared>> -> memref<10240x128xf32, #tpu.memory_space<vmem_shared>>
    tpu.enqueue_indirect_dma source(%dma_start3A_351 : memref<100x128xf32, #tpu.memory_space<vmem>>) target(%dma_start3A_357 : memref<10240x128xf32, #tpu.memory_space<vmem_shared>>) offsets(%dma_start3A_354 : memref<100xi32, #tpu.memory_space<vmem>>) semaphore(%arg10 : memref<!tpu.dma_semaphore, #tpu.memory_space<semaphore_mem>>) {add = true}
    %dma_wait3A_358 = arith.constant 1 : i32
    %dma_wait3A_359 = arith.constant 0 : i32
    %dma_wait3A_360 = arith.constant 0 : i32
    %dma_wait3A_361 = arith.constant 0 : i32
    %dma_wait3A_362 = tpu.memref_slice %arg8[%dma_wait3A_358, %dma_wait3A_360, %dma_wait3A_361] : memref<3x100x128xf32, #tpu.memory_space<vmem>> -> memref<1x100x128xf32, #tpu.memory_space<vmem>>
    %dma_wait3A_363 = tpu.memref_squeeze %dma_wait3A_362 : memref<1x100x128xf32, #tpu.memory_space<vmem>> -> memref<100x128xf32, #tpu.memory_space<vmem>>
    %dma_wait3A_364 = arith.constant 0 : i32
    %dma_wait3A_365 = tpu.memref_slice %arg7[%dma_wait3A_359, %dma_wait3A_364] : memref<25x100xi32, #tpu.memory_space<vmem>> -> memref<1x100xi32, #tpu.memory_space<vmem>>
    %dma_wait3A_366 = tpu.memref_squeeze %dma_wait3A_365 : memref<1x100xi32, #tpu.memory_space<vmem>> -> memref<100xi32, #tpu.memory_space<vmem>>
    %dma_wait3A_367 = arith.constant 0 : i32
    %dma_wait3A_368 = arith.constant 0 : i32
    %dma_wait3A_369 = tpu.memref_slice %arg9[%dma_wait3A_367, %dma_wait3A_368] : memref<10240x128xf32, #tpu.memory_space<vmem_shared>> -> memref<10240x128xf32, #tpu.memory_space<vmem_shared>>
    tpu.wait_indirect_dma semaphore(%arg11 : memref<!tpu.dma_semaphore, #tpu.memory_space<semaphore_mem>>) src(%dma_wait3A_363 : memref<100x128xf32, #tpu.memory_space<vmem>>) dst(%dma_wait3A_369 : memref<10240x128xf32, #tpu.memory_space<vmem_shared>>)
    %dma_wait3A_370 = arith.constant 2 : i32
    %dma_wait3A_371 = arith.constant 0 : i32
    %dma_wait3A_372 = arith.constant 0 : i32
    %dma_wait3A_373 = arith.constant 0 : i32
    %dma_wait3A_374 = tpu.memref_slice %arg8[%dma_wait3A_370, %dma_wait3A_372, %dma_wait3A_373] : memref<3x100x128xf32, #tpu.memory_space<vmem>> -> memref<1x100x128xf32, #tpu.memory_space<vmem>>
    %dma_wait3A_375 = tpu.memref_squeeze %dma_wait3A_374 : memref<1x100x128xf32, #tpu.memory_space<vmem>> -> memref<100x128xf32, #tpu.memory_space<vmem>>
    %dma_wait3A_376 = arith.constant 0 : i32
    %dma_wait3A_377 = tpu.memref_slice %arg7[%dma_wait3A_371, %dma_wait3A_376] : memref<25x100xi32, #tpu.memory_space<vmem>> -> memref<1x100xi32, #tpu.memory_space<vmem>>
    %dma_wait3A_378 = tpu.memref_squeeze %dma_wait3A_377 : memref<1x100xi32, #tpu.memory_space<vmem>> -> memref<100xi32, #tpu.memory_space<vmem>>
    %dma_wait3A_379 = arith.constant 0 : i32
    %dma_wait3A_380 = arith.constant 0 : i32
    %dma_wait3A_381 = tpu.memref_slice %arg9[%dma_wait3A_379, %dma_wait3A_380] : memref<10240x128xf32, #tpu.memory_space<vmem_shared>> -> memref<10240x128xf32, #tpu.memory_space<vmem_shared>>
    tpu.wait_indirect_dma semaphore(%arg12 : memref<!tpu.dma_semaphore, #tpu.memory_space<semaphore_mem>>) src(%dma_wait3A_375 : memref<100x128xf32, #tpu.memory_space<vmem>>) dst(%dma_wait3A_381 : memref<10240x128xf32, #tpu.memory_space<vmem_shared>>)
    %dma_wait3A_382 = arith.constant 0 : i32
    %dma_wait3A_383 = arith.constant 0 : i32
    %dma_wait3A_384 = arith.constant 0 : i32
    %dma_wait3A_385 = arith.constant 0 : i32
    %dma_wait3A_386 = tpu.memref_slice %arg8[%dma_wait3A_382, %dma_wait3A_384, %dma_wait3A_385] : memref<3x100x128xf32, #tpu.memory_space<vmem>> -> memref<1x100x128xf32, #tpu.memory_space<vmem>>
    %dma_wait3A_387 = tpu.memref_squeeze %dma_wait3A_386 : memref<1x100x128xf32, #tpu.memory_space<vmem>> -> memref<100x128xf32, #tpu.memory_space<vmem>>
    %dma_wait3A_388 = arith.constant 0 : i32
    %dma_wait3A_389 = tpu.memref_slice %arg7[%dma_wait3A_383, %dma_wait3A_388] : memref<25x100xi32, #tpu.memory_space<vmem>> -> memref<1x100xi32, #tpu.memory_space<vmem>>
    %dma_wait3A_390 = tpu.memref_squeeze %dma_wait3A_389 : memref<1x100xi32, #tpu.memory_space<vmem>> -> memref<100xi32, #tpu.memory_space<vmem>>
    %dma_wait3A_391 = arith.constant 0 : i32
    %dma_wait3A_392 = arith.constant 0 : i32
    %dma_wait3A_393 = tpu.memref_slice %arg9[%dma_wait3A_391, %dma_wait3A_392] : memref<10240x128xf32, #tpu.memory_space<vmem_shared>> -> memref<10240x128xf32, #tpu.memory_space<vmem_shared>>
    tpu.wait_indirect_dma semaphore(%arg10 : memref<!tpu.dma_semaphore, #tpu.memory_space<semaphore_mem>>) src(%dma_wait3A_387 : memref<100x128xf32, #tpu.memory_space<vmem>>) dst(%dma_wait3A_393 : memref<10240x128xf32, #tpu.memory_space<vmem_shared>>)
    %barrier3A_394 = arith.constant 0 : index
    tpu.barrier barrier_id(%barrier3A_394)
    "tpu.region"() ({
      %run_scoped3A_395 = tpu.sem_alloc : memref<!tpu.dma_semaphore, #tpu.memory_space<semaphore_mem>>
      %dma_start3A_396 = arith.constant 0 : i32
      %dma_start3A_397 = tpu.memref_slice %arg5[%arg0, %mul3A_2, %dma_start3A_396] : memref<2x10240x128xf32, #tpu.memory_space<hbm>> -> memref<1x640x128xf32, #tpu.memory_space<hbm>>
      %dma_start3A_398 = tpu.memref_squeeze %dma_start3A_397 : memref<1x640x128xf32, #tpu.memory_space<hbm>> -> memref<640x128xf32, #tpu.memory_space<hbm>>
      %dma_start3A_399 = arith.constant 0 : i32
      %dma_start3A_400 = tpu.memref_slice %arg9[%mul3A_2, %dma_start3A_399] : memref<10240x128xf32, #tpu.memory_space<vmem_shared>> -> memref<640x128xf32, #tpu.memory_space<vmem_shared>>
      tpu.enqueue_dma source(%dma_start3A_400 : memref<640x128xf32, #tpu.memory_space<vmem_shared>>) target(%dma_start3A_398 : memref<640x128xf32, #tpu.memory_space<hbm>>) target_semaphore(%run_scoped3A_395 : memref<!tpu.dma_semaphore, #tpu.memory_space<semaphore_mem>>)
      %dma_wait3A_401 = arith.constant 0 : i32
      %dma_wait3A_402 = tpu.memref_slice %arg5[%arg0, %mul3A_2, %dma_wait3A_401] : memref<2x10240x128xf32, #tpu.memory_space<hbm>> -> memref<1x640x128xf32, #tpu.memory_space<hbm>>
      %dma_wait3A_403 = tpu.memref_squeeze %dma_wait3A_402 : memref<1x640x128xf32, #tpu.memory_space<hbm>> -> memref<640x128xf32, #tpu.memory_space<hbm>>
      %dma_wait3A_404 = arith.constant 0 : i32
      %dma_wait3A_405 = tpu.memref_slice %arg9[%mul3A_2, %dma_wait3A_404] : memref<10240x128xf32, #tpu.memory_space<vmem_shared>> -> memref<640x128xf32, #tpu.memory_space<vmem_shared>>
      tpu.wait_dma2 semaphore(%run_scoped3A_395 : memref<!tpu.dma_semaphore, #tpu.memory_space<semaphore_mem>>) src(%dma_wait3A_405 : memref<640x128xf32, #tpu.memory_space<vmem_shared>>) dst(%dma_wait3A_403 : memref<640x128xf32, #tpu.memory_space<hbm>>)
      tpu.yield
    }) : () -> ()
    return
  }
}

module attributes {stable_mosaic.version = 14 : i64} {
  func.func @body(%arg0: i32, %arg1: memref<2x1000x128xf32, #tpu.memory_space<vmem>>, %arg2: memref<128x128xf32, #tpu.memory_space<vmem>>, %arg3: memref<1x128xf32, #tpu.memory_space<vmem>>, %arg4: memref<1000x128xf32, #tpu.memory_space<vmem>>) attributes {dimension_semantics = [#tpu.dimension_semantics<arbitrary>], iteration_bounds = array<i64: 10>, scalar_prefetch = 0 : i64, scratch_operands = 0 : i64, tpu.core_type = #tpu.core_type<tc>, window_params = [{transform_indices = @transform_0, window_bounds = array<i64: 2, 1000, 128>}, {pipeline_mode = #tpu.pipeline_mode<synchronous>, transform_indices = @transform_1, window_bounds = array<i64: 128, 128>}, {pipeline_mode = #tpu.pipeline_mode<synchronous>, transform_indices = @transform_2, window_bounds = array<i64: 1, 128>}, {transform_indices = @transform_3, window_bounds = array<i64: 1000, 128>}]} {
    %get3A = arith.constant 0 : index
    %get3A_0 = arith.constant 0 : index
    %get3A_1 = arith.constant 0 : index
    %get3A_2 = vector.load %arg1[%get3A, %get3A_0, %get3A_1] : memref<2x1000x128xf32, #tpu.memory_space<vmem>>, vector<1x1000x128xf32>
    %get3A_3 = vector.shape_cast %get3A_2 : vector<1x1000x128xf32> to vector<1000x128xf32>
    %get3A_4 = arith.constant 1 : index
    %get3A_5 = arith.constant 0 : index
    %get3A_6 = arith.constant 0 : index
    %get3A_7 = vector.load %arg1[%get3A_4, %get3A_5, %get3A_6] : memref<2x1000x128xf32, #tpu.memory_space<vmem>>, vector<1x1000x128xf32>
    %get3A_8 = vector.shape_cast %get3A_7 : vector<1x1000x128xf32> to vector<1000x128xf32>
    %add3A = arith.addf %get3A_3, %get3A_8 : vector<1000x128xf32>
    %get3A_9 = arith.constant 0 : index
    %get3A_10 = arith.constant 0 : index
    %get3A_11 = vector.load %arg2[%get3A_9, %get3A_10] : memref<128x128xf32, #tpu.memory_space<vmem>>, vector<128x128xf32>
    %dot_general3A = arith.constant dense<0.000000e+00> : vector<1000x128xf32>
    %dot_general3A_12 = tpu.matmul %add3A, %get3A_11, %dot_general3A {dimension_numbers = #tpu.dot_dimension_numbers<[1], [1], [0], [0], [0, 0, 1, 0], [], []>, transpose_lhs_hint = false} : vector<1000x128xf32>, vector<128x128xf32>, vector<1000x128xf32> -> vector<1000x128xf32>
    %get3A_13 = arith.constant 0 : index
    %get3A_14 = arith.constant 0 : index
    %get3A_15 = vector.load %arg3[%get3A_13, %get3A_14] : memref<1x128xf32, #tpu.memory_space<vmem>>, vector<1x128xf32>
    %add3A_16 = vector.broadcast %get3A_15 : vector<1x128xf32> to vector<1000x128xf32>
    %add3A_17 = arith.addf %dot_general3A_12, %add3A_16 : vector<1000x128xf32>
    %max3A = arith.constant 0.000000e+00 : f32
    %max3A_18 = vector.broadcast %max3A : f32 to vector<1000x128xf32>
    %max3A_19 = arith.maximumf %add3A_17, %max3A_18 : vector<1000x128xf32>
    %swap3A = arith.constant 0 : index
    %swap3A_20 = arith.constant 0 : index
    %swap3A_21 = vector.load %arg4[%swap3A, %swap3A_20] : memref<1000x128xf32, #tpu.memory_space<vmem>>, vector<1000x128xf32>
    tpu.vector_store %arg4[%swap3A, %swap3A_20], %max3A_19 {strides = array<i32>} : memref<1000x128xf32, #tpu.memory_space<vmem>>, vector<1000x128xf32>,
    return
  }
  func.func @transform_0(%arg0: i32) -> (i32, i32, i32) {
    %c0_i32 = arith.constant 0 : i32
    %c0_i32_0 = arith.constant 0 : i32
    %c0_i32_1 = arith.constant 0 : i32
    return %c0_i32, %arg0, %c0_i32_0 : i32, i32, i32
  }
  func.func @transform_1(%arg0: i32) -> (i32, i32) {
    %c0_i32 = arith.constant 0 : i32
    %c0_i32_0 = arith.constant 0 : i32
    %c0_i32_1 = arith.constant 0 : i32
    return %c0_i32, %c0_i32_0 : i32, i32
  }
  func.func @transform_2(%arg0: i32) -> (i32, i32) {
    %c0_i32 = arith.constant 0 : i32
    %c0_i32_0 = arith.constant 0 : i32
    %c0_i32_1 = arith.constant 0 : i32
    return %c0_i32, %c0_i32_0 : i32, i32
  }
  func.func @transform_3(%arg0: i32) -> (i32, i32) {
    %c0_i32 = arith.constant 0 : i32
    %c0_i32_0 = arith.constant 0 : i32
    return %arg0, %c0_i32 : i32, i32
  }
}

</mosaic_0001>

<sc_bundles>
// kernel: kernel.4.cloned.1.call-start
scs
__scs_entry_jumppad:
0x0: {  	(pc) =	sbr.rel $0x88, $3  }
0x1: {  	(tag) =	ssettag $0x0;
	lr =	simm.s32 $0x1  }
0x2: {  	[smem:$0x3F9D] =	sst lr;
	_ =	strace $0xD0000000  }
0x3: {  	_ = 	snop  }
0x4: {  	_ = 	snop  }
0x5: {  	_ = 	snop  }
0x6: {  	_ = 	snop  }
0x7: {  	_ = 	snop  }
__scs_overlays_trampoline_lowered:
0x8: {  	[smem:$0x3FAC] =	sst s0  }
0x9: {  	[smem:$0x3FAD] =	sst s1  }
0xa: {  	[smem:$0x3FAE] =	sst s2  }
0xb: {  	[smem:$0x3FAF] =	sst s3  }
0xc: {  	[smem:$0x3FB0] =	sst s4  }
0xd: {  	[smem:$0x3FB1] =	sst s5  }
0xe: {  	[smem:$0x3FB2] =	sst s6  }
0xf: {  	[smem:$0x3FB3] =	sst s7  }
0x10: {  	[smem:$0x3FB4] =	sst s8  }
0x11: {  	[smem:$0x3FB5] =	sst s9;
	s0 =	simm.s32 @!p0 $0x0  }
0x12: {  	s1 =	sld [smem:$0x3F9B];
	s0 =	simm.s32 @p0 $0x1  }
0x13: {  	[smem:$0x3FB6] =	sst s0;
	s0 =	simm.s32 @!p1 $0x0  }
0x14: {  	s2 =	sld [smem:$0x3F9A];
	s0 =	simm.s32 @p1 $0x1  }
0x15: {  	[smem:$0x3FB7] =	sst s0;
	s0 =	simm.s32 @!p2 $0x0  }
0x16: {  	s3 =	sld [smem:$0x3FDB];
	s0 =	simm.s32 @p2 $0x1  }
0x17: {  	s4 =	simm.s32 $0x1BF5;
	[smem:$0x3FB9] =	sst s0  }
0x18: {  	s0 =	sld [smem:$0x3F9C];
	_ =	swait.ge [sflag:s4], $0x0  }
0x19: {  	s7 =	sld [smem:$0x3F9D]  }
0x1a: {  	s8 =	sadd.s32 $0xFFFFE003, lr  }
0x1b: {  	s9 =	sadd.s32 $0xFFFFFEF7, lr;
	s5 =	simm.s32 $0xFFFFFFFF;
	p2 =	slt.u32 s8, $0xFFFFF086  }
0x1c: {  	p1 =	slt.u32 s9, $0xF7A;
	s5 =	simm.s32 @!p2 $0x0  }
0x1d: {  	s5 =	simm.s32 @p1 $0x1;
	p0 =	seq.s32 s7, s2  }
0x1e: {  	s7 =	smul.u32 @!p0 $0xF7A, s2;
	p2 =	seq.s32 @!p0 s5, $0x0  }
0x1f: {  	s9 =	smul.u32 $0xF7A, s1;
	s8 =	simm.s32 @!p0 $0x1BF5;
	p2 =	por !p2, p0  }
0x20: {  	[sflag:s8] =	ssyncset.s32 @!p0 $0xFFFFF086;
	s6 =	sadd.s32 @!p0 s3, s7;
	s7 =	simm.s32 @!p0 $0x108  }
0x21: {  	s3 =	sadd.s32 s3, s9;
	s6 =	sadd.s32 @!p0 $0x88, s6;
	s7 =	simm.s32 @p2 $0x1082  }
0x22: {  	[simem:s7], [sflag:s8] =	dma.local @!p0 [hbm:s6], $0xF7A  }
0x23: {  	s9 =	sor.u32 $0xD0000000, s2;
	s6 =	simm.s32 $0x108;
	_ =	swait.ge @!p0 [sflag:s8], $0x0  }
0x24: {  	s3 =	sadd.s32 $0x88, s3;
	s6 =	simm.s32 @!p1 $0x1082;
	[sflag:s4] =	ssyncset.s32 $0xFFFFF086  }
0x25: {  	[simem:s6], [sflag:s4] =	dma.local [hbm:s3], $0xF7A  }
0x26: {  	[smem:$0x3F9D] =	sst s1;
	(tag) =	ssettag s2;
	_ =	strace s9  }
0x27: {  	s1 =	sld [smem:$0x3FAD]  }
0x28: {  	s2 =	sld [smem:$0x3FAE]  }
0x29: {  	s4 =	sld [smem:$0x3FB0]  }
0x2a: {  	p0 =	seq.s32 s5, $0x0;
	s5 =	sld [smem:$0x3FB1]  }
0x2b: {  	s6 =	sld [smem:$0x3FB2]  }
0x2c: {  	s7 =	sld [smem:$0x3FB3]  }
0x2d: {  	s3 =	simm.s32 $0x108;
	s8 =	sld [smem:$0x3FB4]  }
0x2e: {  	s3 =	simm.s32 @!p0 $0x1082;
	s9 =	sld [smem:$0x3FB5]  }
0x2f: {  	lr =	sadd.s32 s0, s3;
	s0 =	sld [smem:$0x3FAC]  }
0x30: {  	s3 =	sld [smem:$0x3FAF]  }
0x31: {  	[smem:$0x3FB8] =	sst s10  }
0x32: {  	s10 =	sld [smem:$0x3FB6];
	_ =	sdelay $0x3  }
0x33: {  	p0 =	seq.s32 s10, $0x1;
	s10 =	sld [smem:$0x3FB8];
	_ =	sdelay $0x3  }
0x34: {  	[smem:$0x3FB8] =	sst s10  }
0x35: {  	s10 =	sld [smem:$0x3FB7];
	_ =	sdelay $0x3  }
0x36: {  	p1 =	seq.s32 s10, $0x1;
	s10 =	sld [smem:$0x3FB8];
	_ =	sdelay $0x3  }
0x37: {  	[smem:$0x3FB8] =	sst s10  }
0x38: {  	s10 =	sld [smem:$0x3FB9]  }
0x39: {  	_ = 	snop;
	(pc) =	sbr.ind lr, $3  }
0x3a: {  	_ = 	snop  }
0x3b: {  	_ = 	snop  }
0x3c: {  	p2 =	seq.s32 s10, $0x1;
	s10 =	sld [smem:$0x3FB8]  }
0x3d: {  	_ =	shalt  }
0x3e: {  	_ =	shalt  }
0x3f: {  	_ =	shalt  }
0x40: {  	_ =	shalt  }
0x41: {  	_ =	shalt  }
0x42: {  	_ =	shalt  }
0x43: {  	_ =	shalt  }
0x44: {  	_ =	shalt  }
0x45: {  	_ =	shalt  }
0x46: {  	_ =	shalt  }
0x47: {  	_ =	shalt  }
0x48: {  	_ =	shalt  }
0x49: {  	_ =	shalt  }
0x4a: {  	_ =	shalt  }
0x4b: {  	_ =	shalt  }
0x4c: {  	_ =	shalt  }
0x4d: {  	_ =	shalt  }
0x4e: {  	_ =	shalt  }
0x4f: {  	_ =	shalt  }
0x50: {  	_ =	shalt  }
0x51: {  	_ =	shalt  }
0x52: {  	_ =	shalt  }
0x53: {  	_ =	shalt  }
0x54: {  	_ =	shalt  }
0x55: {  	_ =	shalt  }
0x56: {  	_ =	shalt  }
0x57: {  	_ =	shalt  }
0x58: {  	_ =	shalt  }
0x59: {  	_ =	shalt  }
0x5a: {  	_ =	shalt  }
0x5b: {  	_ =	shalt  }
0x5c: {  	_ =	shalt  }
0x5d: {  	_ =	shalt  }
0x5e: {  	_ =	shalt  }
0x5f: {  	_ =	shalt  }
0x60: {  	_ =	shalt  }
0x61: {  	_ =	shalt  }
0x62: {  	_ =	shalt  }
0x63: {  	_ =	shalt  }
0x64: {  	_ =	shalt  }
0x65: {  	_ =	shalt  }
0x66: {  	_ =	shalt  }
0x67: {  	_ =	shalt  }
0x68: {  	_ =	shalt  }
0x69: {  	_ =	shalt  }
0x6a: {  	_ =	shalt  }
0x6b: {  	_ =	shalt  }
0x6c: {  	_ =	shalt  }
0x6d: {  	_ =	shalt  }
0x6e: {  	_ =	shalt  }
0x6f: {  	_ =	shalt  }
0x70: {  	_ =	shalt  }
0x71: {  	_ =	shalt  }
0x72: {  	_ =	shalt  }
0x73: {  	_ =	shalt  }
0x74: {  	_ =	shalt  }
0x75: {  	_ =	shalt  }
0x76: {  	_ =	shalt  }
0x77: {  	_ =	shalt  }
0x78: {  	_ =	shalt  }
0x79: {  	_ =	shalt  }
0x7a: {  	_ =	shalt  }
0x7b: {  	_ =	shalt  }
0x7c: {  	_ =	shalt  }
0x7d: {  	_ =	shalt  }
0x7e: {  	_ =	shalt  }
0x7f: {  	_ =	shalt  }
0x80: {  	_ =	shalt  }
0x81: {  	_ =	shalt  }
0x82: {  	_ =	shalt  }
0x83: {  	_ =	shalt  }
0x84: {  	_ =	shalt  }
0x85: {  	_ =	shalt  }
0x86: {  	_ =	shalt  }
0x87: {  	_ =	shalt  }
.Lfunc_end0:
.L_simem_size_0:
called_computation_lowered:
.L_overlay_start_0:
0x88: {  	s2 =	sld [smem:$0x3FD9]  }
0x89: {  	s3 =	sld [smem:$0x3FFE];
	_ =	sdelay $0x1  }
0x8a: {  	s1 =	srdreg.scid  }
0x8b: {  	s0 =	sand.u32 $0x1, s1  }
0x8c: {  	s17 =	sshll.u32 s0, $0xA;
	s2 =	sadd.s32 s3, s2  }
0x8d: {  	s2 =	sadd.s32 s2, s17  }
0x8e: {  	[smem:$0x3FC4] =	sst s2  }
0x8f: {  	_ = 	snop  }
0x90: {  	s2 =	sld [smem:$0x3FC9]  }
0x91: {  	s18 =	sld [smem:$0x3FD0];
	(tm) =	ssettm $0x1  }
0x92: {  	s4 =	sld [smem:$0x3FFB];
	_ =	sdelay $0x3  }
0x93: {  	_ =	strace s4  }
0x94: {  	s4 =	sld [smem:$0x3FFC];
	_ =	sdelay $0x3  }
0x95: {  	_ =	strace s4  }
0x96: {  	s4 =	sld [smem:$0x3FFD];
	_ =	sdelay $0x3  }
0x97: {  	_ =	strace s4  }
0x98: {  	_ =	strace $0x8FFFFFFF  }
0x99: {  	s19 =	sld [smem:$0x3FDB];
	_ =	sdelay $0x1  }
0x9a: {  	s5 =	simm.s32 $_scs_section_size  }
0x9b: {  	s6 =	simm.s32 $_size__tile_overlayer_lowered;
	s7 =	simm.s32 $_tile_overlayer_lowered  }
0x9c: {  	s22 =	simm.s32 $0x1BFF;
	s21 =	sshll.u32 s7, $0x1;
	s4 =	sadd.s32 s5, s19  }
0x9d: {  	s8 =	simm.s32 $0x0;
	s20 =	sshll.u32 s6, $0x1;
	s6 =	sadd.s32 s21, s4  }
0x9e: {  	[timem:s8], [sflag:s22] =	dma.local [hbm:s6], s20  }
0x9f: {  	_ =	swait.ge [sflag:s22], s20  }
0xa0: {  	s5 =	ssub.s32 $0x0, s20;
	[sflag:s22] =	ssyncset.done $0x0  }
0xa1: {  	[sflag:s22] =	ssyncadd.s32 s5;
	_ =	sdelay $0x1  }
0xa2: {  	s23 =	simm.s32 $0x1B8B  }
0xa3: {  	_ =	swait.ge [sflag:s23], $0x1  }
0xa4: {  	[sflag:s23] =	ssyncset.done $0x0  }
0xa5: {  	s25 =	simm.s32 $0x1B8E;
	s24 =	sld [smem:$0x3FFE];
	[sflag:s23] =	ssyncadd.s32 $0xFFFFFFFF  }
0xa6: {  	s26 =	simm.s32 $execute0_lowered;
	[smem:$0x3FD2] =	sst s25  }
0xa7: {  	s6 =	sshll.u32 s26, $0x1;
	_ =	strace $0x80000046;
	[dreg:$0x1] =	wrdreg $0xFFFFFFFF  }
0xa8: {  	s28 =	simm.s32 $_size_execute0_lowered;
	s4 =	sadd.s32 s4, s6;
	[dreg:$0x0] =	wrdreg $0x0  }
0xa9: {  	s6 =	sshll.u32 s28, $0x1;
	[dreg:$0x2] =	wrdreg s4  }
0xaa: {  	[dreg:$0x3] =	wrdreg s6  }
0xab: {  	[dreg:$0x4] =	wrdreg $0xC0  }
0xac: {  	_ =	task [dreg:s8], $0x5FFFF  }
0xad: {  	[dreg:$0x1] =	wrdreg $0xFFFFFFFF  }
0xae: {  	[dreg:$0x0] =	wrdreg $0x60  }
0xaf: {  	[dreg:$0x2] =	wrdreg s2  }
0xb0: {  	[dreg:$0x3] =	wrdreg s18  }
0xb1: {  	[dreg:$0x4] =	wrdreg s24  }
0xb2: {  	[dreg:$0x5] =	wrdreg $0xBC000  }
0xb3: {  	[dreg:$0x6] =	wrdreg $0x9  }
0xb4: {  	_ =	task.clear_ibuf [dreg:s8], $0x7FFFF;
	_ =	strace $0x90000046  }
0xb5: {  	s29 =	simm.s32 $0x9;
	_ =	strace $0x80000048  }
0xb6: {  	_ =	swait.ge [sflag:s29], $0x1  }
0xb7: {  	[sflag:s29] =	ssyncadd.s32 $0xFFFFFFFF  }
0xb8: {  	_ =	strace $0x90000048  }
0xb9: {  	_ =	sfence  }
0xba: {  	s30 =	sld [smem:$0x0];
	_ =	sdelay $0x2  }
0xbb: {  	s31 =	sshll.u32 s1, $0xD;
	s1 =	sshrl.u32 s1, $0x2  }
0xbc: {  	s3 =	sand.u32 $0x4000, s31;
	s1 =	sadd.s32 s1, s30  }
0xbd: {  	s0 =	sor.u32 s3, s0;
	s1 =	sshll.u32 s1, $0x11  }
0xbe: {  	s0 =	sor.u32 s1, s0  }
0xbf: {  	s0 =	sadd.s32 $0x8F2B, s0  }
0xc0: {  	[sflag:s0] =	ssyncadd.remote.s32 $0x1  }
0xc1: {  	_ =	sfence.sel $0xFFFF  }
0xc2: {  	[dreg:$0x0] =	wrdreg $0xFFFFFFFF;
	(pc) =	sbr.abs _section_cstart, $3  }
0xc3: {  	[dreg:$0x1] =	wrdreg $0xFFFFFFFF  }
0xc4: {  	_ =	task.clear_ibuf [dreg:s8], $0x2FFFF;
	_ =	strace $0x9FFFFFFF  }
0xc5: {  	(tm) =	ssettm $0x7FFFFFFF  }
tec
execute0_lowered:
.L_overlay_start_1:
0x0: {  	(tag) =	ssettag $0x1  }
0x1: {  	s0 =	rddreg [dreg:$0x0]  }
0x2: {  	s1 =	rddreg [dreg:$0x1]  }
0x3: {  	s2 =	rddreg [dreg:$0x2];
	s4 =	srdreg.scid  }
0x4: {  	s3 =	rddreg [dreg:$0x3];
	s9 =	stileid.u32;
	s15 =	simm.s32 $0x0  }
0x5: {  	s28 =	simm.s32 $0x5400;
	s6 =	sand.u32 $0x1, s4;
	s8 =	smul.u32 $0x50000, s9  }
0x6: {  	[smem:$0x7FF] =	sst s15;
	s13 =	sshll.u32 s9, $0xC;
	s5 =	smul.u32 $0x140000, s6  }
0x7: {  	s26 =	ssub.s32 $0x2, s6;
	s6 =	sshll.u32 s6, $0xB;
	s8 =	sshrl.u32 s8, $0x2  }
0x8: {  	s25 =	sadd.s32 $0x200, s2;
	s6 =	sor.u32 s6, s13;
	s30 =	sadd.s32 s8, s3  }
0x9: {  	_ =	strace $0x80000047;
	s18 =	sadd.s32 s1, s6;
	[dreg:$0x15] =	wrdreg s30  }
0xa: {  	s29 =	simm.s32 $0x1;
	s20 =	sadd.s32 s25, s6;
	[dreg:$0xb] =	wrdreg s18  }
0xb: {  	s31 =	simm.s32 $0x8800;
	s8 =	sadd.s32 $0x3200, s30;
	[dreg:$0xc] =	wrdreg s20  }
0xc: {  	s7 =	smul.u32 $0x14000, s9;
	s11 =	sadd.s32 $0x6400, s30;
	[dreg:$0x5] =	wrdreg s8  }
0xd: {  	s10 =	sshrl.u32 s26, $0x1;
	s12 =	sadd.s32 $0x9600, s30;
	[dreg:$0x6] =	wrdreg s11  }
0xe: {  	s5 =	sadd.s32 s7, s5;
	s14 =	sadd.s32 $0xC800, s30;
	[dreg:$0x7] =	wrdreg s12  }
0xf: {  	s7 =	ssub.s32 s26, s10;
	s16 =	sadd.s32 $0xFA00, s30;
	[dreg:$0x8] =	wrdreg s14  }
0x10: {  	s19 =	sor.u32 $0x200, s6;
	s17 =	sadd.s32 $0x12C00, s30;
	[dreg:$0x9] =	wrdreg s16  }
0x11: {  	s22 =	sor.u32 $0x400, s6;
	s21 =	sadd.s32 s1, s19;
	[dreg:$0xa] =	wrdreg s17  }
0x12: {  	s6 =	sor.u32 $0x600, s6;
	s23 =	sadd.s32 s1, s22;
	[dreg:$0xd] =	wrdreg s21  }
0x13: {  	s5 =	sshrl.u32 s5, $0x3;
	s24 =	sadd.s32 s25, s22;
	[dreg:$0xf] =	wrdreg s23  }
0x14: {  	s1 =	sadd.s32 s1, s6;
	s30 =	smax.u32 s7, $0x1;
	[dreg:$0x10] =	wrdreg s24  }
0x15: {  	s22 =	simm.s32 $0x2000;
	s7 =	simm.s32 $0x3;
	[dreg:$0x11] =	wrdreg s1  }
0x16: {  	s2 =	sadd.s32 s5, s2;
	s8 =	sadd.s32 s25, s19;
	[dreg:$0x14] =	wrdreg s30  }
0x17: {  	s25 =	sadd.s32 s25, s6;
	s23 =	simm.s32 $0x4;
	[dreg:$0xe] =	wrdreg s8  }
0x18: {  	s1 =	simm.s32 $0x2;
	[dreg:$0x12] =	wrdreg s25;
	s26 =	sadd.s32 $0x10200, s2  }
0x19: {  	v0 =	vimm.f32 $0.0e+00;
	s16 =	simm.s32 $0x0;
	s25 =	simm.s32 $0x64;
	[dreg:$0x13] =	wrdreg s26  }
.LBB2_1:
0x1a: {  	s17 =	simm.s32 $0x0;
	s18 =	simm.s32 $0x200  }
.LBB2_2:
0x1b: {  	p0 =	sne.s32 s18, $0xC600;
	[tilespmem:s17+$0x2070] =	vst v0  }
0x1c: {  	[tilespmem:s17+$0x2000] =	vst v0  }
0x1d: {  	[tilespmem:s17+$0x2010] =	vst v0  }
.Ltmp0:
0x1e: {  	[tilespmem:s17+$0x2020] =	vst v0;
	(pc) =	sbr.rel @p0 .LBB2_2-.Ltmp0, $4  }
0x1f: {  	[tilespmem:s17+$0x2030] =	vst v0  }
0x20: {  	[tilespmem:s17+$0x2040] =	vst v0  }
0x21: {  	[tilespmem:s17+$0x2050] =	vst v0  }
0x22: {  	[tilespmem:s17+$0x2060] =	vst v0;
	s17 =	sshra.s32 s18, $0x2;
	s18 =	sadd.s32 $0x200, s18  }
0x23: {  	[tilespmem:s17+$0x2070] =	vst v0  }
0x24: {  	[tilespmem:s17+$0x2000] =	vst v0  }
0x25: {  	[tilespmem:s17+$0x2010] =	vst v0  }
0x26: {  	[tilespmem:s17+$0x2020] =	vst v0  }
0x27: {  	[tilespmem:s17+$0x2030] =	vst v0  }
0x28: {  	[tilespmem:s17+$0x2040] =	vst v0  }
0x29: {  	[tilespmem:s17+$0x2050] =	vst v0  }
0x2a: {  	[tilespmem:s17+$0x2060] =	vst v0;
	s2 =	rddreg [dreg:$0x15]  }
0x2b: {  	[spmem:s2] =	stream.linear.scatter [tilespmem:s22], [sflag:$0x4], $0x3200, $0x38;
	[tilespmem:$0x1FC00] =	vst v63  }
0x2c: {  	_ =	swait.ge [sflag:s23], $0x3200  }
0x2d: {  	[sflag:s23] =	ssyncset.done $0x0  }
0x2e: {  	s30 =	rddreg [dreg:$0x5];
	[sflag:s23] =	ssyncadd.s32 $0xFFFFCE00  }
0x2f: {  	[spmem:s30] =	stream.linear.scatter [tilespmem:s22], [sflag:$0x4], $0x3200, $0x38;
	[tilespmem:$0x1FC00] =	vst v63  }
0x30: {  	_ =	swait.ge [sflag:s23], $0x3200  }
0x31: {  	[sflag:s23] =	ssyncset.done $0x0  }
0x32: {  	s2 =	rddreg [dreg:$0x6];
	[sflag:s23] =	ssyncadd.s32 $0xFFFFCE00  }
0x33: {  	[spmem:s2] =	stream.linear.scatter [tilespmem:s22], [sflag:$0x4], $0x3200, $0x38;
	[tilespmem:$0x1FC00] =	vst v63  }
0x34: {  	_ =	swait.ge [sflag:s23], $0x3200  }
0x35: {  	[sflag:s23] =	ssyncset.done $0x0  }
0x36: {  	s4 =	rddreg [dreg:$0x7];
	[sflag:s23] =	ssyncadd.s32 $0xFFFFCE00  }
0x37: {  	[spmem:s4] =	stream.linear.scatter [tilespmem:s22], [sflag:$0x4], $0x3200, $0x38;
	[tilespmem:$0x1FC00] =	vst v63  }
0x38: {  	_ =	swait.ge [sflag:s23], $0x3200  }
0x39: {  	[sflag:s23] =	ssyncset.done $0x0  }
0x3a: {  	s5 =	rddreg [dreg:$0x8];
	[sflag:s23] =	ssyncadd.s32 $0xFFFFCE00  }
0x3b: {  	[spmem:s5] =	stream.linear.scatter [tilespmem:s22], [sflag:$0x4], $0x3200, $0x38;
	[tilespmem:$0x1FC00] =	vst v63  }
0x3c: {  	_ =	swait.ge [sflag:s23], $0x3200  }
0x3d: {  	[sflag:s23] =	ssyncset.done $0x0  }
0x3e: {  	s6 =	rddreg [dreg:$0x9];
	[sflag:s23] =	ssyncadd.s32 $0xFFFFCE00  }
0x3f: {  	[spmem:s6] =	stream.linear.scatter [tilespmem:s22], [sflag:$0x4], $0x3200, $0x38;
	[tilespmem:$0x1FC00] =	vst v63  }
0x40: {  	_ =	swait.ge [sflag:s23], $0x3200  }
0x41: {  	[sflag:s23] =	ssyncset.done $0x0  }
0x42: {  	s8 =	rddreg [dreg:$0xa];
	[sflag:s23] =	ssyncadd.s32 $0xFFFFCE00  }
0x43: {  	[spmem:s8] =	stream.linear.scatter [tilespmem:s22], [sflag:$0x4], $0x1400, $0x38;
	[tilespmem:$0x1FC00] =	vst v63  }
0x44: {  	_ =	swait.ge [sflag:s23], $0x1400  }
0x45: {  	[sflag:s23] =	ssyncset.done $0x0  }
0x46: {  	[sflag:s23] =	ssyncadd.s32 $0xFFFFEC00  }
0x47: {  	[bflag:$0x0] =	sbarrier.arrive $0xFFFF  }
0x48: {  	s9 =	rddreg [dreg:$0xb]  }
0x49: {  	[tilespmem:s15], [sflag:$0x4] =	stream.linear.gather [hbm4b:s9+s15], $0xC80, $0x38;
	[tilespmem:$0x1FC00] =	vst v63  }
0x4a: {  	_ =	swait.ge [sflag:s23], $0xC80  }
0x4b: {  	[sflag:s23] =	ssyncset.done $0x0  }
0x4c: {  	s4 =	simm.s32 $0x1000;
	s10 =	rddreg [dreg:$0xc];
	[sflag:s23] =	ssyncadd.s32 $0xFFFFF380  }
0x4d: {  	[tilespmem:s4], [sflag:$0x4] =	stream.linear.gather [hbm4b:s10+s15], $0xC80, $0x38;
	[tilespmem:$0x1FC00] =	vst v63  }
0x4e: {  	_ =	swait.ge [sflag:s23], $0xC80  }
0x4f: {  	[sflag:s23] =	ssyncset.done $0x0  }
0x50: {  	[sflag:s23] =	ssyncadd.s32 $0xFFFFF380  }
0x51: {  	[tilespmem:s22], [sflag:$0x1] =	stream.indirect.gather [hbm4b:s0+s25], $0x80, s15, s25, $0xb8;
	[tilespmem:$0x1FC00] =	vst v63  }
0x52: {  	s11 =	simm.s32 $0x80  }
0x53: {  	[tilespmem:s28], [sflag:$0x2] =	stream.indirect.gather [hbm4b:s0+s25], $0x80, s11, s25, $0xb8;
	[tilespmem:$0x1FC00] =	vst v63  }
0x54: {  	_ =	swait.ge [sflag:s29], $0x3200  }
0x55: {  	[sflag:s29] =	ssyncset.done $0x0  }
0x56: {  	[sflag:s29] =	ssyncadd.s32 $0xFFFFCE00  }
0x57: {  	[spmem:s3] =	stream.indirect.scatter.add.f32 [tilespmem:s22], [sflag:$0x1], $0x80, s4, s25, $0xb8;
	[tilespmem:$0x1FC00] =	vst v63  }
0x58: {  	s12 =	simm.s32 $0x100  }
0x59: {  	[tilespmem:s31], [sflag:$0x3] =	stream.indirect.gather [hbm4b:s0+s25], $0x80, s12, s25, $0xb8;
	[tilespmem:$0x1FC00] =	vst v63  }
0x5a: {  	_ =	swait.ge [sflag:s1], $0x3200  }
0x5b: {  	[sflag:s1] =	ssyncset.done $0x0  }
0x5c: {  	s13 =	simm.s32 $0x1080;
	[sflag:s1] =	ssyncadd.s32 $0xFFFFCE00  }
0x5d: {  	[spmem:s3] =	stream.indirect.scatter.add.f32 [tilespmem:s28], [sflag:$0x2], $0x80, s13, s25, $0xb8;
	[tilespmem:$0x1FC00] =	vst v63  }
0x5e: {  	_ =	swait.ge [sflag:s29], $0x3200  }
0x5f: {  	[sflag:s29] =	ssyncset.done $0x0  }
0x60: {  	s14 =	simm.s32 $0x180;
	[sflag:s29] =	ssyncadd.s32 $0xFFFFCE00  }
0x61: {  	[tilespmem:s22], [sflag:$0x1] =	stream.indirect.gather [hbm4b:s0+s25], $0x80, s14, s25, $0xb8;
	[tilespmem:$0x1FC00] =	vst v63  }
0x62: {  	_ =	swait.ge [sflag:s7], $0x3200  }
0x63: {  	[sflag:s7] =	ssyncset.done $0x0  }
0x64: {  	s17 =	simm.s32 $0x1100;
	[sflag:s7] =	ssyncadd.s32 $0xFFFFCE00  }
0x65: {  	[spmem:s3] =	stream.indirect.scatter.add.f32 [tilespmem:s31], [sflag:$0x3], $0x80, s17, s25, $0xb8;
	[tilespmem:$0x1FC00] =	vst v63  }
0x66: {  	_ =	swait.ge [sflag:s1], $0x3200  }
0x67: {  	[sflag:s1] =	ssyncset.done $0x0  }
0x68: {  	s18 =	simm.s32 $0x200;
	[sflag:s1] =	ssyncadd.s32 $0xFFFFCE00  }
0x69: {  	[tilespmem:s28], [sflag:$0x2] =	stream.indirect.gather [hbm4b:s0+s25], $0x80, s18, s25, $0xb8;
	[tilespmem:$0x1FC00] =	vst v63  }
0x6a: {  	_ =	swait.ge [sflag:s29], $0x3200  }
0x6b: {  	[sflag:s29] =	ssyncset.done $0x0  }
0x6c: {  	s19 =	simm.s32 $0x1180;
	[sflag:s29] =	ssyncadd.s32 $0xFFFFCE00  }
0x6d: {  	[spmem:s3] =	stream.indirect.scatter.add.f32 [tilespmem:s22], [sflag:$0x1], $0x80, s19, s25, $0xb8;
	[tilespmem:$0x1FC00] =	vst v63  }
0x6e: {  	_ =	swait.ge [sflag:s7], $0x3200  }
0x6f: {  	[sflag:s7] =	ssyncset.done $0x0  }
0x70: {  	s20 =	simm.s32 $0x280;
	[sflag:s7] =	ssyncadd.s32 $0xFFFFCE00  }
0x71: {  	[tilespmem:s31], [sflag:$0x3] =	stream.indirect.gather [hbm4b:s0+s25], $0x80, s20, s25, $0xb8;
	[tilespmem:$0x1FC00] =	vst v63  }
0x72: {  	_ =	swait.ge [sflag:s1], $0x3200  }
0x73: {  	[sflag:s1] =	ssyncset.done $0x0  }
0x74: {  	s21 =	simm.s32 $0x1200;
	[sflag:s1] =	ssyncadd.s32 $0xFFFFCE00  }
0x75: {  	[spmem:s3] =	stream.indirect.scatter.add.f32 [tilespmem:s28], [sflag:$0x2], $0x80, s21, s25, $0xb8;
	[tilespmem:$0x1FC00] =	vst v63  }
0x76: {  	_ =	swait.ge [sflag:s29], $0x3200  }
0x77: {  	[sflag:s29] =	ssyncset.done $0x0  }
0x78: {  	s24 =	simm.s32 $0x300;
	[sflag:s29] =	ssyncadd.s32 $0xFFFFCE00  }
0x79: {  	[tilespmem:s22], [sflag:$0x1] =	stream.indirect.gather [hbm4b:s0+s25], $0x80, s24, s25, $0xb8;
	[tilespmem:$0x1FC00] =	vst v63  }
0x7a: {  	_ =	swait.ge [sflag:s7], $0x3200  }
0x7b: {  	[sflag:s7] =	ssyncset.done $0x0  }
0x7c: {  	s26 =	simm.s32 $0x1280;
	[sflag:s7] =	ssyncadd.s32 $0xFFFFCE00  }
0x7d: {  	[spmem:s3] =	stream.indirect.scatter.add.f32 [tilespmem:s31], [sflag:$0x3], $0x80, s26, s25, $0xb8;
	[tilespmem:$0x1FC00] =	vst v63  }
0x7e: {  	_ =	swait.ge [sflag:s1], $0x3200  }
0x7f: {  	[sflag:s1] =	ssyncset.done $0x0  }
0x80: {  	s30 =	simm.s32 $0x380;
	[sflag:s1] =	ssyncadd.s32 $0xFFFFCE00  }
0x81: {  	[tilespmem:s28], [sflag:$0x2] =	stream.indirect.gather [hbm4b:s0+s25], $0x80, s30, s25, $0xb8;
	[tilespmem:$0x1FC00] =	vst v63  }
0x82: {  	_ =	swait.ge [sflag:s29], $0x3200  }
0x83: {  	[sflag:s29] =	ssyncset.done $0x0  }
0x84: {  	s12 =	simm.s32 $0x1300;
	[sflag:s29] =	ssyncadd.s32 $0xFFFFCE00  }
0x85: {  	[spmem:s3] =	stream.indirect.scatter.add.f32 [tilespmem:s22], [sflag:$0x1], $0x80, s12, s25, $0xb8;
	[tilespmem:$0x1FC00] =	vst v63  }
0x86: {  	_ =	swait.ge [sflag:s7], $0x3200  }
0x87: {  	[sflag:s7] =	ssyncset.done $0x0  }
0x88: {  	s13 =	simm.s32 $0x400;
	[sflag:s7] =	ssyncadd.s32 $0xFFFFCE00  }
0x89: {  	[tilespmem:s31], [sflag:$0x3] =	stream.indirect.gather [hbm4b:s0+s25], $0x80, s13, s25, $0xb8;
	[tilespmem:$0x1FC00] =	vst v63  }
0x8a: {  	_ =	swait.ge [sflag:s1], $0x3200  }
0x8b: {  	[sflag:s1] =	ssyncset.done $0x0  }
0x8c: {  	s14 =	simm.s32 $0x1380;
	[sflag:s1] =	ssyncadd.s32 $0xFFFFCE00  }
0x8d: {  	[spmem:s3] =	stream.indirect.scatter.add.f32 [tilespmem:s28], [sflag:$0x2], $0x80, s14, s25, $0xb8;
	[tilespmem:$0x1FC00] =	vst v63  }
0x8e: {  	_ =	swait.ge [sflag:s29], $0x3200  }
0x8f: {  	[sflag:s29] =	ssyncset.done $0x0  }
0x90: {  	s17 =	simm.s32 $0x480;
	[sflag:s29] =	ssyncadd.s32 $0xFFFFCE00  }
0x91: {  	[tilespmem:s22], [sflag:$0x1] =	stream.indirect.gather [hbm4b:s0+s25], $0x80, s17, s25, $0xb8;
	[tilespmem:$0x1FC00] =	vst v63  }
0x92: {  	_ =	swait.ge [sflag:s7], $0x3200  }
0x93: {  	[sflag:s7] =	ssyncset.done $0x0  }
0x94: {  	s18 =	simm.s32 $0x1400;
	[sflag:s7] =	ssyncadd.s32 $0xFFFFCE00  }
0x95: {  	[spmem:s3] =	stream.indirect.scatter.add.f32 [tilespmem:s31], [sflag:$0x3], $0x80, s18, s25, $0xb8;
	[tilespmem:$0x1FC00] =	vst v63  }
0x96: {  	_ =	swait.ge [sflag:s1], $0x3200  }
0x97: {  	[sflag:s1] =	ssyncset.done $0x0  }
0x98: {  	s19 =	simm.s32 $0x500;
	[sflag:s1] =	ssyncadd.s32 $0xFFFFCE00  }
0x99: {  	[tilespmem:s28], [sflag:$0x2] =	stream.indirect.gather [hbm4b:s0+s25], $0x80, s19, s25, $0xb8;
	[tilespmem:$0x1FC00] =	vst v63  }
0x9a: {  	_ =	swait.ge [sflag:s29], $0x3200  }
0x9b: {  	[sflag:s29] =	ssyncset.done $0x0  }
0x9c: {  	s20 =	simm.s32 $0x1480;
	[sflag:s29] =	ssyncadd.s32 $0xFFFFCE00  }
0x9d: {  	[spmem:s3] =	stream.indirect.scatter.add.f32 [tilespmem:s22], [sflag:$0x1], $0x80, s20, s25, $0xb8;
	[tilespmem:$0x1FC00] =	vst v63  }
0x9e: {  	_ =	swait.ge [sflag:s7], $0x3200  }
0x9f: {  	[sflag:s7] =	ssyncset.done $0x0  }
0xa0: {  	s21 =	simm.s32 $0x580;
	[sflag:s7] =	ssyncadd.s32 $0xFFFFCE00  }
0xa1: {  	[tilespmem:s31], [sflag:$0x3] =	stream.indirect.gather [hbm4b:s0+s25], $0x80, s21, s25, $0xb8;
	[tilespmem:$0x1FC00] =	vst v63  }
0xa2: {  	_ =	swait.ge [sflag:s1], $0x3200  }
0xa3: {  	[sflag:s1] =	ssyncset.done $0x0  }
0xa4: {  	s24 =	simm.s32 $0x1500;
	[sflag:s1] =	ssyncadd.s32 $0xFFFFCE00  }
0xa5: {  	[spmem:s3] =	stream.indirect.scatter.add.f32 [tilespmem:s28], [sflag:$0x2], $0x80, s24, s25, $0xb8;
	[tilespmem:$0x1FC00] =	vst v63  }
0xa6: {  	_ =	swait.ge [sflag:s29], $0x3200  }
0xa7: {  	[sflag:s29] =	ssyncset.done $0x0  }
0xa8: {  	s26 =	simm.s32 $0x600;
	[sflag:s29] =	ssyncadd.s32 $0xFFFFCE00  }
0xa9: {  	[tilespmem:s22], [sflag:$0x1] =	stream.indirect.gather [hbm4b:s0+s25], $0x80, s26, s25, $0xb8;
	[tilespmem:$0x1FC00] =	vst v63  }
0xaa: {  	_ =	swait.ge [sflag:s7], $0x3200  }
0xab: {  	[sflag:s7] =	ssyncset.done $0x0  }
0xac: {  	s30 =	simm.s32 $0x1580;
	[sflag:s7] =	ssyncadd.s32 $0xFFFFCE00  }
0xad: {  	[spmem:s3] =	stream.indirect.scatter.add.f32 [tilespmem:s31], [sflag:$0x3], $0x80, s30, s25, $0xb8;
	[tilespmem:$0x1FC00] =	vst v63  }
0xae: {  	_ =	swait.ge [sflag:s1], $0x3200  }
0xaf: {  	[sflag:s1] =	ssyncset.done $0x0  }
0xb0: {  	s2 =	simm.s32 $0x680;
	[sflag:s1] =	ssyncadd.s32 $0xFFFFCE00  }
0xb1: {  	[tilespmem:s28], [sflag:$0x2] =	stream.indirect.gather [hbm4b:s0+s25], $0x80, s2, s25, $0xb8;
	[tilespmem:$0x1FC00] =	vst v63  }
0xb2: {  	_ =	swait.ge [sflag:s29], $0x3200  }
0xb3: {  	[sflag:s29] =	ssyncset.done $0x0  }
0xb4: {  	s12 =	simm.s32 $0x1600;
	[sflag:s29] =	ssyncadd.s32 $0xFFFFCE00  }
0xb5: {  	[spmem:s3] =	stream.indirect.scatter.add.f32 [tilespmem:s22], [sflag:$0x1], $0x80, s12, s25, $0xb8;
	[tilespmem:$0x1FC00] =	vst v63  }
0xb6: {  	_ =	swait.ge [sflag:s7], $0x3200  }
0xb7: {  	[sflag:s7] =	ssyncset.done $0x0  }
0xb8: {  	s13 =	simm.s32 $0x700;
	[sflag:s7] =	ssyncadd.s32 $0xFFFFCE00  }
0xb9: {  	[tilespmem:s31], [sflag:$0x3] =	stream.indirect.gather [hbm4b:s0+s25], $0x80, s13, s25, $0xb8;
	[tilespmem:$0x1FC00] =	vst v63  }
0xba: {  	_ =	swait.ge [sflag:s1], $0x3200  }
0xbb: {  	[sflag:s1] =	ssyncset.done $0x0  }
0xbc: {  	s14 =	simm.s32 $0x1680;
	[sflag:s1] =	ssyncadd.s32 $0xFFFFCE00  }
0xbd: {  	[spmem:s3] =	stream.indirect.scatter.add.f32 [tilespmem:s28], [sflag:$0x2], $0x80, s14, s25, $0xb8;
	[tilespmem:$0x1FC00] =	vst v63  }
0xbe: {  	_ =	swait.ge [sflag:s29], $0x3200  }
0xbf: {  	[sflag:s29] =	ssyncset.done $0x0  }
0xc0: {  	s18 =	simm.s32 $0x780;
	[sflag:s29] =	ssyncadd.s32 $0xFFFFCE00  }
0xc1: {  	[tilespmem:s22], [sflag:$0x1] =	stream.indirect.gather [hbm4b:s0+s25], $0x80, s18, s25, $0xb8;
	[tilespmem:$0x1FC00] =	vst v63  }
0xc2: {  	_ =	swait.ge [sflag:s7], $0x3200  }
0xc3: {  	[sflag:s7] =	ssyncset.done $0x0  }
0xc4: {  	s19 =	simm.s32 $0x1700;
	[sflag:s7] =	ssyncadd.s32 $0xFFFFCE00  }
0xc5: {  	[spmem:s3] =	stream.indirect.scatter.add.f32 [tilespmem:s31], [sflag:$0x3], $0x80, s19, s25, $0xb8;
	[tilespmem:$0x1FC00] =	vst v63  }
0xc6: {  	_ =	swait.ge [sflag:s1], $0x3200  }
0xc7: {  	[sflag:s1] =	ssyncset.done $0x0  }
0xc8: {  	s20 =	simm.s32 $0x800;
	[sflag:s1] =	ssyncadd.s32 $0xFFFFCE00  }
0xc9: {  	[tilespmem:s28], [sflag:$0x2] =	stream.indirect.gather [hbm4b:s0+s25], $0x80, s20, s25, $0xb8;
	[tilespmem:$0x1FC00] =	vst v63  }
0xca: {  	_ =	swait.ge [sflag:s29], $0x3200  }
0xcb: {  	[sflag:s29] =	ssyncset.done $0x0  }
0xcc: {  	s21 =	simm.s32 $0x1780;
	[sflag:s29] =	ssyncadd.s32 $0xFFFFCE00  }
0xcd: {  	[spmem:s3] =	stream.indirect.scatter.add.f32 [tilespmem:s22], [sflag:$0x1], $0x80, s21, s25, $0xb8;
	[tilespmem:$0x1FC00] =	vst v63  }
0xce: {  	_ =	swait.ge [sflag:s7], $0x3200  }
0xcf: {  	[sflag:s7] =	ssyncset.done $0x0  }
0xd0: {  	s24 =	simm.s32 $0x880;
	[sflag:s7] =	ssyncadd.s32 $0xFFFFCE00  }
0xd1: {  	[tilespmem:s31], [sflag:$0x3] =	stream.indirect.gather [hbm4b:s0+s25], $0x80, s24, s25, $0xb8;
	[tilespmem:$0x1FC00] =	vst v63  }
0xd2: {  	_ =	swait.ge [sflag:s1], $0x3200  }
0xd3: {  	[sflag:s1] =	ssyncset.done $0x0  }
0xd4: {  	s26 =	simm.s32 $0x1800;
	[sflag:s1] =	ssyncadd.s32 $0xFFFFCE00  }
0xd5: {  	[spmem:s3] =	stream.indirect.scatter.add.f32 [tilespmem:s28], [sflag:$0x2], $0x80, s26, s25, $0xb8;
	[tilespmem:$0x1FC00] =	vst v63  }
0xd6: {  	_ =	swait.ge [sflag:s29], $0x3200  }
0xd7: {  	[sflag:s29] =	ssyncset.done $0x0  }
0xd8: {  	s30 =	simm.s32 $0x900;
	[sflag:s29] =	ssyncadd.s32 $0xFFFFCE00  }
0xd9: {  	[tilespmem:s22], [sflag:$0x1] =	stream.indirect.gather [hbm4b:s0+s25], $0x80, s30, s25, $0xb8;
	[tilespmem:$0x1FC00] =	vst v63  }
0xda: {  	_ =	swait.ge [sflag:s7], $0x3200  }
0xdb: {  	[sflag:s7] =	ssyncset.done $0x0  }
0xdc: {  	s2 =	simm.s32 $0x1880;
	[sflag:s7] =	ssyncadd.s32 $0xFFFFCE00  }
0xdd: {  	[spmem:s3] =	stream.indirect.scatter.add.f32 [tilespmem:s31], [sflag:$0x3], $0x80, s2, s25, $0xb8;
	[tilespmem:$0x1FC00] =	vst v63  }
0xde: {  	_ =	swait.ge [sflag:s1], $0x3200  }
0xdf: {  	[sflag:s1] =	ssyncset.done $0x0  }
0xe0: {  	s12 =	simm.s32 $0x980;
	[sflag:s1] =	ssyncadd.s32 $0xFFFFCE00  }
0xe1: {  	[tilespmem:s28], [sflag:$0x2] =	stream.indirect.gather [hbm4b:s0+s25], $0x80, s12, s25, $0xb8;
	[tilespmem:$0x1FC00] =	vst v63  }
0xe2: {  	_ =	swait.ge [sflag:s29], $0x3200  }
0xe3: {  	[sflag:s29] =	ssyncset.done $0x0  }
0xe4: {  	s13 =	simm.s32 $0x1900;
	[sflag:s29] =	ssyncadd.s32 $0xFFFFCE00  }
0xe5: {  	[spmem:s3] =	stream.indirect.scatter.add.f32 [tilespmem:s22], [sflag:$0x1], $0x80, s13, s25, $0xb8;
	[tilespmem:$0x1FC00] =	vst v63  }
0xe6: {  	_ =	swait.ge [sflag:s7], $0x3200  }
0xe7: {  	[sflag:s7] =	ssyncset.done $0x0  }
0xe8: {  	s14 =	simm.s32 $0xA00;
	[sflag:s7] =	ssyncadd.s32 $0xFFFFCE00  }
0xe9: {  	[tilespmem:s31], [sflag:$0x3] =	stream.indirect.gather [hbm4b:s0+s25], $0x80, s14, s25, $0xb8;
	[tilespmem:$0x1FC00] =	vst v63  }
0xea: {  	_ =	swait.ge [sflag:s1], $0x3200  }
0xeb: {  	[sflag:s1] =	ssyncset.done $0x0  }
0xec: {  	s2 =	simm.s32 $0x1980;
	[sflag:s1] =	ssyncadd.s32 $0xFFFFCE00  }
0xed: {  	[spmem:s3] =	stream.indirect.scatter.add.f32 [tilespmem:s28], [sflag:$0x2], $0x80, s2, s25, $0xb8;
	[tilespmem:$0x1FC00] =	vst v63  }
0xee: {  	_ =	swait.ge [sflag:s29], $0x3200  }
0xef: {  	[sflag:s29] =	ssyncset.done $0x0  }
0xf0: {  	s12 =	simm.s32 $0xA80;
	[sflag:s29] =	ssyncadd.s32 $0xFFFFCE00  }
0xf1: {  	[tilespmem:s22], [sflag:$0x1] =	stream.indirect.gather [hbm4b:s0+s25], $0x80, s12, s25, $0xb8;
	[tilespmem:$0x1FC00] =	vst v63  }
0xf2: {  	_ =	swait.ge [sflag:s7], $0x3200  }
0xf3: {  	[sflag:s7] =	ssyncset.done $0x0  }
0xf4: {  	s13 =	simm.s32 $0x1A00;
	[sflag:s7] =	ssyncadd.s32 $0xFFFFCE00  }
0xf5: {  	[spmem:s3] =	stream.indirect.scatter.add.f32 [tilespmem:s31], [sflag:$0x3], $0x80, s13, s25, $0xb8;
	[tilespmem:$0x1FC00] =	vst v63  }
0xf6: {  	_ =	swait.ge [sflag:s1], $0x3200  }
0xf7: {  	[sflag:s1] =	ssyncset.done $0x0  }
0xf8: {  	s14 =	simm.s32 $0xB00;
	[sflag:s1] =	ssyncadd.s32 $0xFFFFCE00  }
0xf9: {  	[tilespmem:s28], [sflag:$0x2] =	stream.indirect.gather [hbm4b:s0+s25], $0x80, s14, s25, $0xb8;
	[tilespmem:$0x1FC00] =	vst v63  }
0xfa: {  	_ =	swait.ge [sflag:s29], $0x3200  }
0xfb: {  	[sflag:s29] =	ssyncset.done $0x0  }
0xfc: {  	s2 =	simm.s32 $0x1A80;
	[sflag:s29] =	ssyncadd.s32 $0xFFFFCE00  }
0xfd: {  	[spmem:s3] =	stream.indirect.scatter.add.f32 [tilespmem:s22], [sflag:$0x1], $0x80, s2, s25, $0xb8;
	[tilespmem:$0x1FC00] =	vst v63  }
0xfe: {  	_ =	swait.ge [sflag:s7], $0x3200  }
0xff: {  	[sflag:s7] =	ssyncset.done $0x0  }
0x100: {  	s12 =	simm.s32 $0xB80;
	[sflag:s7] =	ssyncadd.s32 $0xFFFFCE00  }
0x101: {  	[tilespmem:s31], [sflag:$0x3] =	stream.indirect.gather [hbm4b:s0+s25], $0x80, s12, s25, $0xb8;
	[tilespmem:$0x1FC00] =	vst v63  }
0x102: {  	_ =	swait.ge [sflag:s1], $0x3200  }
0x103: {  	[sflag:s1] =	ssyncset.done $0x0  }
0x104: {  	s13 =	simm.s32 $0x1B00;
	[sflag:s1] =	ssyncadd.s32 $0xFFFFCE00  }
0x105: {  	[spmem:s3] =	stream.indirect.scatter.add.f32 [tilespmem:s28], [sflag:$0x2], $0x80, s13, s25, $0xb8;
	[tilespmem:$0x1FC00] =	vst v63  }
0x106: {  	_ =	swait.ge [sflag:s29], $0x3200  }
0x107: {  	[sflag:s29] =	ssyncset.done $0x0  }
0x108: {  	s14 =	simm.s32 $0xC00;
	[sflag:s29] =	ssyncadd.s32 $0xFFFFCE00  }
0x109: {  	[tilespmem:s22], [sflag:$0x1] =	stream.indirect.gather [hbm4b:s0+s25], $0x80, s14, s25, $0xb8;
	[tilespmem:$0x1FC00] =	vst v63  }
0x10a: {  	_ =	swait.ge [sflag:s7], $0x3200  }
0x10b: {  	[sflag:s7] =	ssyncset.done $0x0  }
0x10c: {  	s2 =	simm.s32 $0x1B80;
	[sflag:s7] =	ssyncadd.s32 $0xFFFFCE00  }
0x10d: {  	[spmem:s3] =	stream.indirect.scatter.add.f32 [tilespmem:s31], [sflag:$0x3], $0x80, s2, s25, $0xb8;
	[tilespmem:$0x1FC00] =	vst v63  }
0x10e: {  	_ =	swait.ge [sflag:s29], $0x3200  }
0x10f: {  	[sflag:s29] =	ssyncset.done $0x0  }
0x110: {  	s12 =	simm.s32 $0x1C00;
	[sflag:s29] =	ssyncadd.s32 $0xFFFFCE00  }
0x111: {  	[spmem:s3] =	stream.indirect.scatter.add.f32 [tilespmem:s22], [sflag:$0x1], $0x80, s12, s25, $0xb8;
	[tilespmem:$0x1FC00] =	vst v63  }
0x112: {  	_ =	swait.ge [sflag:s1], $0x3200  }
0x113: {  	[sflag:s1] =	ssyncset.done $0x0  }
0x114: {  	[sflag:s1] =	ssyncadd.s32 $0xFFFFCE00  }
0x115: {  	_ =	swait.ge [sflag:s7], $0x3200  }
0x116: {  	[sflag:s7] =	ssyncset.done $0x0  }
0x117: {  	[sflag:s7] =	ssyncadd.s32 $0xFFFFCE00  }
0x118: {  	_ =	swait.ge [sflag:s29], $0x3200  }
0x119: {  	[sflag:s29] =	ssyncset.done $0x0  }
0x11a: {  	s13 =	rddreg [dreg:$0xd];
	[sflag:s29] =	ssyncadd.s32 $0xFFFFCE00  }
0x11b: {  	[tilespmem:s15], [sflag:$0x4] =	stream.linear.gather [hbm4b:s13+s15], $0xC80, $0x38;
	[tilespmem:$0x1FC00] =	vst v63  }
0x11c: {  	_ =	swait.ge [sflag:s23], $0xC80  }
0x11d: {  	[sflag:s23] =	ssyncset.done $0x0  }
0x11e: {  	s14 =	rddreg [dreg:$0xe];
	[sflag:s23] =	ssyncadd.s32 $0xFFFFF380  }
0x11f: {  	[tilespmem:s4], [sflag:$0x4] =	stream.linear.gather [hbm4b:s14+s15], $0xC80, $0x38;
	[tilespmem:$0x1FC00] =	vst v63  }
0x120: {  	_ =	swait.ge [sflag:s23], $0xC80  }
0x121: {  	[sflag:s23] =	ssyncset.done $0x0  }
0x122: {  	[sflag:s23] =	ssyncadd.s32 $0xFFFFF380  }
0x123: {  	[tilespmem:s22], [sflag:$0x1] =	stream.indirect.gather [hbm4b:s0+s25], $0x80, s15, s25, $0xb8;
	[tilespmem:$0x1FC00] =	vst v63  }
0x124: {  	s5 =	simm.s32 $0x80  }
0x125: {  	[tilespmem:s28], [sflag:$0x2] =	stream.indirect.gather [hbm4b:s0+s25], $0x80, s5, s25, $0xb8;
	[tilespmem:$0x1FC00] =	vst v63  }
0x126: {  	_ =	swait.ge [sflag:s29], $0x3200  }
0x127: {  	[sflag:s29] =	ssyncset.done $0x0  }
0x128: {  	[sflag:s29] =	ssyncadd.s32 $0xFFFFCE00  }
0x129: {  	[spmem:s3] =	stream.indirect.scatter.add.f32 [tilespmem:s22], [sflag:$0x1], $0x80, s4, s25, $0xb8;
	[tilespmem:$0x1FC00] =	vst v63  }
0x12a: {  	s6 =	simm.s32 $0x100  }
0x12b: {  	[tilespmem:s31], [sflag:$0x3] =	stream.indirect.gather [hbm4b:s0+s25], $0x80, s6, s25, $0xb8;
	[tilespmem:$0x1FC00] =	vst v63  }
0x12c: {  	_ =	swait.ge [sflag:s1], $0x3200  }
0x12d: {  	[sflag:s1] =	ssyncset.done $0x0  }
0x12e: {  	s8 =	simm.s32 $0x1080;
	[sflag:s1] =	ssyncadd.s32 $0xFFFFCE00  }
0x12f: {  	[spmem:s3] =	stream.indirect.scatter.add.f32 [tilespmem:s28], [sflag:$0x2], $0x80, s8, s25, $0xb8;
	[tilespmem:$0x1FC00] =	vst v63  }
0x130: {  	_ =	swait.ge [sflag:s29], $0x3200  }
0x131: {  	[sflag:s29] =	ssyncset.done $0x0  }
0x132: {  	s9 =	simm.s32 $0x180;
	[sflag:s29] =	ssyncadd.s32 $0xFFFFCE00  }
0x133: {  	[tilespmem:s22], [sflag:$0x1] =	stream.indirect.gather [hbm4b:s0+s25], $0x80, s9, s25, $0xb8;
	[tilespmem:$0x1FC00] =	vst v63  }
0x134: {  	_ =	swait.ge [sflag:s7], $0x3200  }
0x135: {  	[sflag:s7] =	ssyncset.done $0x0  }
0x136: {  	s10 =	simm.s32 $0x1100;
	[sflag:s7] =	ssyncadd.s32 $0xFFFFCE00  }
0x137: {  	[spmem:s3] =	stream.indirect.scatter.add.f32 [tilespmem:s31], [sflag:$0x3], $0x80, s10, s25, $0xb8;
	[tilespmem:$0x1FC00] =	vst v63  }
0x138: {  	_ =	swait.ge [sflag:s1], $0x3200  }
0x139: {  	[sflag:s1] =	ssyncset.done $0x0  }
0x13a: {  	s11 =	simm.s32 $0x200;
	[sflag:s1] =	ssyncadd.s32 $0xFFFFCE00  }
0x13b: {  	[tilespmem:s28], [sflag:$0x2] =	stream.indirect.gather [hbm4b:s0+s25], $0x80, s11, s25, $0xb8;
	[tilespmem:$0x1FC00] =	vst v63  }
0x13c: {  	_ =	swait.ge [sflag:s29], $0x3200  }
0x13d: {  	[sflag:s29] =	ssyncset.done $0x0  }
0x13e: {  	s2 =	simm.s32 $0x1180;
	[sflag:s29] =	ssyncadd.s32 $0xFFFFCE00  }
0x13f: {  	[spmem:s3] =	stream.indirect.scatter.add.f32 [tilespmem:s22], [sflag:$0x1], $0x80, s2, s25, $0xb8;
	[tilespmem:$0x1FC00] =	vst v63  }
0x140: {  	_ =	swait.ge [sflag:s7], $0x3200  }
0x141: {  	[sflag:s7] =	ssyncset.done $0x0  }
0x142: {  	s5 =	simm.s32 $0x280;
	[sflag:s7] =	ssyncadd.s32 $0xFFFFCE00  }
0x143: {  	[tilespmem:s31], [sflag:$0x3] =	stream.indirect.gather [hbm4b:s0+s25], $0x80, s5, s25, $0xb8;
	[tilespmem:$0x1FC00] =	vst v63  }
0x144: {  	_ =	swait.ge [sflag:s1], $0x3200  }
0x145: {  	[sflag:s1] =	ssyncset.done $0x0  }
0x146: {  	s6 =	simm.s32 $0x1200;
	[sflag:s1] =	ssyncadd.s32 $0xFFFFCE00  }
0x147: {  	[spmem:s3] =	stream.indirect.scatter.add.f32 [tilespmem:s28], [sflag:$0x2], $0x80, s6, s25, $0xb8;
	[tilespmem:$0x1FC00] =	vst v63  }
0x148: {  	_ =	swait.ge [sflag:s29], $0x3200  }
0x149: {  	[sflag:s29] =	ssyncset.done $0x0  }
0x14a: {  	s8 =	simm.s32 $0x300;
	[sflag:s29] =	ssyncadd.s32 $0xFFFFCE00  }
0x14b: {  	[tilespmem:s22], [sflag:$0x1] =	stream.indirect.gather [hbm4b:s0+s25], $0x80, s8, s25, $0xb8;
	[tilespmem:$0x1FC00] =	vst v63  }
0x14c: {  	_ =	swait.ge [sflag:s7], $0x3200  }
0x14d: {  	[sflag:s7] =	ssyncset.done $0x0  }
0x14e: {  	s9 =	simm.s32 $0x1280;
	[sflag:s7] =	ssyncadd.s32 $0xFFFFCE00  }
0x14f: {  	[spmem:s3] =	stream.indirect.scatter.add.f32 [tilespmem:s31], [sflag:$0x3], $0x80, s9, s25, $0xb8;
	[tilespmem:$0x1FC00] =	vst v63  }
0x150: {  	_ =	swait.ge [sflag:s1], $0x3200  }
0x151: {  	[sflag:s1] =	ssyncset.done $0x0  }
0x152: {  	s10 =	simm.s32 $0x380;
	[sflag:s1] =	ssyncadd.s32 $0xFFFFCE00  }
0x153: {  	[tilespmem:s28], [sflag:$0x2] =	stream.indirect.gather [hbm4b:s0+s25], $0x80, s10, s25, $0xb8;
	[tilespmem:$0x1FC00] =	vst v63  }
0x154: {  	_ =	swait.ge [sflag:s29], $0x3200  }
0x155: {  	[sflag:s29] =	ssyncset.done $0x0  }
0x156: {  	s11 =	simm.s32 $0x1300;
	[sflag:s29] =	ssyncadd.s32 $0xFFFFCE00  }
0x157: {  	[spmem:s3] =	stream.indirect.scatter.add.f32 [tilespmem:s22], [sflag:$0x1], $0x80, s11, s25, $0xb8;
	[tilespmem:$0x1FC00] =	vst v63  }
0x158: {  	_ =	swait.ge [sflag:s7], $0x3200  }
0x159: {  	[sflag:s7] =	ssyncset.done $0x0  }
0x15a: {  	s12 =	simm.s32 $0x400;
	[sflag:s7] =	ssyncadd.s32 $0xFFFFCE00  }
0x15b: {  	[tilespmem:s31], [sflag:$0x3] =	stream.indirect.gather [hbm4b:s0+s25], $0x80, s12, s25, $0xb8;
	[tilespmem:$0x1FC00] =	vst v63  }
0x15c: {  	_ =	swait.ge [sflag:s1], $0x3200  }
0x15d: {  	[sflag:s1] =	ssyncset.done $0x0  }
0x15e: {  	s13 =	simm.s32 $0x1380;
	[sflag:s1] =	ssyncadd.s32 $0xFFFFCE00  }
0x15f: {  	[spmem:s3] =	stream.indirect.scatter.add.f32 [tilespmem:s28], [sflag:$0x2], $0x80, s13, s25, $0xb8;
	[tilespmem:$0x1FC00] =	vst v63  }
0x160: {  	_ =	swait.ge [sflag:s29], $0x3200  }
0x161: {  	[sflag:s29] =	ssyncset.done $0x0  }
0x162: {  	s14 =	simm.s32 $0x480;
	[sflag:s29] =	ssyncadd.s32 $0xFFFFCE00  }
0x163: {  	[tilespmem:s22], [sflag:$0x1] =	stream.indirect.gather [hbm4b:s0+s25], $0x80, s14, s25, $0xb8;
	[tilespmem:$0x1FC00] =	vst v63  }
0x164: {  	_ =	swait.ge [sflag:s7], $0x3200  }
0x165: {  	[sflag:s7] =	ssyncset.done $0x0  }
0x166: {  	s17 =	simm.s32 $0x1400;
	[sflag:s7] =	ssyncadd.s32 $0xFFFFCE00  }
0x167: {  	[spmem:s3] =	stream.indirect.scatter.add.f32 [tilespmem:s31], [sflag:$0x3], $0x80, s17, s25, $0xb8;
	[tilespmem:$0x1FC00] =	vst v63  }
0x168: {  	_ =	swait.ge [sflag:s1], $0x3200  }
0x169: {  	[sflag:s1] =	ssyncset.done $0x0  }
0x16a: {  	s17 =	simm.s32 $0x500;
	[sflag:s1] =	ssyncadd.s32 $0xFFFFCE00  }
0x16b: {  	[tilespmem:s28], [sflag:$0x2] =	stream.indirect.gather [hbm4b:s0+s25], $0x80, s17, s25, $0xb8;
	[tilespmem:$0x1FC00] =	vst v63  }
0x16c: {  	_ =	swait.ge [sflag:s29], $0x3200  }
0x16d: {  	[sflag:s29] =	ssyncset.done $0x0  }
0x16e: {  	s17 =	simm.s32 $0x1480;
	[sflag:s29] =	ssyncadd.s32 $0xFFFFCE00  }
0x16f: {  	[spmem:s3] =	stream.indirect.scatter.add.f32 [tilespmem:s22], [sflag:$0x1], $0x80, s17, s25, $0xb8;
	[tilespmem:$0x1FC00] =	vst v63  }
0x170: {  	_ =	swait.ge [sflag:s7], $0x3200  }
0x171: {  	[sflag:s7] =	ssyncset.done $0x0  }
0x172: {  	s17 =	simm.s32 $0x580;
	[sflag:s7] =	ssyncadd.s32 $0xFFFFCE00  }
0x173: {  	[tilespmem:s31], [sflag:$0x3] =	stream.indirect.gather [hbm4b:s0+s25], $0x80, s17, s25, $0xb8;
	[tilespmem:$0x1FC00] =	vst v63  }
0x174: {  	_ =	swait.ge [sflag:s1], $0x3200  }
0x175: {  	[sflag:s1] =	ssyncset.done $0x0  }
0x176: {  	s17 =	simm.s32 $0x1500;
	[sflag:s1] =	ssyncadd.s32 $0xFFFFCE00  }
0x177: {  	[spmem:s3] =	stream.indirect.scatter.add.f32 [tilespmem:s28], [sflag:$0x2], $0x80, s17, s25, $0xb8;
	[tilespmem:$0x1FC00] =	vst v63  }
0x178: {  	_ =	swait.ge [sflag:s29], $0x3200  }
0x179: {  	[sflag:s29] =	ssyncset.done $0x0  }
0x17a: {  	s17 =	simm.s32 $0x600;
	[sflag:s29] =	ssyncadd.s32 $0xFFFFCE00  }
0x17b: {  	[tilespmem:s22], [sflag:$0x1] =	stream.indirect.gather [hbm4b:s0+s25], $0x80, s17, s25, $0xb8;
	[tilespmem:$0x1FC00] =	vst v63  }
0x17c: {  	_ =	swait.ge [sflag:s7], $0x3200  }
0x17d: {  	[sflag:s7] =	ssyncset.done $0x0  }
0x17e: {  	s17 =	simm.s32 $0x1580;
	[sflag:s7] =	ssyncadd.s32 $0xFFFFCE00  }
0x17f: {  	[spmem:s3] =	stream.indirect.scatter.add.f32 [tilespmem:s31], [sflag:$0x3], $0x80, s17, s25, $0xb8;
	[tilespmem:$0x1FC00] =	vst v63  }
0x180: {  	_ =	swait.ge [sflag:s1], $0x3200  }
0x181: {  	[sflag:s1] =	ssyncset.done $0x0  }
0x182: {  	s17 =	simm.s32 $0x680;
	[sflag:s1] =	ssyncadd.s32 $0xFFFFCE00  }
0x183: {  	[tilespmem:s28], [sflag:$0x2] =	stream.indirect.gather [hbm4b:s0+s25], $0x80, s17, s25, $0xb8;
	[tilespmem:$0x1FC00] =	vst v63  }
0x184: {  	_ =	swait.ge [sflag:s29], $0x3200  }
0x185: {  	[sflag:s29] =	ssyncset.done $0x0  }
0x186: {  	s17 =	simm.s32 $0x1600;
	[sflag:s29] =	ssyncadd.s32 $0xFFFFCE00  }
0x187: {  	[spmem:s3] =	stream.indirect.scatter.add.f32 [tilespmem:s22], [sflag:$0x1], $0x80, s17, s25, $0xb8;
	[tilespmem:$0x1FC00] =	vst v63  }
0x188: {  	_ =	swait.ge [sflag:s7], $0x3200  }
0x189: {  	[sflag:s7] =	ssyncset.done $0x0  }
0x18a: {  	s17 =	simm.s32 $0x700;
	[sflag:s7] =	ssyncadd.s32 $0xFFFFCE00  }
0x18b: {  	[tilespmem:s31], [sflag:$0x3] =	stream.indirect.gather [hbm4b:s0+s25], $0x80, s17, s25, $0xb8;
	[tilespmem:$0x1FC00] =	vst v63  }
0x18c: {  	_ =	swait.ge [sflag:s1], $0x3200  }
0x18d: {  	[sflag:s1] =	ssyncset.done $0x0  }
0x18e: {  	s17 =	simm.s32 $0x1680;
	[sflag:s1] =	ssyncadd.s32 $0xFFFFCE00  }
0x18f: {  	[spmem:s3] =	stream.indirect.scatter.add.f32 [tilespmem:s28], [sflag:$0x2], $0x80, s17, s25, $0xb8;
	[tilespmem:$0x1FC00] =	vst v63  }
0x190: {  	_ =	swait.ge [sflag:s29], $0x3200  }
0x191: {  	[sflag:s29] =	ssyncset.done $0x0  }
0x192: {  	s17 =	simm.s32 $0x780;
	[sflag:s29] =	ssyncadd.s32 $0xFFFFCE00  }
0x193: {  	[tilespmem:s22], [sflag:$0x1] =	stream.indirect.gather [hbm4b:s0+s25], $0x80, s17, s25, $0xb8;
	[tilespmem:$0x1FC00] =	vst v63  }
0x194: {  	_ =	swait.ge [sflag:s7], $0x3200  }
0x195: {  	[sflag:s7] =	ssyncset.done $0x0  }
0x196: {  	s18 =	simm.s32 $0x1700;
	[sflag:s7] =	ssyncadd.s32 $0xFFFFCE00  }
0x197: {  	[spmem:s3] =	stream.indirect.scatter.add.f32 [tilespmem:s31], [sflag:$0x3], $0x80, s18, s25, $0xb8;
	[tilespmem:$0x1FC00] =	vst v63  }
0x198: {  	_ =	swait.ge [sflag:s1], $0x3200  }
0x199: {  	[sflag:s1] =	ssyncset.done $0x0  }
0x19a: {  	s19 =	simm.s32 $0x800;
	[sflag:s1] =	ssyncadd.s32 $0xFFFFCE00  }
0x19b: {  	[tilespmem:s28], [sflag:$0x2] =	stream.indirect.gather [hbm4b:s0+s25], $0x80, s19, s25, $0xb8;
	[tilespmem:$0x1FC00] =	vst v63  }
0x19c: {  	_ =	swait.ge [sflag:s29], $0x3200  }
0x19d: {  	[sflag:s29] =	ssyncset.done $0x0  }
0x19e: {  	s20 =	simm.s32 $0x1780;
	[sflag:s29] =	ssyncadd.s32 $0xFFFFCE00  }
0x19f: {  	[spmem:s3] =	stream.indirect.scatter.add.f32 [tilespmem:s22], [sflag:$0x1], $0x80, s20, s25, $0xb8;
	[tilespmem:$0x1FC00] =	vst v63  }
0x1a0: {  	_ =	swait.ge [sflag:s7], $0x3200  }
0x1a1: {  	[sflag:s7] =	ssyncset.done $0x0  }
0x1a2: {  	s21 =	simm.s32 $0x880;
	[sflag:s7] =	ssyncadd.s32 $0xFFFFCE00  }
0x1a3: {  	[tilespmem:s31], [sflag:$0x3] =	stream.indirect.gather [hbm4b:s0+s25], $0x80, s21, s25, $0xb8;
	[tilespmem:$0x1FC00] =	vst v63  }
0x1a4: {  	_ =	swait.ge [sflag:s1], $0x3200  }
0x1a5: {  	[sflag:s1] =	ssyncset.done $0x0  }
0x1a6: {  	s24 =	simm.s32 $0x1800;
	[sflag:s1] =	ssyncadd.s32 $0xFFFFCE00  }
0x1a7: {  	[spmem:s3] =	stream.indirect.scatter.add.f32 [tilespmem:s28], [sflag:$0x2], $0x80, s24, s25, $0xb8;
	[tilespmem:$0x1FC00] =	vst v63  }
0x1a8: {  	_ =	swait.ge [sflag:s29], $0x3200  }
0x1a9: {  	[sflag:s29] =	ssyncset.done $0x0  }
0x1aa: {  	s26 =	simm.s32 $0x900;
	[sflag:s29] =	ssyncadd.s32 $0xFFFFCE00  }
0x1ab: {  	[tilespmem:s22], [sflag:$0x1] =	stream.indirect.gather [hbm4b:s0+s25], $0x80, s26, s25, $0xb8;
	[tilespmem:$0x1FC00] =	vst v63  }
0x1ac: {  	_ =	swait.ge [sflag:s7], $0x3200  }
0x1ad: {  	[sflag:s7] =	ssyncset.done $0x0  }
0x1ae: {  	s30 =	simm.s32 $0x1880;
	[sflag:s7] =	ssyncadd.s32 $0xFFFFCE00  }
0x1af: {  	[spmem:s3] =	stream.indirect.scatter.add.f32 [tilespmem:s31], [sflag:$0x3], $0x80, s30, s25, $0xb8;
	[tilespmem:$0x1FC00] =	vst v63  }
0x1b0: {  	_ =	swait.ge [sflag:s1], $0x3200  }
0x1b1: {  	[sflag:s1] =	ssyncset.done $0x0  }
0x1b2: {  	s30 =	simm.s32 $0x980;
	[sflag:s1] =	ssyncadd.s32 $0xFFFFCE00  }
0x1b3: {  	[tilespmem:s28], [sflag:$0x2] =	stream.indirect.gather [hbm4b:s0+s25], $0x80, s30, s25, $0xb8;
	[tilespmem:$0x1FC00] =	vst v63  }
0x1b4: {  	_ =	swait.ge [sflag:s29], $0x3200  }
0x1b5: {  	[sflag:s29] =	ssyncset.done $0x0  }
0x1b6: {  	s18 =	simm.s32 $0x1900;
	[sflag:s29] =	ssyncadd.s32 $0xFFFFCE00  }
0x1b7: {  	[spmem:s3] =	stream.indirect.scatter.add.f32 [tilespmem:s22], [sflag:$0x1], $0x80, s18, s25, $0xb8;
	[tilespmem:$0x1FC00] =	vst v63  }
0x1b8: {  	_ =	swait.ge [sflag:s7], $0x3200  }
0x1b9: {  	[sflag:s7] =	ssyncset.done $0x0  }
0x1ba: {  	s19 =	simm.s32 $0xA00;
	[sflag:s7] =	ssyncadd.s32 $0xFFFFCE00  }
0x1bb: {  	[tilespmem:s31], [sflag:$0x3] =	stream.indirect.gather [hbm4b:s0+s25], $0x80, s19, s25, $0xb8;
	[tilespmem:$0x1FC00] =	vst v63  }
0x1bc: {  	_ =	swait.ge [sflag:s1], $0x3200  }
0x1bd: {  	[sflag:s1] =	ssyncset.done $0x0  }
0x1be: {  	s20 =	simm.s32 $0x1980;
	[sflag:s1] =	ssyncadd.s32 $0xFFFFCE00  }
0x1bf: {  	[spmem:s3] =	stream.indirect.scatter.add.f32 [tilespmem:s28], [sflag:$0x2], $0x80, s20, s25, $0xb8;
	[tilespmem:$0x1FC00] =	vst v63  }
0x1c0: {  	_ =	swait.ge [sflag:s29], $0x3200  }
0x1c1: {  	[sflag:s29] =	ssyncset.done $0x0  }
0x1c2: {  	s21 =	simm.s32 $0xA80;
	[sflag:s29] =	ssyncadd.s32 $0xFFFFCE00  }
0x1c3: {  	[tilespmem:s22], [sflag:$0x1] =	stream.indirect.gather [hbm4b:s0+s25], $0x80, s21, s25, $0xb8;
	[tilespmem:$0x1FC00] =	vst v63  }
0x1c4: {  	_ =	swait.ge [sflag:s7], $0x3200  }
0x1c5: {  	[sflag:s7] =	ssyncset.done $0x0  }
0x1c6: {  	s24 =	simm.s32 $0x1A00;
	[sflag:s7] =	ssyncadd.s32 $0xFFFFCE00  }
0x1c7: {  	[spmem:s3] =	stream.indirect.scatter.add.f32 [tilespmem:s31], [sflag:$0x3], $0x80, s24, s25, $0xb8;
	[tilespmem:$0x1FC00] =	vst v63  }
0x1c8: {  	_ =	swait.ge [sflag:s1], $0x3200  }
0x1c9: {  	[sflag:s1] =	ssyncset.done $0x0  }
0x1ca: {  	s26 =	simm.s32 $0xB00;
	[sflag:s1] =	ssyncadd.s32 $0xFFFFCE00  }
0x1cb: {  	[tilespmem:s28], [sflag:$0x2] =	stream.indirect.gather [hbm4b:s0+s25], $0x80, s26, s25, $0xb8;
	[tilespmem:$0x1FC00] =	vst v63  }
0x1cc: {  	_ =	swait.ge [sflag:s29], $0x3200  }
0x1cd: {  	[sflag:s29] =	ssyncset.done $0x0  }
0x1ce: {  	s30 =	simm.s32 $0x1A80;
	[sflag:s29] =	ssyncadd.s32 $0xFFFFCE00  }
0x1cf: {  	[spmem:s3] =	stream.indirect.scatter.add.f32 [tilespmem:s22], [sflag:$0x1], $0x80, s30, s25, $0xb8;
	[tilespmem:$0x1FC00] =	vst v63  }
0x1d0: {  	_ =	swait.ge [sflag:s7], $0x3200  }
0x1d1: {  	[sflag:s7] =	ssyncset.done $0x0  }
0x1d2: {  	s18 =	simm.s32 $0xB80;
	[sflag:s7] =	ssyncadd.s32 $0xFFFFCE00  }
0x1d3: {  	[tilespmem:s31], [sflag:$0x3] =	stream.indirect.gather [hbm4b:s0+s25], $0x80, s18, s25, $0xb8;
	[tilespmem:$0x1FC00] =	vst v63  }
0x1d4: {  	_ =	swait.ge [sflag:s1], $0x3200  }
0x1d5: {  	[sflag:s1] =	ssyncset.done $0x0  }
0x1d6: {  	s19 =	simm.s32 $0x1B00;
	[sflag:s1] =	ssyncadd.s32 $0xFFFFCE00  }
0x1d7: {  	[spmem:s3] =	stream.indirect.scatter.add.f32 [tilespmem:s28], [sflag:$0x2], $0x80, s19, s25, $0xb8;
	[tilespmem:$0x1FC00] =	vst v63  }
0x1d8: {  	_ =	swait.ge [sflag:s29], $0x3200  }
0x1d9: {  	[sflag:s29] =	ssyncset.done $0x0  }
0x1da: {  	s20 =	simm.s32 $0xC00;
	[sflag:s29] =	ssyncadd.s32 $0xFFFFCE00  }
0x1db: {  	[tilespmem:s22], [sflag:$0x1] =	stream.indirect.gather [hbm4b:s0+s25], $0x80, s20, s25, $0xb8;
	[tilespmem:$0x1FC00] =	vst v63  }
0x1dc: {  	_ =	swait.ge [sflag:s7], $0x3200  }
0x1dd: {  	[sflag:s7] =	ssyncset.done $0x0  }
0x1de: {  	s21 =	simm.s32 $0x1B80;
	[sflag:s7] =	ssyncadd.s32 $0xFFFFCE00  }
0x1df: {  	[spmem:s3] =	stream.indirect.scatter.add.f32 [tilespmem:s31], [sflag:$0x3], $0x80, s21, s25, $0xb8;
	[tilespmem:$0x1FC00] =	vst v63  }
0x1e0: {  	_ =	swait.ge [sflag:s29], $0x3200  }
0x1e1: {  	[sflag:s29] =	ssyncset.done $0x0  }
0x1e2: {  	s24 =	simm.s32 $0x1C00;
	[sflag:s29] =	ssyncadd.s32 $0xFFFFCE00  }
0x1e3: {  	[spmem:s3] =	stream.indirect.scatter.add.f32 [tilespmem:s22], [sflag:$0x1], $0x80, s24, s25, $0xb8;
	[tilespmem:$0x1FC00] =	vst v63  }
0x1e4: {  	_ =	swait.ge [sflag:s1], $0x3200  }
0x1e5: {  	[sflag:s1] =	ssyncset.done $0x0  }
0x1e6: {  	[sflag:s1] =	ssyncadd.s32 $0xFFFFCE00  }
0x1e7: {  	_ =	swait.ge [sflag:s7], $0x3200  }
0x1e8: {  	[sflag:s7] =	ssyncset.done $0x0  }
0x1e9: {  	[sflag:s7] =	ssyncadd.s32 $0xFFFFCE00  }
0x1ea: {  	_ =	swait.ge [sflag:s29], $0x3200  }
0x1eb: {  	[sflag:s29] =	ssyncset.done $0x0  }
0x1ec: {  	s26 =	rddreg [dreg:$0xf];
	[sflag:s29] =	ssyncadd.s32 $0xFFFFCE00  }
0x1ed: {  	[tilespmem:s15], [sflag:$0x4] =	stream.linear.gather [hbm4b:s26+s15], $0xC80, $0x38;
	[tilespmem:$0x1FC00] =	vst v63  }
0x1ee: {  	_ =	swait.ge [sflag:s23], $0xC80  }
0x1ef: {  	[sflag:s23] =	ssyncset.done $0x0  }
0x1f0: {  	s30 =	rddreg [dreg:$0x10];
	[sflag:s23] =	ssyncadd.s32 $0xFFFFF380  }
0x1f1: {  	[tilespmem:s4], [sflag:$0x4] =	stream.linear.gather [hbm4b:s30+s15], $0xC80, $0x38;
	[tilespmem:$0x1FC00] =	vst v63  }
0x1f2: {  	_ =	swait.ge [sflag:s23], $0xC80  }
0x1f3: {  	[sflag:s23] =	ssyncset.done $0x0  }
0x1f4: {  	[sflag:s23] =	ssyncadd.s32 $0xFFFFF380  }
0x1f5: {  	[tilespmem:s22], [sflag:$0x1] =	stream.indirect.gather [hbm4b:s0+s25], $0x80, s15, s25, $0xb8;
	[tilespmem:$0x1FC00] =	vst v63  }
0x1f6: {  	s18 =	simm.s32 $0x80  }
0x1f7: {  	[tilespmem:s28], [sflag:$0x2] =	stream.indirect.gather [hbm4b:s0+s25], $0x80, s18, s25, $0xb8;
	[tilespmem:$0x1FC00] =	vst v63  }
0x1f8: {  	_ =	swait.ge [sflag:s29], $0x3200  }
0x1f9: {  	[sflag:s29] =	ssyncset.done $0x0  }
0x1fa: {  	[sflag:s29] =	ssyncadd.s32 $0xFFFFCE00  }
0x1fb: {  	[spmem:s3] =	stream.indirect.scatter.add.f32 [tilespmem:s22], [sflag:$0x1], $0x80, s4, s25, $0xb8;
	[tilespmem:$0x1FC00] =	vst v63  }
0x1fc: {  	s19 =	simm.s32 $0x100  }
0x1fd: {  	[tilespmem:s31], [sflag:$0x3] =	stream.indirect.gather [hbm4b:s0+s25], $0x80, s19, s25, $0xb8;
	[tilespmem:$0x1FC00] =	vst v63  }
0x1fe: {  	_ =	swait.ge [sflag:s1], $0x3200  }
0x1ff: {  	[sflag:s1] =	ssyncset.done $0x0  }
0x200: {  	s20 =	simm.s32 $0x1080;
	[sflag:s1] =	ssyncadd.s32 $0xFFFFCE00  }
0x201: {  	[spmem:s3] =	stream.indirect.scatter.add.f32 [tilespmem:s28], [sflag:$0x2], $0x80, s20, s25, $0xb8;
	[tilespmem:$0x1FC00] =	vst v63  }
0x202: {  	_ =	swait.ge [sflag:s29], $0x3200  }
0x203: {  	[sflag:s29] =	ssyncset.done $0x0  }
0x204: {  	s21 =	simm.s32 $0x180;
	[sflag:s29] =	ssyncadd.s32 $0xFFFFCE00  }
0x205: {  	[tilespmem:s22], [sflag:$0x1] =	stream.indirect.gather [hbm4b:s0+s25], $0x80, s21, s25, $0xb8;
	[tilespmem:$0x1FC00] =	vst v63  }
0x206: {  	_ =	swait.ge [sflag:s7], $0x3200  }
0x207: {  	[sflag:s7] =	ssyncset.done $0x0  }
0x208: {  	s24 =	simm.s32 $0x1100;
	[sflag:s7] =	ssyncadd.s32 $0xFFFFCE00  }
0x209: {  	[spmem:s3] =	stream.indirect.scatter.add.f32 [tilespmem:s31], [sflag:$0x3], $0x80, s24, s25, $0xb8;
	[tilespmem:$0x1FC00] =	vst v63  }
0x20a: {  	_ =	swait.ge [sflag:s1], $0x3200  }
0x20b: {  	[sflag:s1] =	ssyncset.done $0x0  }
0x20c: {  	s26 =	simm.s32 $0x200;
	[sflag:s1] =	ssyncadd.s32 $0xFFFFCE00  }
0x20d: {  	[tilespmem:s28], [sflag:$0x2] =	stream.indirect.gather [hbm4b:s0+s25], $0x80, s26, s25, $0xb8;
	[tilespmem:$0x1FC00] =	vst v63  }
0x20e: {  	_ =	swait.ge [sflag:s29], $0x3200  }
0x20f: {  	[sflag:s29] =	ssyncset.done $0x0  }
0x210: {  	[sflag:s29] =	ssyncadd.s32 $0xFFFFCE00  }
0x211: {  	[spmem:s3] =	stream.indirect.scatter.add.f32 [tilespmem:s22], [sflag:$0x1], $0x80, s2, s25, $0xb8;
	[tilespmem:$0x1FC00] =	vst v63  }
0x212: {  	_ =	swait.ge [sflag:s7], $0x3200  }
0x213: {  	[sflag:s7] =	ssyncset.done $0x0  }
0x214: {  	[sflag:s7] =	ssyncadd.s32 $0xFFFFCE00  }
0x215: {  	[tilespmem:s31], [sflag:$0x3] =	stream.indirect.gather [hbm4b:s0+s25], $0x80, s5, s25, $0xb8;
	[tilespmem:$0x1FC00] =	vst v63  }
0x216: {  	_ =	swait.ge [sflag:s1], $0x3200  }
0x217: {  	[sflag:s1] =	ssyncset.done $0x0  }
0x218: {  	[sflag:s1] =	ssyncadd.s32 $0xFFFFCE00  }
0x219: {  	[spmem:s3] =	stream.indirect.scatter.add.f32 [tilespmem:s28], [sflag:$0x2], $0x80, s6, s25, $0xb8;
	[tilespmem:$0x1FC00] =	vst v63  }
0x21a: {  	_ =	swait.ge [sflag:s29], $0x3200  }
0x21b: {  	[sflag:s29] =	ssyncset.done $0x0  }
0x21c: {  	[sflag:s29] =	ssyncadd.s32 $0xFFFFCE00  }
0x21d: {  	[tilespmem:s22], [sflag:$0x1] =	stream.indirect.gather [hbm4b:s0+s25], $0x80, s8, s25, $0xb8;
	[tilespmem:$0x1FC00] =	vst v63  }
0x21e: {  	_ =	swait.ge [sflag:s7], $0x3200  }
0x21f: {  	[sflag:s7] =	ssyncset.done $0x0  }
0x220: {  	[sflag:s7] =	ssyncadd.s32 $0xFFFFCE00  }
0x221: {  	[spmem:s3] =	stream.indirect.scatter.add.f32 [tilespmem:s31], [sflag:$0x3], $0x80, s9, s25, $0xb8;
	[tilespmem:$0x1FC00] =	vst v63  }
0x222: {  	_ =	swait.ge [sflag:s1], $0x3200  }
0x223: {  	[sflag:s1] =	ssyncset.done $0x0  }
0x224: {  	[sflag:s1] =	ssyncadd.s32 $0xFFFFCE00  }
0x225: {  	[tilespmem:s28], [sflag:$0x2] =	stream.indirect.gather [hbm4b:s0+s25], $0x80, s10, s25, $0xb8;
	[tilespmem:$0x1FC00] =	vst v63  }
0x226: {  	_ =	swait.ge [sflag:s29], $0x3200  }
0x227: {  	[sflag:s29] =	ssyncset.done $0x0  }
0x228: {  	[sflag:s29] =	ssyncadd.s32 $0xFFFFCE00  }
0x229: {  	[spmem:s3] =	stream.indirect.scatter.add.f32 [tilespmem:s22], [sflag:$0x1], $0x80, s11, s25, $0xb8;
	[tilespmem:$0x1FC00] =	vst v63  }
0x22a: {  	_ =	swait.ge [sflag:s7], $0x3200  }
0x22b: {  	[sflag:s7] =	ssyncset.done $0x0  }
0x22c: {  	[sflag:s7] =	ssyncadd.s32 $0xFFFFCE00  }
0x22d: {  	[tilespmem:s31], [sflag:$0x3] =	stream.indirect.gather [hbm4b:s0+s25], $0x80, s12, s25, $0xb8;
	[tilespmem:$0x1FC00] =	vst v63  }
0x22e: {  	_ =	swait.ge [sflag:s1], $0x3200  }
0x22f: {  	[sflag:s1] =	ssyncset.done $0x0  }
0x230: {  	[sflag:s1] =	ssyncadd.s32 $0xFFFFCE00  }
0x231: {  	[spmem:s3] =	stream.indirect.scatter.add.f32 [tilespmem:s28], [sflag:$0x2], $0x80, s13, s25, $0xb8;
	[tilespmem:$0x1FC00] =	vst v63  }
0x232: {  	_ =	swait.ge [sflag:s29], $0x3200  }
0x233: {  	[sflag:s29] =	ssyncset.done $0x0  }
0x234: {  	[sflag:s29] =	ssyncadd.s32 $0xFFFFCE00  }
0x235: {  	[tilespmem:s22], [sflag:$0x1] =	stream.indirect.gather [hbm4b:s0+s25], $0x80, s14, s25, $0xb8;
	[tilespmem:$0x1FC00] =	vst v63  }
0x236: {  	_ =	swait.ge [sflag:s7], $0x3200  }
0x237: {  	[sflag:s7] =	ssyncset.done $0x0  }
0x238: {  	s30 =	simm.s32 $0x1400;
	[sflag:s7] =	ssyncadd.s32 $0xFFFFCE00  }
0x239: {  	[spmem:s3] =	stream.indirect.scatter.add.f32 [tilespmem:s31], [sflag:$0x3], $0x80, s30, s25, $0xb8;
	[tilespmem:$0x1FC00] =	vst v63  }
0x23a: {  	_ =	swait.ge [sflag:s1], $0x3200  }
0x23b: {  	[sflag:s1] =	ssyncset.done $0x0  }
0x23c: {  	s18 =	simm.s32 $0x500;
	[sflag:s1] =	ssyncadd.s32 $0xFFFFCE00  }
0x23d: {  	[tilespmem:s28], [sflag:$0x2] =	stream.indirect.gather [hbm4b:s0+s25], $0x80, s18, s25, $0xb8;
	[tilespmem:$0x1FC00] =	vst v63  }
0x23e: {  	_ =	swait.ge [sflag:s29], $0x3200  }
0x23f: {  	[sflag:s29] =	ssyncset.done $0x0  }
0x240: {  	s19 =	simm.s32 $0x1480;
	[sflag:s29] =	ssyncadd.s32 $0xFFFFCE00  }
0x241: {  	[spmem:s3] =	stream.indirect.scatter.add.f32 [tilespmem:s22], [sflag:$0x1], $0x80, s19, s25, $0xb8;
	[tilespmem:$0x1FC00] =	vst v63  }
0x242: {  	_ =	swait.ge [sflag:s7], $0x3200  }
0x243: {  	[sflag:s7] =	ssyncset.done $0x0  }
0x244: {  	s20 =	simm.s32 $0x580;
	[sflag:s7] =	ssyncadd.s32 $0xFFFFCE00  }
0x245: {  	[tilespmem:s31], [sflag:$0x3] =	stream.indirect.gather [hbm4b:s0+s25], $0x80, s20, s25, $0xb8;
	[tilespmem:$0x1FC00] =	vst v63  }
0x246: {  	_ =	swait.ge [sflag:s1], $0x3200  }
0x247: {  	[sflag:s1] =	ssyncset.done $0x0  }
0x248: {  	s21 =	simm.s32 $0x1500;
	[sflag:s1] =	ssyncadd.s32 $0xFFFFCE00  }
0x249: {  	[spmem:s3] =	stream.indirect.scatter.add.f32 [tilespmem:s28], [sflag:$0x2], $0x80, s21, s25, $0xb8;
	[tilespmem:$0x1FC00] =	vst v63  }
0x24a: {  	_ =	swait.ge [sflag:s29], $0x3200  }
0x24b: {  	[sflag:s29] =	ssyncset.done $0x0  }
0x24c: {  	s24 =	simm.s32 $0x600;
	[sflag:s29] =	ssyncadd.s32 $0xFFFFCE00  }
0x24d: {  	[tilespmem:s22], [sflag:$0x1] =	stream.indirect.gather [hbm4b:s0+s25], $0x80, s24, s25, $0xb8;
	[tilespmem:$0x1FC00] =	vst v63  }
0x24e: {  	_ =	swait.ge [sflag:s7], $0x3200  }
0x24f: {  	[sflag:s7] =	ssyncset.done $0x0  }
0x250: {  	s26 =	simm.s32 $0x1580;
	[sflag:s7] =	ssyncadd.s32 $0xFFFFCE00  }
0x251: {  	[spmem:s3] =	stream.indirect.scatter.add.f32 [tilespmem:s31], [sflag:$0x3], $0x80, s26, s25, $0xb8;
	[tilespmem:$0x1FC00] =	vst v63  }
0x252: {  	_ =	swait.ge [sflag:s1], $0x3200  }
0x253: {  	[sflag:s1] =	ssyncset.done $0x0  }
0x254: {  	s30 =	simm.s32 $0x680;
	[sflag:s1] =	ssyncadd.s32 $0xFFFFCE00  }
0x255: {  	[tilespmem:s28], [sflag:$0x2] =	stream.indirect.gather [hbm4b:s0+s25], $0x80, s30, s25, $0xb8;
	[tilespmem:$0x1FC00] =	vst v63  }
0x256: {  	_ =	swait.ge [sflag:s29], $0x3200  }
0x257: {  	[sflag:s29] =	ssyncset.done $0x0  }
0x258: {  	s17 =	simm.s32 $0x1600;
	[sflag:s29] =	ssyncadd.s32 $0xFFFFCE00  }
0x259: {  	[spmem:s3] =	stream.indirect.scatter.add.f32 [tilespmem:s22], [sflag:$0x1], $0x80, s17, s25, $0xb8;
	[tilespmem:$0x1FC00] =	vst v63  }
0x25a: {  	_ =	swait.ge [sflag:s7], $0x3200  }
0x25b: {  	[sflag:s7] =	ssyncset.done $0x0  }
0x25c: {  	s17 =	simm.s32 $0x700;
	[sflag:s7] =	ssyncadd.s32 $0xFFFFCE00  }
0x25d: {  	[tilespmem:s31], [sflag:$0x3] =	stream.indirect.gather [hbm4b:s0+s25], $0x80, s17, s25, $0xb8;
	[tilespmem:$0x1FC00] =	vst v63  }
0x25e: {  	_ =	swait.ge [sflag:s1], $0x3200  }
0x25f: {  	[sflag:s1] =	ssyncset.done $0x0  }
0x260: {  	s17 =	simm.s32 $0x1680;
	[sflag:s1] =	ssyncadd.s32 $0xFFFFCE00  }
0x261: {  	[spmem:s3] =	stream.indirect.scatter.add.f32 [tilespmem:s28], [sflag:$0x2], $0x80, s17, s25, $0xb8;
	[tilespmem:$0x1FC00] =	vst v63  }
0x262: {  	_ =	swait.ge [sflag:s29], $0x3200  }
0x263: {  	[sflag:s29] =	ssyncset.done $0x0  }
0x264: {  	s17 =	simm.s32 $0x780;
	[sflag:s29] =	ssyncadd.s32 $0xFFFFCE00  }
0x265: {  	[tilespmem:s22], [sflag:$0x1] =	stream.indirect.gather [hbm4b:s0+s25], $0x80, s17, s25, $0xb8;
	[tilespmem:$0x1FC00] =	vst v63  }
0x266: {  	_ =	swait.ge [sflag:s7], $0x3200  }
0x267: {  	[sflag:s7] =	ssyncset.done $0x0  }
0x268: {  	s17 =	simm.s32 $0x1700;
	[sflag:s7] =	ssyncadd.s32 $0xFFFFCE00  }
0x269: {  	[spmem:s3] =	stream.indirect.scatter.add.f32 [tilespmem:s31], [sflag:$0x3], $0x80, s17, s25, $0xb8;
	[tilespmem:$0x1FC00] =	vst v63  }
0x26a: {  	_ =	swait.ge [sflag:s1], $0x3200  }
0x26b: {  	[sflag:s1] =	ssyncset.done $0x0  }
0x26c: {  	s17 =	simm.s32 $0x800;
	[sflag:s1] =	ssyncadd.s32 $0xFFFFCE00  }
0x26d: {  	[tilespmem:s28], [sflag:$0x2] =	stream.indirect.gather [hbm4b:s0+s25], $0x80, s17, s25, $0xb8;
	[tilespmem:$0x1FC00] =	vst v63  }
0x26e: {  	_ =	swait.ge [sflag:s29], $0x3200  }
0x26f: {  	[sflag:s29] =	ssyncset.done $0x0  }
0x270: {  	s17 =	simm.s32 $0x1780;
	[sflag:s29] =	ssyncadd.s32 $0xFFFFCE00  }
0x271: {  	[spmem:s3] =	stream.indirect.scatter.add.f32 [tilespmem:s22], [sflag:$0x1], $0x80, s17, s25, $0xb8;
	[tilespmem:$0x1FC00] =	vst v63  }
0x272: {  	_ =	swait.ge [sflag:s7], $0x3200  }
0x273: {  	[sflag:s7] =	ssyncset.done $0x0  }
0x274: {  	s17 =	simm.s32 $0x880;
	[sflag:s7] =	ssyncadd.s32 $0xFFFFCE00  }
0x275: {  	[tilespmem:s31], [sflag:$0x3] =	stream.indirect.gather [hbm4b:s0+s25], $0x80, s17, s25, $0xb8;
	[tilespmem:$0x1FC00] =	vst v63  }
0x276: {  	_ =	swait.ge [sflag:s1], $0x3200  }
0x277: {  	[sflag:s1] =	ssyncset.done $0x0  }
0x278: {  	s17 =	simm.s32 $0x1800;
	[sflag:s1] =	ssyncadd.s32 $0xFFFFCE00  }
0x279: {  	[spmem:s3] =	stream.indirect.scatter.add.f32 [tilespmem:s28], [sflag:$0x2], $0x80, s17, s25, $0xb8;
	[tilespmem:$0x1FC00] =	vst v63  }
0x27a: {  	_ =	swait.ge [sflag:s29], $0x3200  }
0x27b: {  	[sflag:s29] =	ssyncset.done $0x0  }
0x27c: {  	s17 =	simm.s32 $0x900;
	[sflag:s29] =	ssyncadd.s32 $0xFFFFCE00  }
0x27d: {  	[tilespmem:s22], [sflag:$0x1] =	stream.indirect.gather [hbm4b:s0+s25], $0x80, s17, s25, $0xb8;
	[tilespmem:$0x1FC00] =	vst v63  }
0x27e: {  	_ =	swait.ge [sflag:s7], $0x3200  }
0x27f: {  	[sflag:s7] =	ssyncset.done $0x0  }
0x280: {  	s17 =	simm.s32 $0x1880;
	[sflag:s7] =	ssyncadd.s32 $0xFFFFCE00  }
0x281: {  	[spmem:s3] =	stream.indirect.scatter.add.f32 [tilespmem:s31], [sflag:$0x3], $0x80, s17, s25, $0xb8;
	[tilespmem:$0x1FC00] =	vst v63  }
0x282: {  	_ =	swait.ge [sflag:s1], $0x3200  }
0x283: {  	[sflag:s1] =	ssyncset.done $0x0  }
0x284: {  	s17 =	simm.s32 $0x980;
	[sflag:s1] =	ssyncadd.s32 $0xFFFFCE00  }
0x285: {  	[tilespmem:s28], [sflag:$0x2] =	stream.indirect.gather [hbm4b:s0+s25], $0x80, s17, s25, $0xb8;
	[tilespmem:$0x1FC00] =	vst v63  }
0x286: {  	_ =	swait.ge [sflag:s29], $0x3200  }
0x287: {  	[sflag:s29] =	ssyncset.done $0x0  }
0x288: {  	s17 =	simm.s32 $0x1900;
	[sflag:s29] =	ssyncadd.s32 $0xFFFFCE00  }
0x289: {  	[spmem:s3] =	stream.indirect.scatter.add.f32 [tilespmem:s22], [sflag:$0x1], $0x80, s17, s25, $0xb8;
	[tilespmem:$0x1FC00] =	vst v63  }
0x28a: {  	_ =	swait.ge [sflag:s7], $0x3200  }
0x28b: {  	[sflag:s7] =	ssyncset.done $0x0  }
0x28c: {  	s17 =	simm.s32 $0xA00;
	[sflag:s7] =	ssyncadd.s32 $0xFFFFCE00  }
0x28d: {  	[tilespmem:s31], [sflag:$0x3] =	stream.indirect.gather [hbm4b:s0+s25], $0x80, s17, s25, $0xb8;
	[tilespmem:$0x1FC00] =	vst v63  }
0x28e: {  	_ =	swait.ge [sflag:s1], $0x3200  }
0x28f: {  	[sflag:s1] =	ssyncset.done $0x0  }
0x290: {  	s17 =	simm.s32 $0x1980;
	[sflag:s1] =	ssyncadd.s32 $0xFFFFCE00  }
0x291: {  	[spmem:s3] =	stream.indirect.scatter.add.f32 [tilespmem:s28], [sflag:$0x2], $0x80, s17, s25, $0xb8;
	[tilespmem:$0x1FC00] =	vst v63  }
0x292: {  	_ =	swait.ge [sflag:s29], $0x3200  }
0x293: {  	[sflag:s29] =	ssyncset.done $0x0  }
0x294: {  	s17 =	simm.s32 $0xA80;
	[sflag:s29] =	ssyncadd.s32 $0xFFFFCE00  }
0x295: {  	[tilespmem:s22], [sflag:$0x1] =	stream.indirect.gather [hbm4b:s0+s25], $0x80, s17, s25, $0xb8;
	[tilespmem:$0x1FC00] =	vst v63  }
0x296: {  	_ =	swait.ge [sflag:s7], $0x3200  }
0x297: {  	[sflag:s7] =	ssyncset.done $0x0  }
0x298: {  	s17 =	simm.s32 $0x1A00;
	[sflag:s7] =	ssyncadd.s32 $0xFFFFCE00  }
0x299: {  	[spmem:s3] =	stream.indirect.scatter.add.f32 [tilespmem:s31], [sflag:$0x3], $0x80, s17, s25, $0xb8;
	[tilespmem:$0x1FC00] =	vst v63  }
0x29a: {  	_ =	swait.ge [sflag:s1], $0x3200  }
0x29b: {  	[sflag:s1] =	ssyncset.done $0x0  }
0x29c: {  	s17 =	simm.s32 $0xB00;
	[sflag:s1] =	ssyncadd.s32 $0xFFFFCE00  }
0x29d: {  	[tilespmem:s28], [sflag:$0x2] =	stream.indirect.gather [hbm4b:s0+s25], $0x80, s17, s25, $0xb8;
	[tilespmem:$0x1FC00] =	vst v63  }
0x29e: {  	_ =	swait.ge [sflag:s29], $0x3200  }
0x29f: {  	[sflag:s29] =	ssyncset.done $0x0  }
0x2a0: {  	s17 =	simm.s32 $0x1A80;
	[sflag:s29] =	ssyncadd.s32 $0xFFFFCE00  }
0x2a1: {  	[spmem:s3] =	stream.indirect.scatter.add.f32 [tilespmem:s22], [sflag:$0x1], $0x80, s17, s25, $0xb8;
	[tilespmem:$0x1FC00] =	vst v63  }
0x2a2: {  	_ =	swait.ge [sflag:s7], $0x3200  }
0x2a3: {  	[sflag:s7] =	ssyncset.done $0x0  }
0x2a4: {  	s17 =	simm.s32 $0xB80;
	[sflag:s7] =	ssyncadd.s32 $0xFFFFCE00  }
0x2a5: {  	[tilespmem:s31], [sflag:$0x3] =	stream.indirect.gather [hbm4b:s0+s25], $0x80, s17, s25, $0xb8;
	[tilespmem:$0x1FC00] =	vst v63  }
0x2a6: {  	_ =	swait.ge [sflag:s1], $0x3200  }
0x2a7: {  	[sflag:s1] =	ssyncset.done $0x0  }
0x2a8: {  	s17 =	simm.s32 $0x1B00;
	[sflag:s1] =	ssyncadd.s32 $0xFFFFCE00  }
0x2a9: {  	[spmem:s3] =	stream.indirect.scatter.add.f32 [tilespmem:s28], [sflag:$0x2], $0x80, s17, s25, $0xb8;
	[tilespmem:$0x1FC00] =	vst v63  }
0x2aa: {  	_ =	swait.ge [sflag:s29], $0x3200  }
0x2ab: {  	[sflag:s29] =	ssyncset.done $0x0  }
0x2ac: {  	s17 =	simm.s32 $0xC00;
	[sflag:s29] =	ssyncadd.s32 $0xFFFFCE00  }
0x2ad: {  	[tilespmem:s22], [sflag:$0x1] =	stream.indirect.gather [hbm4b:s0+s25], $0x80, s17, s25, $0xb8;
	[tilespmem:$0x1FC00] =	vst v63  }
0x2ae: {  	_ =	swait.ge [sflag:s7], $0x3200  }
0x2af: {  	[sflag:s7] =	ssyncset.done $0x0  }
0x2b0: {  	s17 =	simm.s32 $0x1B80;
	[sflag:s7] =	ssyncadd.s32 $0xFFFFCE00  }
0x2b1: {  	[spmem:s3] =	stream.indirect.scatter.add.f32 [tilespmem:s31], [sflag:$0x3], $0x80, s17, s25, $0xb8;
	[tilespmem:$0x1FC00] =	vst v63  }
0x2b2: {  	_ =	swait.ge [sflag:s29], $0x3200  }
0x2b3: {  	[sflag:s29] =	ssyncset.done $0x0  }
0x2b4: {  	s17 =	simm.s32 $0x1C00;
	[sflag:s29] =	ssyncadd.s32 $0xFFFFCE00  }
0x2b5: {  	[spmem:s3] =	stream.indirect.scatter.add.f32 [tilespmem:s22], [sflag:$0x1], $0x80, s17, s25, $0xb8;
	[tilespmem:$0x1FC00] =	vst v63  }
0x2b6: {  	_ =	swait.ge [sflag:s1], $0x3200  }
0x2b7: {  	[sflag:s1] =	ssyncset.done $0x0  }
0x2b8: {  	[sflag:s1] =	ssyncadd.s32 $0xFFFFCE00  }
0x2b9: {  	_ =	swait.ge [sflag:s7], $0x3200  }
0x2ba: {  	[sflag:s7] =	ssyncset.done $0x0  }
0x2bb: {  	[sflag:s7] =	ssyncadd.s32 $0xFFFFCE00  }
0x2bc: {  	_ =	swait.ge [sflag:s29], $0x3200  }
0x2bd: {  	[sflag:s29] =	ssyncset.done $0x0  }
0x2be: {  	s17 =	rddreg [dreg:$0x11];
	[sflag:s29] =	ssyncadd.s32 $0xFFFFCE00  }
0x2bf: {  	[tilespmem:s15], [sflag:$0x4] =	stream.linear.gather [hbm4b:s17+s15], $0xC80, $0x38;
	[tilespmem:$0x1FC00] =	vst v63  }
0x2c0: {  	_ =	swait.ge [sflag:s23], $0xC80  }
0x2c1: {  	[sflag:s23] =	ssyncset.done $0x0  }
0x2c2: {  	s17 =	rddreg [dreg:$0x12];
	[sflag:s23] =	ssyncadd.s32 $0xFFFFF380  }
0x2c3: {  	[tilespmem:s4], [sflag:$0x4] =	stream.linear.gather [hbm4b:s17+s15], $0xC80, $0x38;
	[tilespmem:$0x1FC00] =	vst v63  }
0x2c4: {  	_ =	swait.ge [sflag:s23], $0xC80  }
0x2c5: {  	[sflag:s23] =	ssyncset.done $0x0  }
0x2c6: {  	[sflag:s23] =	ssyncadd.s32 $0xFFFFF380  }
0x2c7: {  	[tilespmem:s22], [sflag:$0x1] =	stream.indirect.gather [hbm4b:s0+s25], $0x80, s15, s25, $0xb8;
	[tilespmem:$0x1FC00] =	vst v63  }
0x2c8: {  	s17 =	simm.s32 $0x80  }
0x2c9: {  	[tilespmem:s28], [sflag:$0x2] =	stream.indirect.gather [hbm4b:s0+s25], $0x80, s17, s25, $0xb8;
	[tilespmem:$0x1FC00] =	vst v63  }
0x2ca: {  	_ =	swait.ge [sflag:s29], $0x3200  }
0x2cb: {  	[sflag:s29] =	ssyncset.done $0x0  }
0x2cc: {  	[sflag:s29] =	ssyncadd.s32 $0xFFFFCE00  }
0x2cd: {  	[spmem:s3] =	stream.indirect.scatter.add.f32 [tilespmem:s22], [sflag:$0x1], $0x80, s4, s25, $0xb8;
	[tilespmem:$0x1FC00] =	vst v63  }
0x2ce: {  	s17 =	simm.s32 $0x100  }
0x2cf: {  	[tilespmem:s31], [sflag:$0x3] =	stream.indirect.gather [hbm4b:s0+s25], $0x80, s17, s25, $0xb8;
	[tilespmem:$0x1FC00] =	vst v63  }
0x2d0: {  	_ =	swait.ge [sflag:s1], $0x3200  }
0x2d1: {  	[sflag:s1] =	ssyncset.done $0x0  }
0x2d2: {  	s17 =	simm.s32 $0x1080;
	[sflag:s1] =	ssyncadd.s32 $0xFFFFCE00  }
0x2d3: {  	[spmem:s3] =	stream.indirect.scatter.add.f32 [tilespmem:s28], [sflag:$0x2], $0x80, s17, s25, $0xb8;
	[tilespmem:$0x1FC00] =	vst v63  }
0x2d4: {  	_ =	swait.ge [sflag:s29], $0x3200  }
0x2d5: {  	[sflag:s29] =	ssyncset.done $0x0  }
0x2d6: {  	s17 =	simm.s32 $0x180;
	[sflag:s29] =	ssyncadd.s32 $0xFFFFCE00  }
0x2d7: {  	[tilespmem:s22], [sflag:$0x1] =	stream.indirect.gather [hbm4b:s0+s25], $0x80, s17, s25, $0xb8;
	[tilespmem:$0x1FC00] =	vst v63  }
0x2d8: {  	_ =	swait.ge [sflag:s7], $0x3200  }
0x2d9: {  	[sflag:s7] =	ssyncset.done $0x0  }
0x2da: {  	s17 =	simm.s32 $0x1100;
	[sflag:s7] =	ssyncadd.s32 $0xFFFFCE00  }
0x2db: {  	[spmem:s3] =	stream.indirect.scatter.add.f32 [tilespmem:s31], [sflag:$0x3], $0x80, s17, s25, $0xb8;
	[tilespmem:$0x1FC00] =	vst v63  }
0x2dc: {  	_ =	swait.ge [sflag:s1], $0x3200  }
0x2dd: {  	[sflag:s1] =	ssyncset.done $0x0  }
0x2de: {  	s17 =	simm.s32 $0x200;
	[sflag:s1] =	ssyncadd.s32 $0xFFFFCE00  }
0x2df: {  	[tilespmem:s28], [sflag:$0x2] =	stream.indirect.gather [hbm4b:s0+s25], $0x80, s17, s25, $0xb8;
	[tilespmem:$0x1FC00] =	vst v63  }
0x2e0: {  	_ =	swait.ge [sflag:s29], $0x3200  }
0x2e1: {  	[sflag:s29] =	ssyncset.done $0x0  }
0x2e2: {  	s2 =	simm.s32 $0x1180;
	[sflag:s29] =	ssyncadd.s32 $0xFFFFCE00  }
0x2e3: {  	[spmem:s3] =	stream.indirect.scatter.add.f32 [tilespmem:s22], [sflag:$0x1], $0x80, s2, s25, $0xb8;
	[tilespmem:$0x1FC00] =	vst v63  }
0x2e4: {  	_ =	swait.ge [sflag:s7], $0x3200  }
0x2e5: {  	[sflag:s7] =	ssyncset.done $0x0  }
0x2e6: {  	s5 =	simm.s32 $0x280;
	[sflag:s7] =	ssyncadd.s32 $0xFFFFCE00  }
0x2e7: {  	[tilespmem:s31], [sflag:$0x3] =	stream.indirect.gather [hbm4b:s0+s25], $0x80, s5, s25, $0xb8;
	[tilespmem:$0x1FC00] =	vst v63  }
0x2e8: {  	_ =	swait.ge [sflag:s1], $0x3200  }
0x2e9: {  	[sflag:s1] =	ssyncset.done $0x0  }
0x2ea: {  	s6 =	simm.s32 $0x1200;
	[sflag:s1] =	ssyncadd.s32 $0xFFFFCE00  }
0x2eb: {  	[spmem:s3] =	stream.indirect.scatter.add.f32 [tilespmem:s28], [sflag:$0x2], $0x80, s6, s25, $0xb8;
	[tilespmem:$0x1FC00] =	vst v63  }
0x2ec: {  	_ =	swait.ge [sflag:s29], $0x3200  }
0x2ed: {  	[sflag:s29] =	ssyncset.done $0x0  }
0x2ee: {  	s8 =	simm.s32 $0x300;
	[sflag:s29] =	ssyncadd.s32 $0xFFFFCE00  }
0x2ef: {  	[tilespmem:s22], [sflag:$0x1] =	stream.indirect.gather [hbm4b:s0+s25], $0x80, s8, s25, $0xb8;
	[tilespmem:$0x1FC00] =	vst v63  }
0x2f0: {  	_ =	swait.ge [sflag:s7], $0x3200  }
0x2f1: {  	[sflag:s7] =	ssyncset.done $0x0  }
0x2f2: {  	s9 =	simm.s32 $0x1280;
	[sflag:s7] =	ssyncadd.s32 $0xFFFFCE00  }
0x2f3: {  	[spmem:s3] =	stream.indirect.scatter.add.f32 [tilespmem:s31], [sflag:$0x3], $0x80, s9, s25, $0xb8;
	[tilespmem:$0x1FC00] =	vst v63  }
0x2f4: {  	_ =	swait.ge [sflag:s1], $0x3200  }
0x2f5: {  	[sflag:s1] =	ssyncset.done $0x0  }
0x2f6: {  	s10 =	simm.s32 $0x380;
	[sflag:s1] =	ssyncadd.s32 $0xFFFFCE00  }
0x2f7: {  	[tilespmem:s28], [sflag:$0x2] =	stream.indirect.gather [hbm4b:s0+s25], $0x80, s10, s25, $0xb8;
	[tilespmem:$0x1FC00] =	vst v63  }
0x2f8: {  	_ =	swait.ge [sflag:s29], $0x3200  }
0x2f9: {  	[sflag:s29] =	ssyncset.done $0x0  }
0x2fa: {  	s11 =	simm.s32 $0x1300;
	[sflag:s29] =	ssyncadd.s32 $0xFFFFCE00  }
0x2fb: {  	[spmem:s3] =	stream.indirect.scatter.add.f32 [tilespmem:s22], [sflag:$0x1], $0x80, s11, s25, $0xb8;
	[tilespmem:$0x1FC00] =	vst v63  }
0x2fc: {  	_ =	swait.ge [sflag:s7], $0x3200  }
0x2fd: {  	[sflag:s7] =	ssyncset.done $0x0  }
0x2fe: {  	s12 =	simm.s32 $0x400;
	[sflag:s7] =	ssyncadd.s32 $0xFFFFCE00  }
0x2ff: {  	[tilespmem:s31], [sflag:$0x3] =	stream.indirect.gather [hbm4b:s0+s25], $0x80, s12, s25, $0xb8;
	[tilespmem:$0x1FC00] =	vst v63  }
0x300: {  	_ =	swait.ge [sflag:s1], $0x3200  }
0x301: {  	[sflag:s1] =	ssyncset.done $0x0  }
0x302: {  	s13 =	simm.s32 $0x1380;
	[sflag:s1] =	ssyncadd.s32 $0xFFFFCE00  }
0x303: {  	[spmem:s3] =	stream.indirect.scatter.add.f32 [tilespmem:s28], [sflag:$0x2], $0x80, s13, s25, $0xb8;
	[tilespmem:$0x1FC00] =	vst v63  }
0x304: {  	_ =	swait.ge [sflag:s29], $0x3200  }
0x305: {  	[sflag:s29] =	ssyncset.done $0x0  }
0x306: {  	s14 =	simm.s32 $0x480;
	[sflag:s29] =	ssyncadd.s32 $0xFFFFCE00  }
0x307: {  	[tilespmem:s22], [sflag:$0x1] =	stream.indirect.gather [hbm4b:s0+s25], $0x80, s14, s25, $0xb8;
	[tilespmem:$0x1FC00] =	vst v63  }
0x308: {  	_ =	swait.ge [sflag:s7], $0x3200  }
0x309: {  	[sflag:s7] =	ssyncset.done $0x0  }
0x30a: {  	s11 =	simm.s32 $0x1400;
	[sflag:s7] =	ssyncadd.s32 $0xFFFFCE00  }
0x30b: {  	[spmem:s3] =	stream.indirect.scatter.add.f32 [tilespmem:s31], [sflag:$0x3], $0x80, s11, s25, $0xb8;
	[tilespmem:$0x1FC00] =	vst v63  }
0x30c: {  	_ =	swait.ge [sflag:s1], $0x3200  }
0x30d: {  	[sflag:s1] =	ssyncset.done $0x0  }
0x30e: {  	s18 =	simm.s32 $0x500;
	[sflag:s1] =	ssyncadd.s32 $0xFFFFCE00  }
0x30f: {  	[tilespmem:s28], [sflag:$0x2] =	stream.indirect.gather [hbm4b:s0+s25], $0x80, s18, s25, $0xb8;
	[tilespmem:$0x1FC00] =	vst v63  }
0x310: {  	_ =	swait.ge [sflag:s29], $0x3200  }
0x311: {  	[sflag:s29] =	ssyncset.done $0x0  }
0x312: {  	s19 =	simm.s32 $0x1480;
	[sflag:s29] =	ssyncadd.s32 $0xFFFFCE00  }
0x313: {  	[spmem:s3] =	stream.indirect.scatter.add.f32 [tilespmem:s22], [sflag:$0x1], $0x80, s19, s25, $0xb8;
	[tilespmem:$0x1FC00] =	vst v63  }
0x314: {  	_ =	swait.ge [sflag:s7], $0x3200  }
0x315: {  	[sflag:s7] =	ssyncset.done $0x0  }
0x316: {  	s20 =	simm.s32 $0x580;
	[sflag:s7] =	ssyncadd.s32 $0xFFFFCE00  }
0x317: {  	[tilespmem:s31], [sflag:$0x3] =	stream.indirect.gather [hbm4b:s0+s25], $0x80, s20, s25, $0xb8;
	[tilespmem:$0x1FC00] =	vst v63  }
0x318: {  	_ =	swait.ge [sflag:s1], $0x3200  }
0x319: {  	[sflag:s1] =	ssyncset.done $0x0  }
0x31a: {  	s21 =	simm.s32 $0x1500;
	[sflag:s1] =	ssyncadd.s32 $0xFFFFCE00  }
0x31b: {  	[spmem:s3] =	stream.indirect.scatter.add.f32 [tilespmem:s28], [sflag:$0x2], $0x80, s21, s25, $0xb8;
	[tilespmem:$0x1FC00] =	vst v63  }
0x31c: {  	_ =	swait.ge [sflag:s29], $0x3200  }
0x31d: {  	[sflag:s29] =	ssyncset.done $0x0  }
0x31e: {  	s24 =	simm.s32 $0x600;
	[sflag:s29] =	ssyncadd.s32 $0xFFFFCE00  }
0x31f: {  	[tilespmem:s22], [sflag:$0x1] =	stream.indirect.gather [hbm4b:s0+s25], $0x80, s24, s25, $0xb8;
	[tilespmem:$0x1FC00] =	vst v63  }
0x320: {  	_ =	swait.ge [sflag:s7], $0x3200  }
0x321: {  	[sflag:s7] =	ssyncset.done $0x0  }
0x322: {  	s26 =	simm.s32 $0x1580;
	[sflag:s7] =	ssyncadd.s32 $0xFFFFCE00  }
0x323: {  	[spmem:s3] =	stream.indirect.scatter.add.f32 [tilespmem:s31], [sflag:$0x3], $0x80, s26, s25, $0xb8;
	[tilespmem:$0x1FC00] =	vst v63  }
0x324: {  	_ =	swait.ge [sflag:s1], $0x3200  }
0x325: {  	[sflag:s1] =	ssyncset.done $0x0  }
0x326: {  	s30 =	simm.s32 $0x680;
	[sflag:s1] =	ssyncadd.s32 $0xFFFFCE00  }
0x327: {  	[tilespmem:s28], [sflag:$0x2] =	stream.indirect.gather [hbm4b:s0+s25], $0x80, s30, s25, $0xb8;
	[tilespmem:$0x1FC00] =	vst v63  }
0x328: {  	_ =	swait.ge [sflag:s29], $0x3200  }
0x329: {  	[sflag:s29] =	ssyncset.done $0x0  }
0x32a: {  	s12 =	simm.s32 $0x1600;
	[sflag:s29] =	ssyncadd.s32 $0xFFFFCE00  }
0x32b: {  	[spmem:s3] =	stream.indirect.scatter.add.f32 [tilespmem:s22], [sflag:$0x1], $0x80, s12, s25, $0xb8;
	[tilespmem:$0x1FC00] =	vst v63  }
0x32c: {  	_ =	swait.ge [sflag:s7], $0x3200  }
0x32d: {  	[sflag:s7] =	ssyncset.done $0x0  }
0x32e: {  	s13 =	simm.s32 $0x700;
	[sflag:s7] =	ssyncadd.s32 $0xFFFFCE00  }
0x32f: {  	[tilespmem:s31], [sflag:$0x3] =	stream.indirect.gather [hbm4b:s0+s25], $0x80, s13, s25, $0xb8;
	[tilespmem:$0x1FC00] =	vst v63  }
0x330: {  	_ =	swait.ge [sflag:s1], $0x3200  }
0x331: {  	[sflag:s1] =	ssyncset.done $0x0  }
0x332: {  	s14 =	simm.s32 $0x1680;
	[sflag:s1] =	ssyncadd.s32 $0xFFFFCE00  }
0x333: {  	[spmem:s3] =	stream.indirect.scatter.add.f32 [tilespmem:s28], [sflag:$0x2], $0x80, s14, s25, $0xb8;
	[tilespmem:$0x1FC00] =	vst v63  }
0x334: {  	_ =	swait.ge [sflag:s29], $0x3200  }
0x335: {  	[sflag:s29] =	ssyncset.done $0x0  }
0x336: {  	s17 =	simm.s32 $0x780;
	[sflag:s29] =	ssyncadd.s32 $0xFFFFCE00  }
0x337: {  	[tilespmem:s22], [sflag:$0x1] =	stream.indirect.gather [hbm4b:s0+s25], $0x80, s17, s25, $0xb8;
	[tilespmem:$0x1FC00] =	vst v63  }
0x338: {  	_ =	swait.ge [sflag:s7], $0x3200  }
0x339: {  	[sflag:s7] =	ssyncset.done $0x0  }
0x33a: {  	s18 =	simm.s32 $0x1700;
	[sflag:s7] =	ssyncadd.s32 $0xFFFFCE00  }
0x33b: {  	[spmem:s3] =	stream.indirect.scatter.add.f32 [tilespmem:s31], [sflag:$0x3], $0x80, s18, s25, $0xb8;
	[tilespmem:$0x1FC00] =	vst v63  }
0x33c: {  	_ =	swait.ge [sflag:s1], $0x3200  }
0x33d: {  	[sflag:s1] =	ssyncset.done $0x0  }
0x33e: {  	s19 =	simm.s32 $0x800;
	[sflag:s1] =	ssyncadd.s32 $0xFFFFCE00  }
0x33f: {  	[tilespmem:s28], [sflag:$0x2] =	stream.indirect.gather [hbm4b:s0+s25], $0x80, s19, s25, $0xb8;
	[tilespmem:$0x1FC00] =	vst v63  }
0x340: {  	_ =	swait.ge [sflag:s29], $0x3200  }
0x341: {  	[sflag:s29] =	ssyncset.done $0x0  }
0x342: {  	s20 =	simm.s32 $0x1780;
	[sflag:s29] =	ssyncadd.s32 $0xFFFFCE00  }
0x343: {  	[spmem:s3] =	stream.indirect.scatter.add.f32 [tilespmem:s22], [sflag:$0x1], $0x80, s20, s25, $0xb8;
	[tilespmem:$0x1FC00] =	vst v63  }
0x344: {  	_ =	swait.ge [sflag:s7], $0x3200  }
0x345: {  	[sflag:s7] =	ssyncset.done $0x0  }
0x346: {  	s21 =	simm.s32 $0x880;
	[sflag:s7] =	ssyncadd.s32 $0xFFFFCE00  }
0x347: {  	[tilespmem:s31], [sflag:$0x3] =	stream.indirect.gather [hbm4b:s0+s25], $0x80, s21, s25, $0xb8;
	[tilespmem:$0x1FC00] =	vst v63  }
0x348: {  	_ =	swait.ge [sflag:s1], $0x3200  }
0x349: {  	[sflag:s1] =	ssyncset.done $0x0  }
0x34a: {  	s24 =	simm.s32 $0x1800;
	[sflag:s1] =	ssyncadd.s32 $0xFFFFCE00  }
0x34b: {  	[spmem:s3] =	stream.indirect.scatter.add.f32 [tilespmem:s28], [sflag:$0x2], $0x80, s24, s25, $0xb8;
	[tilespmem:$0x1FC00] =	vst v63  }
0x34c: {  	_ =	swait.ge [sflag:s29], $0x3200  }
0x34d: {  	[sflag:s29] =	ssyncset.done $0x0  }
0x34e: {  	s26 =	simm.s32 $0x900;
	[sflag:s29] =	ssyncadd.s32 $0xFFFFCE00  }
0x34f: {  	[tilespmem:s22], [sflag:$0x1] =	stream.indirect.gather [hbm4b:s0+s25], $0x80, s26, s25, $0xb8;
	[tilespmem:$0x1FC00] =	vst v63  }
0x350: {  	_ =	swait.ge [sflag:s7], $0x3200  }
0x351: {  	[sflag:s7] =	ssyncset.done $0x0  }
0x352: {  	s30 =	simm.s32 $0x1880;
	[sflag:s7] =	ssyncadd.s32 $0xFFFFCE00  }
0x353: {  	[spmem:s3] =	stream.indirect.scatter.add.f32 [tilespmem:s31], [sflag:$0x3], $0x80, s30, s25, $0xb8;
	[tilespmem:$0x1FC00] =	vst v63  }
0x354: {  	_ =	swait.ge [sflag:s1], $0x3200  }
0x355: {  	[sflag:s1] =	ssyncset.done $0x0  }
0x356: {  	s4 =	simm.s32 $0x980;
	[sflag:s1] =	ssyncadd.s32 $0xFFFFCE00  }
0x357: {  	[tilespmem:s28], [sflag:$0x2] =	stream.indirect.gather [hbm4b:s0+s25], $0x80, s4, s25, $0xb8;
	[tilespmem:$0x1FC00] =	vst v63  }
0x358: {  	_ =	swait.ge [sflag:s29], $0x3200  }
0x359: {  	[sflag:s29] =	ssyncset.done $0x0  }
0x35a: {  	s5 =	simm.s32 $0x1900;
	[sflag:s29] =	ssyncadd.s32 $0xFFFFCE00  }
0x35b: {  	[spmem:s3] =	stream.indirect.scatter.add.f32 [tilespmem:s22], [sflag:$0x1], $0x80, s5, s25, $0xb8;
	[tilespmem:$0x1FC00] =	vst v63  }
0x35c: {  	_ =	swait.ge [sflag:s7], $0x3200  }
0x35d: {  	[sflag:s7] =	ssyncset.done $0x0  }
0x35e: {  	s6 =	simm.s32 $0xA00;
	[sflag:s7] =	ssyncadd.s32 $0xFFFFCE00  }
0x35f: {  	[tilespmem:s31], [sflag:$0x3] =	stream.indirect.gather [hbm4b:s0+s25], $0x80, s6, s25, $0xb8;
	[tilespmem:$0x1FC00] =	vst v63  }
0x360: {  	_ =	swait.ge [sflag:s1], $0x3200  }
0x361: {  	[sflag:s1] =	ssyncset.done $0x0  }
0x362: {  	s8 =	simm.s32 $0x1980;
	[sflag:s1] =	ssyncadd.s32 $0xFFFFCE00  }
0x363: {  	[spmem:s3] =	stream.indirect.scatter.add.f32 [tilespmem:s28], [sflag:$0x2], $0x80, s8, s25, $0xb8;
	[tilespmem:$0x1FC00] =	vst v63  }
0x364: {  	_ =	swait.ge [sflag:s29], $0x3200  }
0x365: {  	[sflag:s29] =	ssyncset.done $0x0  }
0x366: {  	s9 =	simm.s32 $0xA80;
	[sflag:s29] =	ssyncadd.s32 $0xFFFFCE00  }
0x367: {  	[tilespmem:s22], [sflag:$0x1] =	stream.indirect.gather [hbm4b:s0+s25], $0x80, s9, s25, $0xb8;
	[tilespmem:$0x1FC00] =	vst v63  }
0x368: {  	_ =	swait.ge [sflag:s7], $0x3200  }
0x369: {  	[sflag:s7] =	ssyncset.done $0x0  }
0x36a: {  	s10 =	simm.s32 $0x1A00;
	[sflag:s7] =	ssyncadd.s32 $0xFFFFCE00  }
0x36b: {  	[spmem:s3] =	stream.indirect.scatter.add.f32 [tilespmem:s31], [sflag:$0x3], $0x80, s10, s25, $0xb8;
	[tilespmem:$0x1FC00] =	vst v63  }
0x36c: {  	_ =	swait.ge [sflag:s1], $0x3200  }
0x36d: {  	[sflag:s1] =	ssyncset.done $0x0  }
0x36e: {  	s11 =	simm.s32 $0xB00;
	[sflag:s1] =	ssyncadd.s32 $0xFFFFCE00  }
0x36f: {  	[tilespmem:s28], [sflag:$0x2] =	stream.indirect.gather [hbm4b:s0+s25], $0x80, s11, s25, $0xb8;
	[tilespmem:$0x1FC00] =	vst v63  }
0x370: {  	_ =	swait.ge [sflag:s29], $0x3200  }
0x371: {  	[sflag:s29] =	ssyncset.done $0x0  }
0x372: {  	s12 =	simm.s32 $0x1A80;
	[sflag:s29] =	ssyncadd.s32 $0xFFFFCE00  }
0x373: {  	[spmem:s3] =	stream.indirect.scatter.add.f32 [tilespmem:s22], [sflag:$0x1], $0x80, s12, s25, $0xb8;
	[tilespmem:$0x1FC00] =	vst v63  }
0x374: {  	_ =	swait.ge [sflag:s7], $0x3200  }
0x375: {  	[sflag:s7] =	ssyncset.done $0x0  }
0x376: {  	s13 =	simm.s32 $0xB80;
	[sflag:s7] =	ssyncadd.s32 $0xFFFFCE00  }
0x377: {  	[tilespmem:s31], [sflag:$0x3] =	stream.indirect.gather [hbm4b:s0+s25], $0x80, s13, s25, $0xb8;
	[tilespmem:$0x1FC00] =	vst v63  }
0x378: {  	_ =	swait.ge [sflag:s1], $0x3200  }
0x379: {  	[sflag:s1] =	ssyncset.done $0x0  }
0x37a: {  	s14 =	simm.s32 $0x1B00;
	[sflag:s1] =	ssyncadd.s32 $0xFFFFCE00  }
0x37b: {  	[spmem:s3] =	stream.indirect.scatter.add.f32 [tilespmem:s28], [sflag:$0x2], $0x80, s14, s25, $0xb8;
	[tilespmem:$0x1FC00] =	vst v63  }
0x37c: {  	_ =	swait.ge [sflag:s29], $0x3200  }
0x37d: {  	[sflag:s29] =	ssyncset.done $0x0  }
0x37e: {  	s17 =	simm.s32 $0xC00;
	[sflag:s29] =	ssyncadd.s32 $0xFFFFCE00  }
0x37f: {  	[tilespmem:s22], [sflag:$0x1] =	stream.indirect.gather [hbm4b:s0+s25], $0x80, s17, s25, $0xb8;
	[tilespmem:$0x1FC00] =	vst v63  }
0x380: {  	_ =	swait.ge [sflag:s7], $0x3200  }
0x381: {  	[sflag:s7] =	ssyncset.done $0x0  }
0x382: {  	s18 =	simm.s32 $0x1B80;
	[sflag:s7] =	ssyncadd.s32 $0xFFFFCE00  }
0x383: {  	[spmem:s3] =	stream.indirect.scatter.add.f32 [tilespmem:s31], [sflag:$0x3], $0x80, s18, s25, $0xb8;
	[tilespmem:$0x1FC00] =	vst v63  }
0x384: {  	_ =	swait.ge [sflag:s29], $0x3200  }
0x385: {  	[sflag:s29] =	ssyncset.done $0x0  }
0x386: {  	s19 =	simm.s32 $0x1C00;
	[sflag:s29] =	ssyncadd.s32 $0xFFFFCE00  }
0x387: {  	[spmem:s3] =	stream.indirect.scatter.add.f32 [tilespmem:s22], [sflag:$0x1], $0x80, s19, s25, $0xb8;
	[tilespmem:$0x1FC00] =	vst v63  }
0x388: {  	_ =	swait.ge [sflag:s1], $0x3200  }
0x389: {  	[sflag:s1] =	ssyncset.done $0x0  }
0x38a: {  	[sflag:s1] =	ssyncadd.s32 $0xFFFFCE00  }
0x38b: {  	_ =	swait.ge [sflag:s7], $0x3200  }
0x38c: {  	[sflag:s7] =	ssyncset.done $0x0  }
0x38d: {  	[sflag:s7] =	ssyncadd.s32 $0xFFFFCE00  }
0x38e: {  	_ =	swait.ge [sflag:s29], $0x3200  }
0x38f: {  	[sflag:s29] =	ssyncset.done $0x0  }
0x390: {  	[sflag:s29] =	ssyncadd.s32 $0xFFFFCE00  }
0x391: {  	s20 =	stileid.u32;
	[bflag:$0x0] =	sbarrier.arrive $0xFFFF  }
0x392: {  	s17 =	sshll.u32 s20, $0x6;
	s21 =	rddreg [dreg:$0x15]  }
0x393: {  	s17 =	sor.u32 $0x1C04, s17;
	s26 =	rddreg [dreg:$0x13];
	s24 =	sshrl.u32 s21, $0x3  }
0x394: {  	[hbm:s26], [sflag:s17] =	dma.local [spmem:s24], $0x2800  }
0x395: {  	_ =	swait.ge [sflag:s23], $0x2800  }
0x396: {  	s16 =	sadd.s32 $0x1, s16;
	s30 =	rddreg [dreg:$0x14]  }
0x397: {  	p0 =	sne.s32 s16, s30  }
.Ltmp1:
0x398: {  	_ = 	snop;
	(pc) =	sbr.rel @p0 .LBB2_1-.Ltmp1, $3  }
0x399: {  	_ =	sdelay $0x1  }
0x39a: {  	[sflag:s23] =	ssyncset.done $0x0  }
0x39b: {  	[sflag:s23] =	ssyncadd.s32 $0xFFFFD800  }
0x39c: {  	_ =	sfence.sel $0x180000  }
0x39d: {  	[bflag:$0x0] =	sbarrier.arrive $0xFFFF  }
0x39e: {  	_ =	strace $0x90000047  }
0x39f: {  	s0 =	stileid.u32;
	[bflag:$0x2] =	sbarrier.arrive $0xFFFF  }
0x3a0: {  	p0 =	sne.s32 s0, $0x0;
	s0 =	rddreg [dreg:$0x4]  }
0x3a1: {  	s0 =	sadd.s32 @!p0 $0x100000, s0  }
0x3a2: {  	[sflag:s0] =	ssyncadd.tile.s32 @!p0 $0x1;
	_ =	shalt  }
.Lfunc_end2:
_tile_overlayer_lowered:
.L_overlay_start_2:
0x3a3: {  	(tag) =	ssettag $0x2  }
0x3a4: {  	s0 =	rddreg [dreg:$0x0];
	s2 =	stileid.u32  }
0x3a5: {  	s1 =	rddreg [dreg:$0x1];
	p0 =	sne.s32 s2, $0x0  }
0x3a6: {  	s3 =	rddreg [dreg:$0x2];
	[bflag:$0x3] =	sbarrier.arrive $0xFFFF;
	s2 =	simm.s32 @!p0 $0x1C04  }
0x3a7: {  	[timem:s3], [sflag:s2] =	dma.local @!p0 [hbm:s0], s1  }
0x3a8: {  	s0 =	simm.s32 @!p0 $0x4  }
0x3a9: {  	_ =	swait.ge @!p0 [sflag:s0], s1  }
0x3aa: {  	s1 =	ssub.s32 @!p0 $0x0, s1;
	[sflag:s0] =	ssyncset.done @!p0 $0x0  }
0x3ab: {  	[sflag:s0] =	ssyncadd.s32 @!p0 s1  }
0x3ac: {  	[bflag:$0x3] =	sbarrier.arrive $0xFFFF  }
0x3ad: {  	_ =	shalt  }

</sc_bundles>
